<compile_context>
chip_gen: v7x
topology: tpu7x:2x2x1
jax: 0.10.2.dev20260603
libtpu: 0.0.44.dev20260713+nightly
codegen_flags: <defaults>
</compile_context>

<pallas_src>
import functools

import jax
import jax.numpy as jnp
from jax import lax
from jax.experimental import pallas as pl
from jax.experimental.pallas import tpu as pltpu
from jax.experimental.pallas import tpu_sc as plsc

_ID_NUM = 100000
_ID_DIM = 32
_EXP_DIM = 16
_BATCH = 16384

_NC, _NS, _L = 2, 16, 16
_NW = _NC * _NS
_B_PER_W = _BATCH // _NW
_CHUNK = 128
_NCHUNK = _B_PER_W // _CHUNK

_EXP_TILE_ROW = (800000 // 128) * 1024
_ID_PAD = 100096
_ID_TILE_ROW = (_ID_PAD // 128) * 1024
_EXP_TR = _EXP_DIM // 8
_ID_TR = _ID_DIM // 8
_OUT_TILE_ROW = (_BATCH // 128) * 1024

_EXP_ROWS = _NCHUNK * _EXP_TR * 8
_ID_ROWS = _NCHUNK * _ID_TR * 8
_EB_WORDS = _EXP_ROWS * _CHUNK
_IB_WORDS = _ID_ROWS * _CHUNK


@functools.cache
def _make_sc_call():
  mesh = plsc.VectorSubcoreMesh(core_axis_name="c", subcore_axis_name="s")

  @functools.partial(
      pl.kernel,
      mesh=mesh,
      out_type=(
          jax.ShapeDtypeStruct((_EXP_TR * _OUT_TILE_ROW,), jnp.float32),
          jax.ShapeDtypeStruct((_ID_TR * _OUT_TILE_ROW,), jnp.float32),
      ),
      scratch_types=[
          pltpu.VMEM((_NCHUNK, _CHUNK), jnp.int32),
          pltpu.VMEM((_NCHUNK, _CHUNK), jnp.int32),
          pltpu.VMEM((_B_PER_W,), jnp.int32),
          pltpu.VMEM((_B_PER_W,), jnp.int32),
          [pltpu.VMEM((_NCHUNK * _CHUNK * 8,), jnp.int32)
           for _ in range(_EXP_TR)],
          [pltpu.VMEM((_NCHUNK * _CHUNK * 8,), jnp.int32)
           for _ in range(_ID_TR)],
          pltpu.VMEM((_EB_WORDS,), jnp.float32),
          pltpu.VMEM((_IB_WORDS,), jnp.float32),
          pltpu.SemaphoreType.DMA,
          pltpu.SemaphoreType.DMA,
      ],
  )
  def sc_kernel(exp_hbm, id_hbm, exp_flat_hbm, id_flat_hbm,
                exp_out_hbm, id_out_hbm,
                eidx_v, iidx_v, ebase_v, ibase_v, eoff_v, ioff_v,
                ebuf_v, ibuf_v, sem_e, sem_i):
    wid = lax.axis_index("s") * _NC + lax.axis_index("c")

    pltpu.sync_copy(exp_hbm.at[wid], eidx_v)
    pltpu.sync_copy(id_hbm.at[wid], iidx_v)

    for q in range(_NCHUNK):
      for g in range(_CHUNK // _L):
        sl = pl.ds(g * _L, _L)
        fsl = pl.ds(q * _CHUNK + g * _L, _L)
        i_v = iidx_v[q, sl]
        ibase_v[fsl] = i_v + (i_v >> 7) * 896

    trw = _NCHUNK * _CHUNK * 8

    def make_off_body(dst_v, base_v, c0_tr):
      def body(d):
        q = d // 8
        r = d % 8
        c0 = c0_tr + r * 128
        for g in range(_CHUNK // _L):
          dst_v[pl.ds(d * _CHUNK + g * _L, _L)] = (
              base_v[pl.ds(q * _CHUNK + g * _L, _L)] + c0)
      return body

    for tr in range(_ID_TR):
      pl.loop(0, _NCHUNK * 8)(
          make_off_body(ioff_v[tr], ibase_v, tr * _ID_TILE_ROW))
      pltpu.async_copy(
          id_flat_hbm.at[ioff_v[tr]],
          ibuf_v.at[pl.ds(tr * trw, trw)], sem_i)

    for q in range(_NCHUNK):
      for g in range(_CHUNK // _L):
        sl = pl.ds(g * _L, _L)
        fsl = pl.ds(q * _CHUNK + g * _L, _L)
        f_v = eidx_v[q, sl] * _ID_NUM + iidx_v[q, sl]
        ebase_v[fsl] = f_v + (f_v >> 7) * 896

    for tr in range(_EXP_TR):
      pl.loop(0, _NCHUNK * 8)(
          make_off_body(eoff_v[tr], ebase_v, tr * _EXP_TILE_ROW))
      pltpu.async_copy(
          exp_flat_hbm.at[eoff_v[tr]],
          ebuf_v.at[pl.ds(tr * trw, trw)], sem_e)

    pltpu.make_async_copy(
        exp_out_hbm.at[pl.ds(0, _EB_WORDS)], ebuf_v, sem_e).wait()
    pltpu.make_async_copy(
        id_out_hbm.at[pl.ds(0, _IB_WORDS)], ibuf_v, sem_i).wait()

    run = _NCHUNK * _CHUNK * 8
    for tr in range(_EXP_TR):
      pltpu.sync_copy(
          ebuf_v.at[pl.ds(tr * run, run)],
          exp_out_hbm.at[pl.ds(tr * _OUT_TILE_ROW + wid * run, run)])
    for tr in range(_ID_TR):
      pltpu.sync_copy(
          ibuf_v.at[pl.ds(tr * run, run)],
          id_out_hbm.at[pl.ds(tr * _OUT_TILE_ROW + wid * run, run)])

  return sc_kernel


def kernel(exp_infor, id_infor, id_table, exp_table):
  e3 = exp_infor.astype(jnp.int32).reshape(_NW, _NCHUNK, _CHUNK)
  i3 = id_infor.astype(jnp.int32).reshape(_NW, _NCHUNK, _CHUNK)

  exp_flat = (exp_table.reshape(6250, 128, _EXP_TR, 8)
              .transpose(2, 0, 3, 1).reshape(-1))
  id_pad = jnp.pad(id_table, ((0, _ID_PAD - _ID_NUM), (0, 0)))
  id_flat = (id_pad.reshape(_ID_PAD // 128, 128, _ID_TR, 8)
             .transpose(2, 0, 3, 1).reshape(-1))

  eo_flat, io_flat = _make_sc_call()(e3, i3, exp_flat, id_flat)

  exp_code = (eo_flat.reshape(_EXP_TR, 128, 8, 128)
              .transpose(1, 3, 0, 2).reshape(_BATCH, _EXP_DIM))
  id_code = (io_flat.reshape(_ID_TR, 128, 8, 128)
             .transpose(1, 3, 0, 2).reshape(_BATCH, _ID_DIM))
  return (exp_code, id_code)

# --- scband reference (transcript-rebuilt; emitter-appended) ---
"""Pipeline reference for scband-embeddings-55198919688690 (READ-ONLY COPY).

The authoritative reference and input builder live on the scoring server;
editing this copy changes nothing except your own understanding.
"""

import jax, jax.numpy as jnp
import numpy as np

ID_NUM = 100000
EXP_NUM = 8
ID_DIM = 32
EXP_DIM = 16
BATCH = 16384
INITIAL_STD = 0.01


def setup_inputs(seed: int = 0) -> dict:
    key = jax.random.key(seed)
    k1, k2, k3, k4 = jax.random.split(key, 4)
    exp_infor = jax.random.randint(k1, (BATCH,), 0, EXP_NUM)
    id_infor = jax.random.randint(k2, (BATCH,), 0, ID_NUM)
    id_table = jax.random.normal(k3, (ID_NUM, ID_DIM), dtype=jnp.float32) * INITIAL_STD
    exp_table = jax.random.normal(k4, (ID_NUM * EXP_NUM, EXP_DIM), dtype=jnp.float32) * INITIAL_STD
    return {"exp_infor": exp_infor, "id_infor": id_infor, "id_table": id_table, "exp_table": exp_table}


def reference(exp_infor, id_infor, id_table, exp_table):
    # extend=True path: exp index combines expression index and id index
    exp_idx = exp_infor * ID_NUM + id_infor
    exp_code = jnp.take(exp_table, exp_idx, axis=0)
    id_code = jnp.take(id_table, id_infor, axis=0)
    # (valid_exp / valid_id buffer writes are bookkeeping side effects; they do
    #  not affect the forward output)
    return (exp_code, id_code)

if __name__ == "__main__":
    import jax
    _d = setup_inputs()
    print(jax.jit(kernel)(*tuple(_d.values())))

</pallas_src>

<mosaic_0001>
#map = affine_map<(d0, d1) -> (0, 0, 0)>
#map1 = affine_map<(d0, d1) -> (0)>
module attributes {stable_mosaic.version = 14 : i64} {
  func.func @sc_kernel(%arg0: i32, %arg1: i32, %arg2: memref<32x4x128xi32, #tpu.memory_space<hbm>>, %arg3: memref<32x4x128xi32, #tpu.memory_space<hbm>>, %arg4: memref<12800000xf32, #tpu.memory_space<hbm>>, %arg5: memref<3203072xf32, #tpu.memory_space<hbm>>, %arg6: memref<262144xf32, #tpu.memory_space<hbm>>, %arg7: memref<524288xf32, #tpu.memory_space<hbm>>, %arg8: memref<4x128xi32, #tpu.memory_space<vmem>>, %arg9: memref<4x128xi32, #tpu.memory_space<vmem>>, %arg10: memref<512xi32, #tpu.memory_space<vmem>>, %arg11: memref<512xi32, #tpu.memory_space<vmem>>, %arg12: memref<4096xi32, #tpu.memory_space<vmem>>, %arg13: memref<4096xi32, #tpu.memory_space<vmem>>, %arg14: memref<4096xi32, #tpu.memory_space<vmem>>, %arg15: memref<4096xi32, #tpu.memory_space<vmem>>, %arg16: memref<4096xi32, #tpu.memory_space<vmem>>, %arg17: memref<4096xi32, #tpu.memory_space<vmem>>, %arg18: memref<8192xf32, #tpu.memory_space<vmem>>, %arg19: memref<16384xf32, #tpu.memory_space<vmem>>, %arg20: memref<!tpu.dma_semaphore, #tpu.memory_space<semaphore_mem>>, %arg21: memref<!tpu.dma_semaphore, #tpu.memory_space<semaphore_mem>>) attributes {dimension_semantics = [#tpu.dimension_semantics<core_parallel>, #tpu.dimension_semantics<subcore_parallel>], iteration_bounds = array<i64: 2, 16>, scalar_prefetch = 0 : i64, scratch_operands = 14 : i64, tpu.core_type = #tpu.core_type<sc_vector_subcore>, window_params = [{transform_indices = #map}, {transform_indices = #map}, {transform_indices = #map1}, {transform_indices = #map1}, {transform_indices = #map1}, {transform_indices = #map1}]} {
    %mul3A = arith.constant 2 : i32
    %mul3A_0 = arith.muli %arg1, %mul3A : i32
    %add3A = arith.addi %mul3A_0, %arg0 : i32
    "tpu.region"() ({
      %run_scoped3A = tpu.sem_alloc : memref<!tpu.dma_semaphore, #tpu.memory_space<semaphore_mem>>
      %dma_start3A_1393 = arith.constant 0 : i32
      %dma_start3A_1394 = arith.constant 0 : i32
      %dma_start3A_1395 = tpu.memref_slice %arg2[%add3A, %dma_start3A_1393, %dma_start3A_1394] : memref<32x4x128xi32, #tpu.memory_space<hbm>> -> memref<1x4x128xi32, #tpu.memory_space<hbm>>
      %dma_start3A_1396 = tpu.memref_squeeze %dma_start3A_1395 : memref<1x4x128xi32, #tpu.memory_space<hbm>> -> memref<4x128xi32, #tpu.memory_space<hbm>>
      %dma_start3A_1397 = arith.constant 0 : i32
      %dma_start3A_1398 = arith.constant 0 : i32
      %dma_start3A_1399 = tpu.memref_slice %arg2[%add3A, %dma_start3A_1397, %dma_start3A_1398] : memref<32x4x128xi32, #tpu.memory_space<hbm>> -> memref<1x4x128xi32, #tpu.memory_space<hbm>>
      %dma_start3A_1400 = tpu.memref_squeeze %dma_start3A_1399 : memref<1x4x128xi32, #tpu.memory_space<hbm>> -> memref<4x128xi32, #tpu.memory_space<hbm>>
      tpu.enqueue_dma source(%dma_start3A_1400 : memref<4x128xi32, #tpu.memory_space<hbm>>) target(%arg8 : memref<4x128xi32, #tpu.memory_space<vmem>>) target_semaphore(%run_scoped3A : memref<!tpu.dma_semaphore, #tpu.memory_space<semaphore_mem>>)
      %dma_wait3A_1401 = arith.constant 0 : i32
      %dma_wait3A_1402 = arith.constant 0 : i32
      %dma_wait3A_1403 = tpu.memref_slice %arg2[%add3A, %dma_wait3A_1401, %dma_wait3A_1402] : memref<32x4x128xi32, #tpu.memory_space<hbm>> -> memref<1x4x128xi32, #tpu.memory_space<hbm>>
      %dma_wait3A_1404 = tpu.memref_squeeze %dma_wait3A_1403 : memref<1x4x128xi32, #tpu.memory_space<hbm>> -> memref<4x128xi32, #tpu.memory_space<hbm>>
      %dma_wait3A_1405 = arith.constant 0 : i32
      %dma_wait3A_1406 = arith.constant 0 : i32
      %dma_wait3A_1407 = tpu.memref_slice %arg2[%add3A, %dma_wait3A_1405, %dma_wait3A_1406] : memref<32x4x128xi32, #tpu.memory_space<hbm>> -> memref<1x4x128xi32, #tpu.memory_space<hbm>>
      %dma_wait3A_1408 = tpu.memref_squeeze %dma_wait3A_1407 : memref<1x4x128xi32, #tpu.memory_space<hbm>> -> memref<4x128xi32, #tpu.memory_space<hbm>>
      tpu.wait_dma2 semaphore(%run_scoped3A : memref<!tpu.dma_semaphore, #tpu.memory_space<semaphore_mem>>) src(%dma_wait3A_1408 : memref<4x128xi32, #tpu.memory_space<hbm>>) dst(%arg8 : memref<4x128xi32, #tpu.memory_space<vmem>>)
      tpu.yield
    }) : () -> ()
    "tpu.region"() ({
      %run_scoped3A = tpu.sem_alloc : memref<!tpu.dma_semaphore, #tpu.memory_space<semaphore_mem>>
      %dma_start3A_1393 = arith.constant 0 : i32
      %dma_start3A_1394 = arith.constant 0 : i32
      %dma_start3A_1395 = tpu.memref_slice %arg3[%add3A, %dma_start3A_1393, %dma_start3A_1394] : memref<32x4x128xi32, #tpu.memory_space<hbm>> -> memref<1x4x128xi32, #tpu.memory_space<hbm>>
      %dma_start3A_1396 = tpu.memref_squeeze %dma_start3A_1395 : memref<1x4x128xi32, #tpu.memory_space<hbm>> -> memref<4x128xi32, #tpu.memory_space<hbm>>
      %dma_start3A_1397 = arith.constant 0 : i32
      %dma_start3A_1398 = arith.constant 0 : i32
      %dma_start3A_1399 = tpu.memref_slice %arg3[%add3A, %dma_start3A_1397, %dma_start3A_1398] : memref<32x4x128xi32, #tpu.memory_space<hbm>> -> memref<1x4x128xi32, #tpu.memory_space<hbm>>
      %dma_start3A_1400 = tpu.memref_squeeze %dma_start3A_1399 : memref<1x4x128xi32, #tpu.memory_space<hbm>> -> memref<4x128xi32, #tpu.memory_space<hbm>>
      tpu.enqueue_dma source(%dma_start3A_1400 : memref<4x128xi32, #tpu.memory_space<hbm>>) target(%arg9 : memref<4x128xi32, #tpu.memory_space<vmem>>) target_semaphore(%run_scoped3A : memref<!tpu.dma_semaphore, #tpu.memory_space<semaphore_mem>>)
      %dma_wait3A_1401 = arith.constant 0 : i32
      %dma_wait3A_1402 = arith.constant 0 : i32
      %dma_wait3A_1403 = tpu.memref_slice %arg3[%add3A, %dma_wait3A_1401, %dma_wait3A_1402] : memref<32x4x128xi32, #tpu.memory_space<hbm>> -> memref<1x4x128xi32, #tpu.memory_space<hbm>>
      %dma_wait3A_1404 = tpu.memref_squeeze %dma_wait3A_1403 : memref<1x4x128xi32, #tpu.memory_space<hbm>> -> memref<4x128xi32, #tpu.memory_space<hbm>>
      %dma_wait3A_1405 = arith.constant 0 : i32
      %dma_wait3A_1406 = arith.constant 0 : i32
      %dma_wait3A_1407 = tpu.memref_slice %arg3[%add3A, %dma_wait3A_1405, %dma_wait3A_1406] : memref<32x4x128xi32, #tpu.memory_space<hbm>> -> memref<1x4x128xi32, #tpu.memory_space<hbm>>
      %dma_wait3A_1408 = tpu.memref_squeeze %dma_wait3A_1407 : memref<1x4x128xi32, #tpu.memory_space<hbm>> -> memref<4x128xi32, #tpu.memory_space<hbm>>
      tpu.wait_dma2 semaphore(%run_scoped3A : memref<!tpu.dma_semaphore, #tpu.memory_space<semaphore_mem>>) src(%dma_wait3A_1408 : memref<4x128xi32, #tpu.memory_space<hbm>>) dst(%arg9 : memref<4x128xi32, #tpu.memory_space<vmem>>)
      tpu.yield
    }) : () -> ()
    %get3A = arith.constant 0 : i32
    %get3A_1 = arith.index_cast %get3A : i32 to index
    %get3A_2 = arith.constant 0 : index
    %get3A_3 = tpu.vector_load %arg9[%get3A_1, %get3A_2] {strides = array<i32>} : memref<4x128xi32, #tpu.memory_space<vmem>>, vector<1x16xi32>,
    %get3A_4 = vector.shape_cast %get3A_3 : vector<1x16xi32> to vector<16xi32>
    %shift_right_arithmetic3A = arith.constant 7 : i32
    %shift_right_arithmetic3A_5 = vector.broadcast %shift_right_arithmetic3A : i32 to vector<16xi32>
    %shift_right_arithmetic3A_6 = arith.shrsi %get3A_4, %shift_right_arithmetic3A_5 : vector<16xi32>
    %mul3A_7 = arith.constant 896 : i32
    %mul3A_8 = vector.broadcast %mul3A_7 : i32 to vector<16xi32>
    %mul3A_9 = arith.muli %shift_right_arithmetic3A_6, %mul3A_8 : vector<16xi32>
    %add3A_10 = arith.addi %get3A_4, %mul3A_9 : vector<16xi32>
    %swap3A = arith.constant 0 : index
    %swap3A_11 = tpu.vector_load %arg11[%swap3A] {strides = array<i32>} : memref<512xi32, #tpu.memory_space<vmem>>, vector<16xi32>,
    %swap3A_12 = vector.shape_cast %swap3A_11 : vector<16xi32> to vector<16xi32>
    %swap3A_13 = vector.shape_cast %add3A_10 : vector<16xi32> to vector<16xi32>
    tpu.vector_store %arg11[%swap3A], %swap3A_13 {strides = array<i32>} : memref<512xi32, #tpu.memory_space<vmem>>, vector<16xi32>,
    %get3A_14 = arith.constant 0 : i32
    %get3A_15 = arith.index_cast %get3A_14 : i32 to index
    %get3A_16 = arith.constant 16 : index
    %get3A_17 = tpu.vector_load %arg9[%get3A_15, %get3A_16] {strides = array<i32>} : memref<4x128xi32, #tpu.memory_space<vmem>>, vector<1x16xi32>,
    %get3A_18 = vector.shape_cast %get3A_17 : vector<1x16xi32> to vector<16xi32>
    %shift_right_arithmetic3A_19 = arith.constant 7 : i32
    %shift_right_arithmetic3A_20 = vector.broadcast %shift_right_arithmetic3A_19 : i32 to vector<16xi32>
    %shift_right_arithmetic3A_21 = arith.shrsi %get3A_18, %shift_right_arithmetic3A_20 : vector<16xi32>
    %mul3A_22 = arith.constant 896 : i32
    %mul3A_23 = vector.broadcast %mul3A_22 : i32 to vector<16xi32>
    %mul3A_24 = arith.muli %shift_right_arithmetic3A_21, %mul3A_23 : vector<16xi32>
    %add3A_25 = arith.addi %get3A_18, %mul3A_24 : vector<16xi32>
    %swap3A_26 = arith.constant 16 : index
    %swap3A_27 = tpu.vector_load %arg11[%swap3A_26] {strides = array<i32>} : memref<512xi32, #tpu.memory_space<vmem>>, vector<16xi32>,
    %swap3A_28 = vector.shape_cast %swap3A_27 : vector<16xi32> to vector<16xi32>
    %swap3A_29 = vector.shape_cast %add3A_25 : vector<16xi32> to vector<16xi32>
    tpu.vector_store %arg11[%swap3A_26], %swap3A_29 {strides = array<i32>} : memref<512xi32, #tpu.memory_space<vmem>>, vector<16xi32>,
    %get3A_30 = arith.constant 0 : i32
    %get3A_31 = arith.index_cast %get3A_30 : i32 to index
    %get3A_32 = arith.constant 32 : index
    %get3A_33 = tpu.vector_load %arg9[%get3A_31, %get3A_32] {strides = array<i32>} : memref<4x128xi32, #tpu.memory_space<vmem>>, vector<1x16xi32>,
    %get3A_34 = vector.shape_cast %get3A_33 : vector<1x16xi32> to vector<16xi32>
    %shift_right_arithmetic3A_35 = arith.constant 7 : i32
    %shift_right_arithmetic3A_36 = vector.broadcast %shift_right_arithmetic3A_35 : i32 to vector<16xi32>
    %shift_right_arithmetic3A_37 = arith.shrsi %get3A_34, %shift_right_arithmetic3A_36 : vector<16xi32>
    %mul3A_38 = arith.constant 896 : i32
    %mul3A_39 = vector.broadcast %mul3A_38 : i32 to vector<16xi32>
    %mul3A_40 = arith.muli %shift_right_arithmetic3A_37, %mul3A_39 : vector<16xi32>
    %add3A_41 = arith.addi %get3A_34, %mul3A_40 : vector<16xi32>
    %swap3A_42 = arith.constant 32 : index
    %swap3A_43 = tpu.vector_load %arg11[%swap3A_42] {strides = array<i32>} : memref<512xi32, #tpu.memory_space<vmem>>, vector<16xi32>,
    %swap3A_44 = vector.shape_cast %swap3A_43 : vector<16xi32> to vector<16xi32>
    %swap3A_45 = vector.shape_cast %add3A_41 : vector<16xi32> to vector<16xi32>
    tpu.vector_store %arg11[%swap3A_42], %swap3A_45 {strides = array<i32>} : memref<512xi32, #tpu.memory_space<vmem>>, vector<16xi32>,
    %get3A_46 = arith.constant 0 : i32
    %get3A_47 = arith.index_cast %get3A_46 : i32 to index
    %get3A_48 = arith.constant 48 : index
    %get3A_49 = tpu.vector_load %arg9[%get3A_47, %get3A_48] {strides = array<i32>} : memref<4x128xi32, #tpu.memory_space<vmem>>, vector<1x16xi32>,
    %get3A_50 = vector.shape_cast %get3A_49 : vector<1x16xi32> to vector<16xi32>
    %shift_right_arithmetic3A_51 = arith.constant 7 : i32
    %shift_right_arithmetic3A_52 = vector.broadcast %shift_right_arithmetic3A_51 : i32 to vector<16xi32>
    %shift_right_arithmetic3A_53 = arith.shrsi %get3A_50, %shift_right_arithmetic3A_52 : vector<16xi32>
    %mul3A_54 = arith.constant 896 : i32
    %mul3A_55 = vector.broadcast %mul3A_54 : i32 to vector<16xi32>
    %mul3A_56 = arith.muli %shift_right_arithmetic3A_53, %mul3A_55 : vector<16xi32>
    %add3A_57 = arith.addi %get3A_50, %mul3A_56 : vector<16xi32>
    %swap3A_58 = arith.constant 48 : index
    %swap3A_59 = tpu.vector_load %arg11[%swap3A_58] {strides = array<i32>} : memref<512xi32, #tpu.memory_space<vmem>>, vector<16xi32>,
    %swap3A_60 = vector.shape_cast %swap3A_59 : vector<16xi32> to vector<16xi32>
    %swap3A_61 = vector.shape_cast %add3A_57 : vector<16xi32> to vector<16xi32>
    tpu.vector_store %arg11[%swap3A_58], %swap3A_61 {strides = array<i32>} : memref<512xi32, #tpu.memory_space<vmem>>, vector<16xi32>,
    %get3A_62 = arith.constant 0 : i32
    %get3A_63 = arith.index_cast %get3A_62 : i32 to index
    %get3A_64 = arith.constant 64 : index
    %get3A_65 = tpu.vector_load %arg9[%get3A_63, %get3A_64] {strides = array<i32>} : memref<4x128xi32, #tpu.memory_space<vmem>>, vector<1x16xi32>,
    %get3A_66 = vector.shape_cast %get3A_65 : vector<1x16xi32> to vector<16xi32>
    %shift_right_arithmetic3A_67 = arith.constant 7 : i32
    %shift_right_arithmetic3A_68 = vector.broadcast %shift_right_arithmetic3A_67 : i32 to vector<16xi32>
    %shift_right_arithmetic3A_69 = arith.shrsi %get3A_66, %shift_right_arithmetic3A_68 : vector<16xi32>
    %mul3A_70 = arith.constant 896 : i32
    %mul3A_71 = vector.broadcast %mul3A_70 : i32 to vector<16xi32>
    %mul3A_72 = arith.muli %shift_right_arithmetic3A_69, %mul3A_71 : vector<16xi32>
    %add3A_73 = arith.addi %get3A_66, %mul3A_72 : vector<16xi32>
    %swap3A_74 = arith.constant 64 : index
    %swap3A_75 = tpu.vector_load %arg11[%swap3A_74] {strides = array<i32>} : memref<512xi32, #tpu.memory_space<vmem>>, vector<16xi32>,
    %swap3A_76 = vector.shape_cast %swap3A_75 : vector<16xi32> to vector<16xi32>
    %swap3A_77 = vector.shape_cast %add3A_73 : vector<16xi32> to vector<16xi32>
    tpu.vector_store %arg11[%swap3A_74], %swap3A_77 {strides = array<i32>} : memref<512xi32, #tpu.memory_space<vmem>>, vector<16xi32>,
    %get3A_78 = arith.constant 0 : i32
    %get3A_79 = arith.index_cast %get3A_78 : i32 to index
    %get3A_80 = arith.constant 80 : index
    %get3A_81 = tpu.vector_load %arg9[%get3A_79, %get3A_80] {strides = array<i32>} : memref<4x128xi32, #tpu.memory_space<vmem>>, vector<1x16xi32>,
    %get3A_82 = vector.shape_cast %get3A_81 : vector<1x16xi32> to vector<16xi32>
    %shift_right_arithmetic3A_83 = arith.constant 7 : i32
    %shift_right_arithmetic3A_84 = vector.broadcast %shift_right_arithmetic3A_83 : i32 to vector<16xi32>
    %shift_right_arithmetic3A_85 = arith.shrsi %get3A_82, %shift_right_arithmetic3A_84 : vector<16xi32>
    %mul3A_86 = arith.constant 896 : i32
    %mul3A_87 = vector.broadcast %mul3A_86 : i32 to vector<16xi32>
    %mul3A_88 = arith.muli %shift_right_arithmetic3A_85, %mul3A_87 : vector<16xi32>
    %add3A_89 = arith.addi %get3A_82, %mul3A_88 : vector<16xi32>
    %swap3A_90 = arith.constant 80 : index
    %swap3A_91 = tpu.vector_load %arg11[%swap3A_90] {strides = array<i32>} : memref<512xi32, #tpu.memory_space<vmem>>, vector<16xi32>,
    %swap3A_92 = vector.shape_cast %swap3A_91 : vector<16xi32> to vector<16xi32>
    %swap3A_93 = vector.shape_cast %add3A_89 : vector<16xi32> to vector<16xi32>
    tpu.vector_store %arg11[%swap3A_90], %swap3A_93 {strides = array<i32>} : memref<512xi32, #tpu.memory_space<vmem>>, vector<16xi32>,
    %get3A_94 = arith.constant 0 : i32
    %get3A_95 = arith.index_cast %get3A_94 : i32 to index
    %get3A_96 = arith.constant 96 : index
    %get3A_97 = tpu.vector_load %arg9[%get3A_95, %get3A_96] {strides = array<i32>} : memref<4x128xi32, #tpu.memory_space<vmem>>, vector<1x16xi32>,
    %get3A_98 = vector.shape_cast %get3A_97 : vector<1x16xi32> to vector<16xi32>
    %shift_right_arithmetic3A_99 = arith.constant 7 : i32
    %shift_right_arithmetic3A_100 = vector.broadcast %shift_right_arithmetic3A_99 : i32 to vector<16xi32>
    %shift_right_arithmetic3A_101 = arith.shrsi %get3A_98, %shift_right_arithmetic3A_100 : vector<16xi32>
    %mul3A_102 = arith.constant 896 : i32
    %mul3A_103 = vector.broadcast %mul3A_102 : i32 to vector<16xi32>
    %mul3A_104 = arith.muli %shift_right_arithmetic3A_101, %mul3A_103 : vector<16xi32>
    %add3A_105 = arith.addi %get3A_98, %mul3A_104 : vector<16xi32>
    %swap3A_106 = arith.constant 96 : index
    %swap3A_107 = tpu.vector_load %arg11[%swap3A_106] {strides = array<i32>} : memref<512xi32, #tpu.memory_space<vmem>>, vector<16xi32>,
    %swap3A_108 = vector.shape_cast %swap3A_107 : vector<16xi32> to vector<16xi32>
    %swap3A_109 = vector.shape_cast %add3A_105 : vector<16xi32> to vector<16xi32>
    tpu.vector_store %arg11[%swap3A_106], %swap3A_109 {strides = array<i32>} : memref<512xi32, #tpu.memory_space<vmem>>, vector<16xi32>,
    %get3A_110 = arith.constant 0 : i32
    %get3A_111 = arith.index_cast %get3A_110 : i32 to index
    %get3A_112 = arith.constant 112 : index
    %get3A_113 = tpu.vector_load %arg9[%get3A_111, %get3A_112] {strides = array<i32>} : memref<4x128xi32, #tpu.memory_space<vmem>>, vector<1x16xi32>,
    %get3A_114 = vector.shape_cast %get3A_113 : vector<1x16xi32> to vector<16xi32>
    %shift_right_arithmetic3A_115 = arith.constant 7 : i32
    %shift_right_arithmetic3A_116 = vector.broadcast %shift_right_arithmetic3A_115 : i32 to vector<16xi32>
    %shift_right_arithmetic3A_117 = arith.shrsi %get3A_114, %shift_right_arithmetic3A_116 : vector<16xi32>
    %mul3A_118 = arith.constant 896 : i32
    %mul3A_119 = vector.broadcast %mul3A_118 : i32 to vector<16xi32>
    %mul3A_120 = arith.muli %shift_right_arithmetic3A_117, %mul3A_119 : vector<16xi32>
    %add3A_121 = arith.addi %get3A_114, %mul3A_120 : vector<16xi32>
    %swap3A_122 = arith.constant 112 : index
    %swap3A_123 = tpu.vector_load %arg11[%swap3A_122] {strides = array<i32>} : memref<512xi32, #tpu.memory_space<vmem>>, vector<16xi32>,
    %swap3A_124 = vector.shape_cast %swap3A_123 : vector<16xi32> to vector<16xi32>
    %swap3A_125 = vector.shape_cast %add3A_121 : vector<16xi32> to vector<16xi32>
    tpu.vector_store %arg11[%swap3A_122], %swap3A_125 {strides = array<i32>} : memref<512xi32, #tpu.memory_space<vmem>>, vector<16xi32>,
    %get3A_126 = arith.constant 1 : i32
    %get3A_127 = arith.index_cast %get3A_126 : i32 to index
    %get3A_128 = arith.constant 0 : index
    %get3A_129 = tpu.vector_load %arg9[%get3A_127, %get3A_128] {strides = array<i32>} : memref<4x128xi32, #tpu.memory_space<vmem>>, vector<1x16xi32>,
    %get3A_130 = vector.shape_cast %get3A_129 : vector<1x16xi32> to vector<16xi32>
    %shift_right_arithmetic3A_131 = arith.constant 7 : i32
    %shift_right_arithmetic3A_132 = vector.broadcast %shift_right_arithmetic3A_131 : i32 to vector<16xi32>
    %shift_right_arithmetic3A_133 = arith.shrsi %get3A_130, %shift_right_arithmetic3A_132 : vector<16xi32>
    %mul3A_134 = arith.constant 896 : i32
    %mul3A_135 = vector.broadcast %mul3A_134 : i32 to vector<16xi32>
    %mul3A_136 = arith.muli %shift_right_arithmetic3A_133, %mul3A_135 : vector<16xi32>
    %add3A_137 = arith.addi %get3A_130, %mul3A_136 : vector<16xi32>
    %swap3A_138 = arith.constant 128 : index
    %swap3A_139 = tpu.vector_load %arg11[%swap3A_138] {strides = array<i32>} : memref<512xi32, #tpu.memory_space<vmem>>, vector<16xi32>,
    %swap3A_140 = vector.shape_cast %swap3A_139 : vector<16xi32> to vector<16xi32>
    %swap3A_141 = vector.shape_cast %add3A_137 : vector<16xi32> to vector<16xi32>
    tpu.vector_store %arg11[%swap3A_138], %swap3A_141 {strides = array<i32>} : memref<512xi32, #tpu.memory_space<vmem>>, vector<16xi32>,
    %get3A_142 = arith.constant 1 : i32
    %get3A_143 = arith.index_cast %get3A_142 : i32 to index
    %get3A_144 = arith.constant 16 : index
    %get3A_145 = tpu.vector_load %arg9[%get3A_143, %get3A_144] {strides = array<i32>} : memref<4x128xi32, #tpu.memory_space<vmem>>, vector<1x16xi32>,
    %get3A_146 = vector.shape_cast %get3A_145 : vector<1x16xi32> to vector<16xi32>
    %shift_right_arithmetic3A_147 = arith.constant 7 : i32
    %shift_right_arithmetic3A_148 = vector.broadcast %shift_right_arithmetic3A_147 : i32 to vector<16xi32>
    %shift_right_arithmetic3A_149 = arith.shrsi %get3A_146, %shift_right_arithmetic3A_148 : vector<16xi32>
    %mul3A_150 = arith.constant 896 : i32
    %mul3A_151 = vector.broadcast %mul3A_150 : i32 to vector<16xi32>
    %mul3A_152 = arith.muli %shift_right_arithmetic3A_149, %mul3A_151 : vector<16xi32>
    %add3A_153 = arith.addi %get3A_146, %mul3A_152 : vector<16xi32>
    %swap3A_154 = arith.constant 144 : index
    %swap3A_155 = tpu.vector_load %arg11[%swap3A_154] {strides = array<i32>} : memref<512xi32, #tpu.memory_space<vmem>>, vector<16xi32>,
    %swap3A_156 = vector.shape_cast %swap3A_155 : vector<16xi32> to vector<16xi32>
    %swap3A_157 = vector.shape_cast %add3A_153 : vector<16xi32> to vector<16xi32>
    tpu.vector_store %arg11[%swap3A_154], %swap3A_157 {strides = array<i32>} : memref<512xi32, #tpu.memory_space<vmem>>, vector<16xi32>,
    %get3A_158 = arith.constant 1 : i32
    %get3A_159 = arith.index_cast %get3A_158 : i32 to index
    %get3A_160 = arith.constant 32 : index
    %get3A_161 = tpu.vector_load %arg9[%get3A_159, %get3A_160] {strides = array<i32>} : memref<4x128xi32, #tpu.memory_space<vmem>>, vector<1x16xi32>,
    %get3A_162 = vector.shape_cast %get3A_161 : vector<1x16xi32> to vector<16xi32>
    %shift_right_arithmetic3A_163 = arith.constant 7 : i32
    %shift_right_arithmetic3A_164 = vector.broadcast %shift_right_arithmetic3A_163 : i32 to vector<16xi32>
    %shift_right_arithmetic3A_165 = arith.shrsi %get3A_162, %shift_right_arithmetic3A_164 : vector<16xi32>
    %mul3A_166 = arith.constant 896 : i32
    %mul3A_167 = vector.broadcast %mul3A_166 : i32 to vector<16xi32>
    %mul3A_168 = arith.muli %shift_right_arithmetic3A_165, %mul3A_167 : vector<16xi32>
    %add3A_169 = arith.addi %get3A_162, %mul3A_168 : vector<16xi32>
    %swap3A_170 = arith.constant 160 : index
    %swap3A_171 = tpu.vector_load %arg11[%swap3A_170] {strides = array<i32>} : memref<512xi32, #tpu.memory_space<vmem>>, vector<16xi32>,
    %swap3A_172 = vector.shape_cast %swap3A_171 : vector<16xi32> to vector<16xi32>
    %swap3A_173 = vector.shape_cast %add3A_169 : vector<16xi32> to vector<16xi32>
    tpu.vector_store %arg11[%swap3A_170], %swap3A_173 {strides = array<i32>} : memref<512xi32, #tpu.memory_space<vmem>>, vector<16xi32>,
    %get3A_174 = arith.constant 1 : i32
    %get3A_175 = arith.index_cast %get3A_174 : i32 to index
    %get3A_176 = arith.constant 48 : index
    %get3A_177 = tpu.vector_load %arg9[%get3A_175, %get3A_176] {strides = array<i32>} : memref<4x128xi32, #tpu.memory_space<vmem>>, vector<1x16xi32>,
    %get3A_178 = vector.shape_cast %get3A_177 : vector<1x16xi32> to vector<16xi32>
    %shift_right_arithmetic3A_179 = arith.constant 7 : i32
    %shift_right_arithmetic3A_180 = vector.broadcast %shift_right_arithmetic3A_179 : i32 to vector<16xi32>
    %shift_right_arithmetic3A_181 = arith.shrsi %get3A_178, %shift_right_arithmetic3A_180 : vector<16xi32>
    %mul3A_182 = arith.constant 896 : i32
    %mul3A_183 = vector.broadcast %mul3A_182 : i32 to vector<16xi32>
    %mul3A_184 = arith.muli %shift_right_arithmetic3A_181, %mul3A_183 : vector<16xi32>
    %add3A_185 = arith.addi %get3A_178, %mul3A_184 : vector<16xi32>
    %swap3A_186 = arith.constant 176 : index
    %swap3A_187 = tpu.vector_load %arg11[%swap3A_186] {strides = array<i32>} : memref<512xi32, #tpu.memory_space<vmem>>, vector<16xi32>,
    %swap3A_188 = vector.shape_cast %swap3A_187 : vector<16xi32> to vector<16xi32>
    %swap3A_189 = vector.shape_cast %add3A_185 : vector<16xi32> to vector<16xi32>
    tpu.vector_store %arg11[%swap3A_186], %swap3A_189 {strides = array<i32>} : memref<512xi32, #tpu.memory_space<vmem>>, vector<16xi32>,
    %get3A_190 = arith.constant 1 : i32
    %get3A_191 = arith.index_cast %get3A_190 : i32 to index
    %get3A_192 = arith.constant 64 : index
    %get3A_193 = tpu.vector_load %arg9[%get3A_191, %get3A_192] {strides = array<i32>} : memref<4x128xi32, #tpu.memory_space<vmem>>, vector<1x16xi32>,
    %get3A_194 = vector.shape_cast %get3A_193 : vector<1x16xi32> to vector<16xi32>
    %shift_right_arithmetic3A_195 = arith.constant 7 : i32
    %shift_right_arithmetic3A_196 = vector.broadcast %shift_right_arithmetic3A_195 : i32 to vector<16xi32>
    %shift_right_arithmetic3A_197 = arith.shrsi %get3A_194, %shift_right_arithmetic3A_196 : vector<16xi32>
    %mul3A_198 = arith.constant 896 : i32
    %mul3A_199 = vector.broadcast %mul3A_198 : i32 to vector<16xi32>
    %mul3A_200 = arith.muli %shift_right_arithmetic3A_197, %mul3A_199 : vector<16xi32>
    %add3A_201 = arith.addi %get3A_194, %mul3A_200 : vector<16xi32>
    %swap3A_202 = arith.constant 192 : index
    %swap3A_203 = tpu.vector_load %arg11[%swap3A_202] {strides = array<i32>} : memref<512xi32, #tpu.memory_space<vmem>>, vector<16xi32>,
    %swap3A_204 = vector.shape_cast %swap3A_203 : vector<16xi32> to vector<16xi32>
    %swap3A_205 = vector.shape_cast %add3A_201 : vector<16xi32> to vector<16xi32>
    tpu.vector_store %arg11[%swap3A_202], %swap3A_205 {strides = array<i32>} : memref<512xi32, #tpu.memory_space<vmem>>, vector<16xi32>,
    %get3A_206 = arith.constant 1 : i32
    %get3A_207 = arith.index_cast %get3A_206 : i32 to index
    %get3A_208 = arith.constant 80 : index
    %get3A_209 = tpu.vector_load %arg9[%get3A_207, %get3A_208] {strides = array<i32>} : memref<4x128xi32, #tpu.memory_space<vmem>>, vector<1x16xi32>,
    %get3A_210 = vector.shape_cast %get3A_209 : vector<1x16xi32> to vector<16xi32>
    %shift_right_arithmetic3A_211 = arith.constant 7 : i32
    %shift_right_arithmetic3A_212 = vector.broadcast %shift_right_arithmetic3A_211 : i32 to vector<16xi32>
    %shift_right_arithmetic3A_213 = arith.shrsi %get3A_210, %shift_right_arithmetic3A_212 : vector<16xi32>
    %mul3A_214 = arith.constant 896 : i32
    %mul3A_215 = vector.broadcast %mul3A_214 : i32 to vector<16xi32>
    %mul3A_216 = arith.muli %shift_right_arithmetic3A_213, %mul3A_215 : vector<16xi32>
    %add3A_217 = arith.addi %get3A_210, %mul3A_216 : vector<16xi32>
    %swap3A_218 = arith.constant 208 : index
    %swap3A_219 = tpu.vector_load %arg11[%swap3A_218] {strides = array<i32>} : memref<512xi32, #tpu.memory_space<vmem>>, vector<16xi32>,
    %swap3A_220 = vector.shape_cast %swap3A_219 : vector<16xi32> to vector<16xi32>
    %swap3A_221 = vector.shape_cast %add3A_217 : vector<16xi32> to vector<16xi32>
    tpu.vector_store %arg11[%swap3A_218], %swap3A_221 {strides = array<i32>} : memref<512xi32, #tpu.memory_space<vmem>>, vector<16xi32>,
    %get3A_222 = arith.constant 1 : i32
    %get3A_223 = arith.index_cast %get3A_222 : i32 to index
    %get3A_224 = arith.constant 96 : index
    %get3A_225 = tpu.vector_load %arg9[%get3A_223, %get3A_224] {strides = array<i32>} : memref<4x128xi32, #tpu.memory_space<vmem>>, vector<1x16xi32>,
    %get3A_226 = vector.shape_cast %get3A_225 : vector<1x16xi32> to vector<16xi32>
    %shift_right_arithmetic3A_227 = arith.constant 7 : i32
    %shift_right_arithmetic3A_228 = vector.broadcast %shift_right_arithmetic3A_227 : i32 to vector<16xi32>
    %shift_right_arithmetic3A_229 = arith.shrsi %get3A_226, %shift_right_arithmetic3A_228 : vector<16xi32>
    %mul3A_230 = arith.constant 896 : i32
    %mul3A_231 = vector.broadcast %mul3A_230 : i32 to vector<16xi32>
    %mul3A_232 = arith.muli %shift_right_arithmetic3A_229, %mul3A_231 : vector<16xi32>
    %add3A_233 = arith.addi %get3A_226, %mul3A_232 : vector<16xi32>
    %swap3A_234 = arith.constant 224 : index
    %swap3A_235 = tpu.vector_load %arg11[%swap3A_234] {strides = array<i32>} : memref<512xi32, #tpu.memory_space<vmem>>, vector<16xi32>,
    %swap3A_236 = vector.shape_cast %swap3A_235 : vector<16xi32> to vector<16xi32>
    %swap3A_237 = vector.shape_cast %add3A_233 : vector<16xi32> to vector<16xi32>
    tpu.vector_store %arg11[%swap3A_234], %swap3A_237 {strides = array<i32>} : memref<512xi32, #tpu.memory_space<vmem>>, vector<16xi32>,
    %get3A_238 = arith.constant 1 : i32
    %get3A_239 = arith.index_cast %get3A_238 : i32 to index
    %get3A_240 = arith.constant 112 : index
    %get3A_241 = tpu.vector_load %arg9[%get3A_239, %get3A_240] {strides = array<i32>} : memref<4x128xi32, #tpu.memory_space<vmem>>, vector<1x16xi32>,
    %get3A_242 = vector.shape_cast %get3A_241 : vector<1x16xi32> to vector<16xi32>
    %shift_right_arithmetic3A_243 = arith.constant 7 : i32
    %shift_right_arithmetic3A_244 = vector.broadcast %shift_right_arithmetic3A_243 : i32 to vector<16xi32>
    %shift_right_arithmetic3A_245 = arith.shrsi %get3A_242, %shift_right_arithmetic3A_244 : vector<16xi32>
    %mul3A_246 = arith.constant 896 : i32
    %mul3A_247 = vector.broadcast %mul3A_246 : i32 to vector<16xi32>
    %mul3A_248 = arith.muli %shift_right_arithmetic3A_245, %mul3A_247 : vector<16xi32>
    %add3A_249 = arith.addi %get3A_242, %mul3A_248 : vector<16xi32>
    %swap3A_250 = arith.constant 240 : index
    %swap3A_251 = tpu.vector_load %arg11[%swap3A_250] {strides = array<i32>} : memref<512xi32, #tpu.memory_space<vmem>>, vector<16xi32>,
    %swap3A_252 = vector.shape_cast %swap3A_251 : vector<16xi32> to vector<16xi32>
    %swap3A_253 = vector.shape_cast %add3A_249 : vector<16xi32> to vector<16xi32>
    tpu.vector_store %arg11[%swap3A_250], %swap3A_253 {strides = array<i32>} : memref<512xi32, #tpu.memory_space<vmem>>, vector<16xi32>,
    %get3A_254 = arith.constant 2 : i32
    %get3A_255 = arith.index_cast %get3A_254 : i32 to index
    %get3A_256 = arith.constant 0 : index
    %get3A_257 = tpu.vector_load %arg9[%get3A_255, %get3A_256] {strides = array<i32>} : memref<4x128xi32, #tpu.memory_space<vmem>>, vector<1x16xi32>,
    %get3A_258 = vector.shape_cast %get3A_257 : vector<1x16xi32> to vector<16xi32>
    %shift_right_arithmetic3A_259 = arith.constant 7 : i32
    %shift_right_arithmetic3A_260 = vector.broadcast %shift_right_arithmetic3A_259 : i32 to vector<16xi32>
    %shift_right_arithmetic3A_261 = arith.shrsi %get3A_258, %shift_right_arithmetic3A_260 : vector<16xi32>
    %mul3A_262 = arith.constant 896 : i32
    %mul3A_263 = vector.broadcast %mul3A_262 : i32 to vector<16xi32>
    %mul3A_264 = arith.muli %shift_right_arithmetic3A_261, %mul3A_263 : vector<16xi32>
    %add3A_265 = arith.addi %get3A_258, %mul3A_264 : vector<16xi32>
    %swap3A_266 = arith.constant 256 : index
    %swap3A_267 = tpu.vector_load %arg11[%swap3A_266] {strides = array<i32>} : memref<512xi32, #tpu.memory_space<vmem>>, vector<16xi32>,
    %swap3A_268 = vector.shape_cast %swap3A_267 : vector<16xi32> to vector<16xi32>
    %swap3A_269 = vector.shape_cast %add3A_265 : vector<16xi32> to vector<16xi32>
    tpu.vector_store %arg11[%swap3A_266], %swap3A_269 {strides = array<i32>} : memref<512xi32, #tpu.memory_space<vmem>>, vector<16xi32>,
    %get3A_270 = arith.constant 2 : i32
    %get3A_271 = arith.index_cast %get3A_270 : i32 to index
    %get3A_272 = arith.constant 16 : index
    %get3A_273 = tpu.vector_load %arg9[%get3A_271, %get3A_272] {strides = array<i32>} : memref<4x128xi32, #tpu.memory_space<vmem>>, vector<1x16xi32>,
    %get3A_274 = vector.shape_cast %get3A_273 : vector<1x16xi32> to vector<16xi32>
    %shift_right_arithmetic3A_275 = arith.constant 7 : i32
    %shift_right_arithmetic3A_276 = vector.broadcast %shift_right_arithmetic3A_275 : i32 to vector<16xi32>
    %shift_right_arithmetic3A_277 = arith.shrsi %get3A_274, %shift_right_arithmetic3A_276 : vector<16xi32>
    %mul3A_278 = arith.constant 896 : i32
    %mul3A_279 = vector.broadcast %mul3A_278 : i32 to vector<16xi32>
    %mul3A_280 = arith.muli %shift_right_arithmetic3A_277, %mul3A_279 : vector<16xi32>
    %add3A_281 = arith.addi %get3A_274, %mul3A_280 : vector<16xi32>
    %swap3A_282 = arith.constant 272 : index
    %swap3A_283 = tpu.vector_load %arg11[%swap3A_282] {strides = array<i32>} : memref<512xi32, #tpu.memory_space<vmem>>, vector<16xi32>,
    %swap3A_284 = vector.shape_cast %swap3A_283 : vector<16xi32> to vector<16xi32>
    %swap3A_285 = vector.shape_cast %add3A_281 : vector<16xi32> to vector<16xi32>
    tpu.vector_store %arg11[%swap3A_282], %swap3A_285 {strides = array<i32>} : memref<512xi32, #tpu.memory_space<vmem>>, vector<16xi32>,
    %get3A_286 = arith.constant 2 : i32
    %get3A_287 = arith.index_cast %get3A_286 : i32 to index
    %get3A_288 = arith.constant 32 : index
    %get3A_289 = tpu.vector_load %arg9[%get3A_287, %get3A_288] {strides = array<i32>} : memref<4x128xi32, #tpu.memory_space<vmem>>, vector<1x16xi32>,
    %get3A_290 = vector.shape_cast %get3A_289 : vector<1x16xi32> to vector<16xi32>
    %shift_right_arithmetic3A_291 = arith.constant 7 : i32
    %shift_right_arithmetic3A_292 = vector.broadcast %shift_right_arithmetic3A_291 : i32 to vector<16xi32>
    %shift_right_arithmetic3A_293 = arith.shrsi %get3A_290, %shift_right_arithmetic3A_292 : vector<16xi32>
    %mul3A_294 = arith.constant 896 : i32
    %mul3A_295 = vector.broadcast %mul3A_294 : i32 to vector<16xi32>
    %mul3A_296 = arith.muli %shift_right_arithmetic3A_293, %mul3A_295 : vector<16xi32>
    %add3A_297 = arith.addi %get3A_290, %mul3A_296 : vector<16xi32>
    %swap3A_298 = arith.constant 288 : index
    %swap3A_299 = tpu.vector_load %arg11[%swap3A_298] {strides = array<i32>} : memref<512xi32, #tpu.memory_space<vmem>>, vector<16xi32>,
    %swap3A_300 = vector.shape_cast %swap3A_299 : vector<16xi32> to vector<16xi32>
    %swap3A_301 = vector.shape_cast %add3A_297 : vector<16xi32> to vector<16xi32>
    tpu.vector_store %arg11[%swap3A_298], %swap3A_301 {strides = array<i32>} : memref<512xi32, #tpu.memory_space<vmem>>, vector<16xi32>,
    %get3A_302 = arith.constant 2 : i32
    %get3A_303 = arith.index_cast %get3A_302 : i32 to index
    %get3A_304 = arith.constant 48 : index
    %get3A_305 = tpu.vector_load %arg9[%get3A_303, %get3A_304] {strides = array<i32>} : memref<4x128xi32, #tpu.memory_space<vmem>>, vector<1x16xi32>,
    %get3A_306 = vector.shape_cast %get3A_305 : vector<1x16xi32> to vector<16xi32>
    %shift_right_arithmetic3A_307 = arith.constant 7 : i32
    %shift_right_arithmetic3A_308 = vector.broadcast %shift_right_arithmetic3A_307 : i32 to vector<16xi32>
    %shift_right_arithmetic3A_309 = arith.shrsi %get3A_306, %shift_right_arithmetic3A_308 : vector<16xi32>
    %mul3A_310 = arith.constant 896 : i32
    %mul3A_311 = vector.broadcast %mul3A_310 : i32 to vector<16xi32>
    %mul3A_312 = arith.muli %shift_right_arithmetic3A_309, %mul3A_311 : vector<16xi32>
    %add3A_313 = arith.addi %get3A_306, %mul3A_312 : vector<16xi32>
    %swap3A_314 = arith.constant 304 : index
    %swap3A_315 = tpu.vector_load %arg11[%swap3A_314] {strides = array<i32>} : memref<512xi32, #tpu.memory_space<vmem>>, vector<16xi32>,
    %swap3A_316 = vector.shape_cast %swap3A_315 : vector<16xi32> to vector<16xi32>
    %swap3A_317 = vector.shape_cast %add3A_313 : vector<16xi32> to vector<16xi32>
    tpu.vector_store %arg11[%swap3A_314], %swap3A_317 {strides = array<i32>} : memref<512xi32, #tpu.memory_space<vmem>>, vector<16xi32>,
    %get3A_318 = arith.constant 2 : i32
    %get3A_319 = arith.index_cast %get3A_318 : i32 to index
    %get3A_320 = arith.constant 64 : index
    %get3A_321 = tpu.vector_load %arg9[%get3A_319, %get3A_320] {strides = array<i32>} : memref<4x128xi32, #tpu.memory_space<vmem>>, vector<1x16xi32>,
    %get3A_322 = vector.shape_cast %get3A_321 : vector<1x16xi32> to vector<16xi32>
    %shift_right_arithmetic3A_323 = arith.constant 7 : i32
    %shift_right_arithmetic3A_324 = vector.broadcast %shift_right_arithmetic3A_323 : i32 to vector<16xi32>
    %shift_right_arithmetic3A_325 = arith.shrsi %get3A_322, %shift_right_arithmetic3A_324 : vector<16xi32>
    %mul3A_326 = arith.constant 896 : i32
    %mul3A_327 = vector.broadcast %mul3A_326 : i32 to vector<16xi32>
    %mul3A_328 = arith.muli %shift_right_arithmetic3A_325, %mul3A_327 : vector<16xi32>
    %add3A_329 = arith.addi %get3A_322, %mul3A_328 : vector<16xi32>
    %swap3A_330 = arith.constant 320 : index
    %swap3A_331 = tpu.vector_load %arg11[%swap3A_330] {strides = array<i32>} : memref<512xi32, #tpu.memory_space<vmem>>, vector<16xi32>,
    %swap3A_332 = vector.shape_cast %swap3A_331 : vector<16xi32> to vector<16xi32>
    %swap3A_333 = vector.shape_cast %add3A_329 : vector<16xi32> to vector<16xi32>
    tpu.vector_store %arg11[%swap3A_330], %swap3A_333 {strides = array<i32>} : memref<512xi32, #tpu.memory_space<vmem>>, vector<16xi32>,
    %get3A_334 = arith.constant 2 : i32
    %get3A_335 = arith.index_cast %get3A_334 : i32 to index
    %get3A_336 = arith.constant 80 : index
    %get3A_337 = tpu.vector_load %arg9[%get3A_335, %get3A_336] {strides = array<i32>} : memref<4x128xi32, #tpu.memory_space<vmem>>, vector<1x16xi32>,
    %get3A_338 = vector.shape_cast %get3A_337 : vector<1x16xi32> to vector<16xi32>
    %shift_right_arithmetic3A_339 = arith.constant 7 : i32
    %shift_right_arithmetic3A_340 = vector.broadcast %shift_right_arithmetic3A_339 : i32 to vector<16xi32>
    %shift_right_arithmetic3A_341 = arith.shrsi %get3A_338, %shift_right_arithmetic3A_340 : vector<16xi32>
    %mul3A_342 = arith.constant 896 : i32
    %mul3A_343 = vector.broadcast %mul3A_342 : i32 to vector<16xi32>
    %mul3A_344 = arith.muli %shift_right_arithmetic3A_341, %mul3A_343 : vector<16xi32>
    %add3A_345 = arith.addi %get3A_338, %mul3A_344 : vector<16xi32>
    %swap3A_346 = arith.constant 336 : index
    %swap3A_347 = tpu.vector_load %arg11[%swap3A_346] {strides = array<i32>} : memref<512xi32, #tpu.memory_space<vmem>>, vector<16xi32>,
    %swap3A_348 = vector.shape_cast %swap3A_347 : vector<16xi32> to vector<16xi32>
    %swap3A_349 = vector.shape_cast %add3A_345 : vector<16xi32> to vector<16xi32>
    tpu.vector_store %arg11[%swap3A_346], %swap3A_349 {strides = array<i32>} : memref<512xi32, #tpu.memory_space<vmem>>, vector<16xi32>,
    %get3A_350 = arith.constant 2 : i32
    %get3A_351 = arith.index_cast %get3A_350 : i32 to index
    %get3A_352 = arith.constant 96 : index
    %get3A_353 = tpu.vector_load %arg9[%get3A_351, %get3A_352] {strides = array<i32>} : memref<4x128xi32, #tpu.memory_space<vmem>>, vector<1x16xi32>,
    %get3A_354 = vector.shape_cast %get3A_353 : vector<1x16xi32> to vector<16xi32>
    %shift_right_arithmetic3A_355 = arith.constant 7 : i32
    %shift_right_arithmetic3A_356 = vector.broadcast %shift_right_arithmetic3A_355 : i32 to vector<16xi32>
    %shift_right_arithmetic3A_357 = arith.shrsi %get3A_354, %shift_right_arithmetic3A_356 : vector<16xi32>
    %mul3A_358 = arith.constant 896 : i32
    %mul3A_359 = vector.broadcast %mul3A_358 : i32 to vector<16xi32>
    %mul3A_360 = arith.muli %shift_right_arithmetic3A_357, %mul3A_359 : vector<16xi32>
    %add3A_361 = arith.addi %get3A_354, %mul3A_360 : vector<16xi32>
    %swap3A_362 = arith.constant 352 : index
    %swap3A_363 = tpu.vector_load %arg11[%swap3A_362] {strides = array<i32>} : memref<512xi32, #tpu.memory_space<vmem>>, vector<16xi32>,
    %swap3A_364 = vector.shape_cast %swap3A_363 : vector<16xi32> to vector<16xi32>
    %swap3A_365 = vector.shape_cast %add3A_361 : vector<16xi32> to vector<16xi32>
    tpu.vector_store %arg11[%swap3A_362], %swap3A_365 {strides = array<i32>} : memref<512xi32, #tpu.memory_space<vmem>>, vector<16xi32>,
    %get3A_366 = arith.constant 2 : i32
    %get3A_367 = arith.index_cast %get3A_366 : i32 to index
    %get3A_368 = arith.constant 112 : index
    %get3A_369 = tpu.vector_load %arg9[%get3A_367, %get3A_368] {strides = array<i32>} : memref<4x128xi32, #tpu.memory_space<vmem>>, vector<1x16xi32>,
    %get3A_370 = vector.shape_cast %get3A_369 : vector<1x16xi32> to vector<16xi32>
    %shift_right_arithmetic3A_371 = arith.constant 7 : i32
    %shift_right_arithmetic3A_372 = vector.broadcast %shift_right_arithmetic3A_371 : i32 to vector<16xi32>
    %shift_right_arithmetic3A_373 = arith.shrsi %get3A_370, %shift_right_arithmetic3A_372 : vector<16xi32>
    %mul3A_374 = arith.constant 896 : i32
    %mul3A_375 = vector.broadcast %mul3A_374 : i32 to vector<16xi32>
    %mul3A_376 = arith.muli %shift_right_arithmetic3A_373, %mul3A_375 : vector<16xi32>
    %add3A_377 = arith.addi %get3A_370, %mul3A_376 : vector<16xi32>
    %swap3A_378 = arith.constant 368 : index
    %swap3A_379 = tpu.vector_load %arg11[%swap3A_378] {strides = array<i32>} : memref<512xi32, #tpu.memory_space<vmem>>, vector<16xi32>,
    %swap3A_380 = vector.shape_cast %swap3A_379 : vector<16xi32> to vector<16xi32>
    %swap3A_381 = vector.shape_cast %add3A_377 : vector<16xi32> to vector<16xi32>
    tpu.vector_store %arg11[%swap3A_378], %swap3A_381 {strides = array<i32>} : memref<512xi32, #tpu.memory_space<vmem>>, vector<16xi32>,
    %get3A_382 = arith.constant 3 : i32
    %get3A_383 = arith.index_cast %get3A_382 : i32 to index
    %get3A_384 = arith.constant 0 : index
    %get3A_385 = tpu.vector_load %arg9[%get3A_383, %get3A_384] {strides = array<i32>} : memref<4x128xi32, #tpu.memory_space<vmem>>, vector<1x16xi32>,
    %get3A_386 = vector.shape_cast %get3A_385 : vector<1x16xi32> to vector<16xi32>
    %shift_right_arithmetic3A_387 = arith.constant 7 : i32
    %shift_right_arithmetic3A_388 = vector.broadcast %shift_right_arithmetic3A_387 : i32 to vector<16xi32>
    %shift_right_arithmetic3A_389 = arith.shrsi %get3A_386, %shift_right_arithmetic3A_388 : vector<16xi32>
    %mul3A_390 = arith.constant 896 : i32
    %mul3A_391 = vector.broadcast %mul3A_390 : i32 to vector<16xi32>
    %mul3A_392 = arith.muli %shift_right_arithmetic3A_389, %mul3A_391 : vector<16xi32>
    %add3A_393 = arith.addi %get3A_386, %mul3A_392 : vector<16xi32>
    %swap3A_394 = arith.constant 384 : index
    %swap3A_395 = tpu.vector_load %arg11[%swap3A_394] {strides = array<i32>} : memref<512xi32, #tpu.memory_space<vmem>>, vector<16xi32>,
    %swap3A_396 = vector.shape_cast %swap3A_395 : vector<16xi32> to vector<16xi32>
    %swap3A_397 = vector.shape_cast %add3A_393 : vector<16xi32> to vector<16xi32>
    tpu.vector_store %arg11[%swap3A_394], %swap3A_397 {strides = array<i32>} : memref<512xi32, #tpu.memory_space<vmem>>, vector<16xi32>,
    %get3A_398 = arith.constant 3 : i32
    %get3A_399 = arith.index_cast %get3A_398 : i32 to index
    %get3A_400 = arith.constant 16 : index
    %get3A_401 = tpu.vector_load %arg9[%get3A_399, %get3A_400] {strides = array<i32>} : memref<4x128xi32, #tpu.memory_space<vmem>>, vector<1x16xi32>,
    %get3A_402 = vector.shape_cast %get3A_401 : vector<1x16xi32> to vector<16xi32>
    %shift_right_arithmetic3A_403 = arith.constant 7 : i32
    %shift_right_arithmetic3A_404 = vector.broadcast %shift_right_arithmetic3A_403 : i32 to vector<16xi32>
    %shift_right_arithmetic3A_405 = arith.shrsi %get3A_402, %shift_right_arithmetic3A_404 : vector<16xi32>
    %mul3A_406 = arith.constant 896 : i32
    %mul3A_407 = vector.broadcast %mul3A_406 : i32 to vector<16xi32>
    %mul3A_408 = arith.muli %shift_right_arithmetic3A_405, %mul3A_407 : vector<16xi32>
    %add3A_409 = arith.addi %get3A_402, %mul3A_408 : vector<16xi32>
    %swap3A_410 = arith.constant 400 : index
    %swap3A_411 = tpu.vector_load %arg11[%swap3A_410] {strides = array<i32>} : memref<512xi32, #tpu.memory_space<vmem>>, vector<16xi32>,
    %swap3A_412 = vector.shape_cast %swap3A_411 : vector<16xi32> to vector<16xi32>
    %swap3A_413 = vector.shape_cast %add3A_409 : vector<16xi32> to vector<16xi32>
    tpu.vector_store %arg11[%swap3A_410], %swap3A_413 {strides = array<i32>} : memref<512xi32, #tpu.memory_space<vmem>>, vector<16xi32>,
    %get3A_414 = arith.constant 3 : i32
    %get3A_415 = arith.index_cast %get3A_414 : i32 to index
    %get3A_416 = arith.constant 32 : index
    %get3A_417 = tpu.vector_load %arg9[%get3A_415, %get3A_416] {strides = array<i32>} : memref<4x128xi32, #tpu.memory_space<vmem>>, vector<1x16xi32>,
    %get3A_418 = vector.shape_cast %get3A_417 : vector<1x16xi32> to vector<16xi32>
    %shift_right_arithmetic3A_419 = arith.constant 7 : i32
    %shift_right_arithmetic3A_420 = vector.broadcast %shift_right_arithmetic3A_419 : i32 to vector<16xi32>
    %shift_right_arithmetic3A_421 = arith.shrsi %get3A_418, %shift_right_arithmetic3A_420 : vector<16xi32>
    %mul3A_422 = arith.constant 896 : i32
    %mul3A_423 = vector.broadcast %mul3A_422 : i32 to vector<16xi32>
    %mul3A_424 = arith.muli %shift_right_arithmetic3A_421, %mul3A_423 : vector<16xi32>
    %add3A_425 = arith.addi %get3A_418, %mul3A_424 : vector<16xi32>
    %swap3A_426 = arith.constant 416 : index
    %swap3A_427 = tpu.vector_load %arg11[%swap3A_426] {strides = array<i32>} : memref<512xi32, #tpu.memory_space<vmem>>, vector<16xi32>,
    %swap3A_428 = vector.shape_cast %swap3A_427 : vector<16xi32> to vector<16xi32>
    %swap3A_429 = vector.shape_cast %add3A_425 : vector<16xi32> to vector<16xi32>
    tpu.vector_store %arg11[%swap3A_426], %swap3A_429 {strides = array<i32>} : memref<512xi32, #tpu.memory_space<vmem>>, vector<16xi32>,
    %get3A_430 = arith.constant 3 : i32
    %get3A_431 = arith.index_cast %get3A_430 : i32 to index
    %get3A_432 = arith.constant 48 : index
    %get3A_433 = tpu.vector_load %arg9[%get3A_431, %get3A_432] {strides = array<i32>} : memref<4x128xi32, #tpu.memory_space<vmem>>, vector<1x16xi32>,
    %get3A_434 = vector.shape_cast %get3A_433 : vector<1x16xi32> to vector<16xi32>
    %shift_right_arithmetic3A_435 = arith.constant 7 : i32
    %shift_right_arithmetic3A_436 = vector.broadcast %shift_right_arithmetic3A_435 : i32 to vector<16xi32>
    %shift_right_arithmetic3A_437 = arith.shrsi %get3A_434, %shift_right_arithmetic3A_436 : vector<16xi32>
    %mul3A_438 = arith.constant 896 : i32
    %mul3A_439 = vector.broadcast %mul3A_438 : i32 to vector<16xi32>
    %mul3A_440 = arith.muli %shift_right_arithmetic3A_437, %mul3A_439 : vector<16xi32>
    %add3A_441 = arith.addi %get3A_434, %mul3A_440 : vector<16xi32>
    %swap3A_442 = arith.constant 432 : index
    %swap3A_443 = tpu.vector_load %arg11[%swap3A_442] {strides = array<i32>} : memref<512xi32, #tpu.memory_space<vmem>>, vector<16xi32>,
    %swap3A_444 = vector.shape_cast %swap3A_443 : vector<16xi32> to vector<16xi32>
    %swap3A_445 = vector.shape_cast %add3A_441 : vector<16xi32> to vector<16xi32>
    tpu.vector_store %arg11[%swap3A_442], %swap3A_445 {strides = array<i32>} : memref<512xi32, #tpu.memory_space<vmem>>, vector<16xi32>,
    %get3A_446 = arith.constant 3 : i32
    %get3A_447 = arith.index_cast %get3A_446 : i32 to index
    %get3A_448 = arith.constant 64 : index
    %get3A_449 = tpu.vector_load %arg9[%get3A_447, %get3A_448] {strides = array<i32>} : memref<4x128xi32, #tpu.memory_space<vmem>>, vector<1x16xi32>,
    %get3A_450 = vector.shape_cast %get3A_449 : vector<1x16xi32> to vector<16xi32>
    %shift_right_arithmetic3A_451 = arith.constant 7 : i32
    %shift_right_arithmetic3A_452 = vector.broadcast %shift_right_arithmetic3A_451 : i32 to vector<16xi32>
    %shift_right_arithmetic3A_453 = arith.shrsi %get3A_450, %shift_right_arithmetic3A_452 : vector<16xi32>
    %mul3A_454 = arith.constant 896 : i32
    %mul3A_455 = vector.broadcast %mul3A_454 : i32 to vector<16xi32>
    %mul3A_456 = arith.muli %shift_right_arithmetic3A_453, %mul3A_455 : vector<16xi32>
    %add3A_457 = arith.addi %get3A_450, %mul3A_456 : vector<16xi32>
    %swap3A_458 = arith.constant 448 : index
    %swap3A_459 = tpu.vector_load %arg11[%swap3A_458] {strides = array<i32>} : memref<512xi32, #tpu.memory_space<vmem>>, vector<16xi32>,
    %swap3A_460 = vector.shape_cast %swap3A_459 : vector<16xi32> to vector<16xi32>
    %swap3A_461 = vector.shape_cast %add3A_457 : vector<16xi32> to vector<16xi32>
    tpu.vector_store %arg11[%swap3A_458], %swap3A_461 {strides = array<i32>} : memref<512xi32, #tpu.memory_space<vmem>>, vector<16xi32>,
    %get3A_462 = arith.constant 3 : i32
    %get3A_463 = arith.index_cast %get3A_462 : i32 to index
    %get3A_464 = arith.constant 80 : index
    %get3A_465 = tpu.vector_load %arg9[%get3A_463, %get3A_464] {strides = array<i32>} : memref<4x128xi32, #tpu.memory_space<vmem>>, vector<1x16xi32>,
    %get3A_466 = vector.shape_cast %get3A_465 : vector<1x16xi32> to vector<16xi32>
    %shift_right_arithmetic3A_467 = arith.constant 7 : i32
    %shift_right_arithmetic3A_468 = vector.broadcast %shift_right_arithmetic3A_467 : i32 to vector<16xi32>
    %shift_right_arithmetic3A_469 = arith.shrsi %get3A_466, %shift_right_arithmetic3A_468 : vector<16xi32>
    %mul3A_470 = arith.constant 896 : i32
    %mul3A_471 = vector.broadcast %mul3A_470 : i32 to vector<16xi32>
    %mul3A_472 = arith.muli %shift_right_arithmetic3A_469, %mul3A_471 : vector<16xi32>
    %add3A_473 = arith.addi %get3A_466, %mul3A_472 : vector<16xi32>
    %swap3A_474 = arith.constant 464 : index
    %swap3A_475 = tpu.vector_load %arg11[%swap3A_474] {strides = array<i32>} : memref<512xi32, #tpu.memory_space<vmem>>, vector<16xi32>,
    %swap3A_476 = vector.shape_cast %swap3A_475 : vector<16xi32> to vector<16xi32>
    %swap3A_477 = vector.shape_cast %add3A_473 : vector<16xi32> to vector<16xi32>
    tpu.vector_store %arg11[%swap3A_474], %swap3A_477 {strides = array<i32>} : memref<512xi32, #tpu.memory_space<vmem>>, vector<16xi32>,
    %get3A_478 = arith.constant 3 : i32
    %get3A_479 = arith.index_cast %get3A_478 : i32 to index
    %get3A_480 = arith.constant 96 : index
    %get3A_481 = tpu.vector_load %arg9[%get3A_479, %get3A_480] {strides = array<i32>} : memref<4x128xi32, #tpu.memory_space<vmem>>, vector<1x16xi32>,
    %get3A_482 = vector.shape_cast %get3A_481 : vector<1x16xi32> to vector<16xi32>
    %shift_right_arithmetic3A_483 = arith.constant 7 : i32
    %shift_right_arithmetic3A_484 = vector.broadcast %shift_right_arithmetic3A_483 : i32 to vector<16xi32>
    %shift_right_arithmetic3A_485 = arith.shrsi %get3A_482, %shift_right_arithmetic3A_484 : vector<16xi32>
    %mul3A_486 = arith.constant 896 : i32
    %mul3A_487 = vector.broadcast %mul3A_486 : i32 to vector<16xi32>
    %mul3A_488 = arith.muli %shift_right_arithmetic3A_485, %mul3A_487 : vector<16xi32>
    %add3A_489 = arith.addi %get3A_482, %mul3A_488 : vector<16xi32>
    %swap3A_490 = arith.constant 480 : index
    %swap3A_491 = tpu.vector_load %arg11[%swap3A_490] {strides = array<i32>} : memref<512xi32, #tpu.memory_space<vmem>>, vector<16xi32>,
    %swap3A_492 = vector.shape_cast %swap3A_491 : vector<16xi32> to vector<16xi32>
    %swap3A_493 = vector.shape_cast %add3A_489 : vector<16xi32> to vector<16xi32>
    tpu.vector_store %arg11[%swap3A_490], %swap3A_493 {strides = array<i32>} : memref<512xi32, #tpu.memory_space<vmem>>, vector<16xi32>,
    %get3A_494 = arith.constant 3 : i32
    %get3A_495 = arith.index_cast %get3A_494 : i32 to index
    %get3A_496 = arith.constant 112 : index
    %get3A_497 = tpu.vector_load %arg9[%get3A_495, %get3A_496] {strides = array<i32>} : memref<4x128xi32, #tpu.memory_space<vmem>>, vector<1x16xi32>,
    %get3A_498 = vector.shape_cast %get3A_497 : vector<1x16xi32> to vector<16xi32>
    %shift_right_arithmetic3A_499 = arith.constant 7 : i32
    %shift_right_arithmetic3A_500 = vector.broadcast %shift_right_arithmetic3A_499 : i32 to vector<16xi32>
    %shift_right_arithmetic3A_501 = arith.shrsi %get3A_498, %shift_right_arithmetic3A_500 : vector<16xi32>
    %mul3A_502 = arith.constant 896 : i32
    %mul3A_503 = vector.broadcast %mul3A_502 : i32 to vector<16xi32>
    %mul3A_504 = arith.muli %shift_right_arithmetic3A_501, %mul3A_503 : vector<16xi32>
    %add3A_505 = arith.addi %get3A_498, %mul3A_504 : vector<16xi32>
    %swap3A_506 = arith.constant 496 : index
    %swap3A_507 = tpu.vector_load %arg11[%swap3A_506] {strides = array<i32>} : memref<512xi32, #tpu.memory_space<vmem>>, vector<16xi32>,
    %swap3A_508 = vector.shape_cast %swap3A_507 : vector<16xi32> to vector<16xi32>
    %swap3A_509 = vector.shape_cast %add3A_505 : vector<16xi32> to vector<16xi32>
    tpu.vector_store %arg11[%swap3A_506], %swap3A_509 {strides = array<i32>} : memref<512xi32, #tpu.memory_space<vmem>>, vector<16xi32>,
    %scan3A = arith.constant 0 : i32
    %scan3A_510 = arith.constant 32 : i32
    %scan3A_511 = arith.addi %scan3A, %scan3A_510 : i32
    %scan3A_512 = arith.constant 1 : i32
    scf.for %scan3A_1393 = %scan3A to %scan3A_511 step %scan3A_512  : i32 {
      %mul3A_1394 = arith.constant 1 : i32
      %mul3A_1395 = arith.muli %scan3A_1393, %mul3A_1394 : i32
      %add3A_1396 = arith.constant 0 : i32
      %add3A_1397 = arith.addi %add3A_1396, %mul3A_1395 : i32
      %jit3A = arith.constant 8 : i32
      %div3A = arith.divsi %add3A_1397, %jit3A : i32
      %sign3A = arith.constant 0 : i32
      %sign3A_1398 = arith.cmpi sgt, %add3A_1397, %sign3A : i32
      %sign3A_1399 = arith.extui %sign3A_1398 : i1 to i32
      %sign3A_1400 = arith.constant 0 : i32
      %sign3A_1401 = arith.cmpi slt, %add3A_1397, %sign3A_1400 : i32
      %sign3A_1402 = arith.extui %sign3A_1401 : i1 to i32
      %sign3A_1403 = arith.subi %sign3A_1399, %sign3A_1402 : i32
      %sign3A_1404 = arith.constant 0 : i32
      %sign3A_1405 = arith.cmpi sgt, %jit3A, %sign3A_1404 : i32
      %sign3A_1406 = arith.extui %sign3A_1405 : i1 to i32
      %sign3A_1407 = arith.constant 0 : i32
      %sign3A_1408 = arith.cmpi slt, %jit3A, %sign3A_1407 : i32
      %sign3A_1409 = arith.extui %sign3A_1408 : i1 to i32
      %sign3A_1410 = arith.subi %sign3A_1406, %sign3A_1409 : i32
      %ne3A = arith.cmpi ne, %sign3A_1403, %sign3A_1410 : i32
      %rem3A = arith.remsi %add3A_1397, %jit3A : i32
      %ne3A_1411 = arith.constant 0 : i32
      %ne3A_1412 = arith.cmpi ne, %rem3A, %ne3A_1411 : i32
      %and3A = arith.andi %ne3A, %ne3A_1412 : i1
      %sub3A = arith.constant 1 : i32
      %sub3A_1413 = arith.subi %div3A, %sub3A : i32
      %select_n3A = arith.select %and3A, %sub3A_1413, %div3A : i32
      %jit3A_1414 = arith.constant 8 : i32
      %eq3A = arith.constant 0 : i32
      %eq3A_1415 = arith.cmpi eq, %jit3A_1414, %eq3A : i32
      %jit3A_1416 = arith.constant 1 : i32
      %select_n3A_1417 = arith.select %eq3A_1415, %jit3A_1416, %jit3A_1414 : i32
      %rem3A_1418 = arith.remsi %add3A_1397, %select_n3A_1417 : i32
      %ne3A_1419 = arith.constant 0 : i32
      %ne3A_1420 = arith.cmpi ne, %rem3A_1418, %ne3A_1419 : i32
      %lt3A = arith.constant 0 : i32
      %lt3A_1421 = arith.cmpi slt, %rem3A_1418, %lt3A : i32
      %lt3A_1422 = arith.constant 0 : i32
      %lt3A_1423 = arith.cmpi slt, %select_n3A_1417, %lt3A_1422 : i32
      %ne3A_1424 = arith.xori %lt3A_1421, %lt3A_1423 : i1
      %and3A_1425 = arith.andi %ne3A_1424, %ne3A_1420 : i1
      %add3A_1426 = arith.addi %rem3A_1418, %select_n3A_1417 : i32
      %select_n3A_1427 = arith.select %and3A_1425, %add3A_1426, %rem3A_1418 : i32
      %mul3A_1428 = arith.constant 128 : i32
      %mul3A_1429 = arith.muli %select_n3A_1427, %mul3A_1428 : i32
      %add3A_1430 = arith.constant 0 : i32
      %add3A_1431 = arith.addi %add3A_1430, %mul3A_1429 : i32
      %mul3A_1432 = arith.constant 128 : i32
      %mul3A_1433 = arith.muli %select_n3A, %mul3A_1432 : i32
      %add3A_1434 = arith.constant 0 : i32
      %add3A_1435 = arith.addi %mul3A_1433, %add3A_1434 : i32
      %get3A_1436 = arith.index_cast %add3A_1435 : i32 to index
      %get3A_1437 = tpu.vector_load %arg11[%get3A_1436] {strides = array<i32>} : memref<512xi32, #tpu.memory_space<vmem>>, vector<16xi32>,
      %get3A_1438 = vector.shape_cast %get3A_1437 : vector<16xi32> to vector<16xi32>
      %add3A_1439 = vector.broadcast %add3A_1431 : i32 to vector<16xi32>
      %add3A_1440 = arith.addi %get3A_1438, %add3A_1439 : vector<16xi32>
      %mul3A_1441 = arith.constant 128 : i32
      %mul3A_1442 = arith.muli %add3A_1397, %mul3A_1441 : i32
      %add3A_1443 = arith.constant 0 : i32
      %add3A_1444 = arith.addi %mul3A_1442, %add3A_1443 : i32
      %swap3A_1445 = arith.index_cast %add3A_1444 : i32 to index
      %swap3A_1446 = tpu.vector_load %arg14[%swap3A_1445] {strides = array<i32>} : memref<4096xi32, #tpu.memory_space<vmem>>, vector<16xi32>,
      %swap3A_1447 = vector.shape_cast %swap3A_1446 : vector<16xi32> to vector<16xi32>
      %swap3A_1448 = vector.shape_cast %add3A_1440 : vector<16xi32> to vector<16xi32>
      tpu.vector_store %arg14[%swap3A_1445], %swap3A_1448 {strides = array<i32>} : memref<4096xi32, #tpu.memory_space<vmem>>, vector<16xi32>,
      %mul3A_1449 = arith.constant 128 : i32
      %mul3A_1450 = arith.muli %select_n3A, %mul3A_1449 : i32
      %add3A_1451 = arith.constant 16 : i32
      %add3A_1452 = arith.addi %mul3A_1450, %add3A_1451 : i32
      %get3A_1453 = arith.index_cast %add3A_1452 : i32 to index
      %get3A_1454 = tpu.vector_load %arg11[%get3A_1453] {strides = array<i32>} : memref<512xi32, #tpu.memory_space<vmem>>, vector<16xi32>,
      %get3A_1455 = vector.shape_cast %get3A_1454 : vector<16xi32> to vector<16xi32>
      %add3A_1456 = vector.broadcast %add3A_1431 : i32 to vector<16xi32>
      %add3A_1457 = arith.addi %get3A_1455, %add3A_1456 : vector<16xi32>
      %mul3A_1458 = arith.constant 128 : i32
      %mul3A_1459 = arith.muli %add3A_1397, %mul3A_1458 : i32
      %add3A_1460 = arith.constant 16 : i32
      %add3A_1461 = arith.addi %mul3A_1459, %add3A_1460 : i32
      %swap3A_1462 = arith.index_cast %add3A_1461 : i32 to index
      %swap3A_1463 = tpu.vector_load %arg14[%swap3A_1462] {strides = array<i32>} : memref<4096xi32, #tpu.memory_space<vmem>>, vector<16xi32>,
      %swap3A_1464 = vector.shape_cast %swap3A_1463 : vector<16xi32> to vector<16xi32>
      %swap3A_1465 = vector.shape_cast %add3A_1457 : vector<16xi32> to vector<16xi32>
      tpu.vector_store %arg14[%swap3A_1462], %swap3A_1465 {strides = array<i32>} : memref<4096xi32, #tpu.memory_space<vmem>>, vector<16xi32>,
      %mul3A_1466 = arith.constant 128 : i32
      %mul3A_1467 = arith.muli %select_n3A, %mul3A_1466 : i32
      %add3A_1468 = arith.constant 32 : i32
      %add3A_1469 = arith.addi %mul3A_1467, %add3A_1468 : i32
      %get3A_1470 = arith.index_cast %add3A_1469 : i32 to index
      %get3A_1471 = tpu.vector_load %arg11[%get3A_1470] {strides = array<i32>} : memref<512xi32, #tpu.memory_space<vmem>>, vector<16xi32>,
      %get3A_1472 = vector.shape_cast %get3A_1471 : vector<16xi32> to vector<16xi32>
      %add3A_1473 = vector.broadcast %add3A_1431 : i32 to vector<16xi32>
      %add3A_1474 = arith.addi %get3A_1472, %add3A_1473 : vector<16xi32>
      %mul3A_1475 = arith.constant 128 : i32
      %mul3A_1476 = arith.muli %add3A_1397, %mul3A_1475 : i32
      %add3A_1477 = arith.constant 32 : i32
      %add3A_1478 = arith.addi %mul3A_1476, %add3A_1477 : i32
      %swap3A_1479 = arith.index_cast %add3A_1478 : i32 to index
      %swap3A_1480 = tpu.vector_load %arg14[%swap3A_1479] {strides = array<i32>} : memref<4096xi32, #tpu.memory_space<vmem>>, vector<16xi32>,
      %swap3A_1481 = vector.shape_cast %swap3A_1480 : vector<16xi32> to vector<16xi32>
      %swap3A_1482 = vector.shape_cast %add3A_1474 : vector<16xi32> to vector<16xi32>
      tpu.vector_store %arg14[%swap3A_1479], %swap3A_1482 {strides = array<i32>} : memref<4096xi32, #tpu.memory_space<vmem>>, vector<16xi32>,
      %mul3A_1483 = arith.constant 128 : i32
      %mul3A_1484 = arith.muli %select_n3A, %mul3A_1483 : i32
      %add3A_1485 = arith.constant 48 : i32
      %add3A_1486 = arith.addi %mul3A_1484, %add3A_1485 : i32
      %get3A_1487 = arith.index_cast %add3A_1486 : i32 to index
      %get3A_1488 = tpu.vector_load %arg11[%get3A_1487] {strides = array<i32>} : memref<512xi32, #tpu.memory_space<vmem>>, vector<16xi32>,
      %get3A_1489 = vector.shape_cast %get3A_1488 : vector<16xi32> to vector<16xi32>
      %add3A_1490 = vector.broadcast %add3A_1431 : i32 to vector<16xi32>
      %add3A_1491 = arith.addi %get3A_1489, %add3A_1490 : vector<16xi32>
      %mul3A_1492 = arith.constant 128 : i32
      %mul3A_1493 = arith.muli %add3A_1397, %mul3A_1492 : i32
      %add3A_1494 = arith.constant 48 : i32
      %add3A_1495 = arith.addi %mul3A_1493, %add3A_1494 : i32
      %swap3A_1496 = arith.index_cast %add3A_1495 : i32 to index
      %swap3A_1497 = tpu.vector_load %arg14[%swap3A_1496] {strides = array<i32>} : memref<4096xi32, #tpu.memory_space<vmem>>, vector<16xi32>,
      %swap3A_1498 = vector.shape_cast %swap3A_1497 : vector<16xi32> to vector<16xi32>
      %swap3A_1499 = vector.shape_cast %add3A_1491 : vector<16xi32> to vector<16xi32>
      tpu.vector_store %arg14[%swap3A_1496], %swap3A_1499 {strides = array<i32>} : memref<4096xi32, #tpu.memory_space<vmem>>, vector<16xi32>,
      %mul3A_1500 = arith.constant 128 : i32
      %mul3A_1501 = arith.muli %select_n3A, %mul3A_1500 : i32
      %add3A_1502 = arith.constant 64 : i32
      %add3A_1503 = arith.addi %mul3A_1501, %add3A_1502 : i32
      %get3A_1504 = arith.index_cast %add3A_1503 : i32 to index
      %get3A_1505 = tpu.vector_load %arg11[%get3A_1504] {strides = array<i32>} : memref<512xi32, #tpu.memory_space<vmem>>, vector<16xi32>,
      %get3A_1506 = vector.shape_cast %get3A_1505 : vector<16xi32> to vector<16xi32>
      %add3A_1507 = vector.broadcast %add3A_1431 : i32 to vector<16xi32>
      %add3A_1508 = arith.addi %get3A_1506, %add3A_1507 : vector<16xi32>
      %mul3A_1509 = arith.constant 128 : i32
      %mul3A_1510 = arith.muli %add3A_1397, %mul3A_1509 : i32
      %add3A_1511 = arith.constant 64 : i32
      %add3A_1512 = arith.addi %mul3A_1510, %add3A_1511 : i32
      %swap3A_1513 = arith.index_cast %add3A_1512 : i32 to index
      %swap3A_1514 = tpu.vector_load %arg14[%swap3A_1513] {strides = array<i32>} : memref<4096xi32, #tpu.memory_space<vmem>>, vector<16xi32>,
      %swap3A_1515 = vector.shape_cast %swap3A_1514 : vector<16xi32> to vector<16xi32>
      %swap3A_1516 = vector.shape_cast %add3A_1508 : vector<16xi32> to vector<16xi32>
      tpu.vector_store %arg14[%swap3A_1513], %swap3A_1516 {strides = array<i32>} : memref<4096xi32, #tpu.memory_space<vmem>>, vector<16xi32>,
      %mul3A_1517 = arith.constant 128 : i32
      %mul3A_1518 = arith.muli %select_n3A, %mul3A_1517 : i32
      %add3A_1519 = arith.constant 80 : i32
      %add3A_1520 = arith.addi %mul3A_1518, %add3A_1519 : i32
      %get3A_1521 = arith.index_cast %add3A_1520 : i32 to index
      %get3A_1522 = tpu.vector_load %arg11[%get3A_1521] {strides = array<i32>} : memref<512xi32, #tpu.memory_space<vmem>>, vector<16xi32>,
      %get3A_1523 = vector.shape_cast %get3A_1522 : vector<16xi32> to vector<16xi32>
      %add3A_1524 = vector.broadcast %add3A_1431 : i32 to vector<16xi32>
      %add3A_1525 = arith.addi %get3A_1523, %add3A_1524 : vector<16xi32>
      %mul3A_1526 = arith.constant 128 : i32
      %mul3A_1527 = arith.muli %add3A_1397, %mul3A_1526 : i32
      %add3A_1528 = arith.constant 80 : i32
      %add3A_1529 = arith.addi %mul3A_1527, %add3A_1528 : i32
      %swap3A_1530 = arith.index_cast %add3A_1529 : i32 to index
      %swap3A_1531 = tpu.vector_load %arg14[%swap3A_1530] {strides = array<i32>} : memref<4096xi32, #tpu.memory_space<vmem>>, vector<16xi32>,
      %swap3A_1532 = vector.shape_cast %swap3A_1531 : vector<16xi32> to vector<16xi32>
      %swap3A_1533 = vector.shape_cast %add3A_1525 : vector<16xi32> to vector<16xi32>
      tpu.vector_store %arg14[%swap3A_1530], %swap3A_1533 {strides = array<i32>} : memref<4096xi32, #tpu.memory_space<vmem>>, vector<16xi32>,
      %mul3A_1534 = arith.constant 128 : i32
      %mul3A_1535 = arith.muli %select_n3A, %mul3A_1534 : i32
      %add3A_1536 = arith.constant 96 : i32
      %add3A_1537 = arith.addi %mul3A_1535, %add3A_1536 : i32
      %get3A_1538 = arith.index_cast %add3A_1537 : i32 to index
      %get3A_1539 = tpu.vector_load %arg11[%get3A_1538] {strides = array<i32>} : memref<512xi32, #tpu.memory_space<vmem>>, vector<16xi32>,
      %get3A_1540 = vector.shape_cast %get3A_1539 : vector<16xi32> to vector<16xi32>
      %add3A_1541 = vector.broadcast %add3A_1431 : i32 to vector<16xi32>
      %add3A_1542 = arith.addi %get3A_1540, %add3A_1541 : vector<16xi32>
      %mul3A_1543 = arith.constant 128 : i32
      %mul3A_1544 = arith.muli %add3A_1397, %mul3A_1543 : i32
      %add3A_1545 = arith.constant 96 : i32
      %add3A_1546 = arith.addi %mul3A_1544, %add3A_1545 : i32
      %swap3A_1547 = arith.index_cast %add3A_1546 : i32 to index
      %swap3A_1548 = tpu.vector_load %arg14[%swap3A_1547] {strides = array<i32>} : memref<4096xi32, #tpu.memory_space<vmem>>, vector<16xi32>,
      %swap3A_1549 = vector.shape_cast %swap3A_1548 : vector<16xi32> to vector<16xi32>
      %swap3A_1550 = vector.shape_cast %add3A_1542 : vector<16xi32> to vector<16xi32>
      tpu.vector_store %arg14[%swap3A_1547], %swap3A_1550 {strides = array<i32>} : memref<4096xi32, #tpu.memory_space<vmem>>, vector<16xi32>,
      %mul3A_1551 = arith.constant 128 : i32
      %mul3A_1552 = arith.muli %select_n3A, %mul3A_1551 : i32
      %add3A_1553 = arith.constant 112 : i32
      %add3A_1554 = arith.addi %mul3A_1552, %add3A_1553 : i32
      %get3A_1555 = arith.index_cast %add3A_1554 : i32 to index
      %get3A_1556 = tpu.vector_load %arg11[%get3A_1555] {strides = array<i32>} : memref<512xi32, #tpu.memory_space<vmem>>, vector<16xi32>,
      %get3A_1557 = vector.shape_cast %get3A_1556 : vector<16xi32> to vector<16xi32>
      %add3A_1558 = vector.broadcast %add3A_1431 : i32 to vector<16xi32>
      %add3A_1559 = arith.addi %get3A_1557, %add3A_1558 : vector<16xi32>
      %mul3A_1560 = arith.constant 128 : i32
      %mul3A_1561 = arith.muli %add3A_1397, %mul3A_1560 : i32
      %add3A_1562 = arith.constant 112 : i32
      %add3A_1563 = arith.addi %mul3A_1561, %add3A_1562 : i32
      %swap3A_1564 = arith.index_cast %add3A_1563 : i32 to index
      %swap3A_1565 = tpu.vector_load %arg14[%swap3A_1564] {strides = array<i32>} : memref<4096xi32, #tpu.memory_space<vmem>>, vector<16xi32>,
      %swap3A_1566 = vector.shape_cast %swap3A_1565 : vector<16xi32> to vector<16xi32>
      %swap3A_1567 = vector.shape_cast %add3A_1559 : vector<16xi32> to vector<16xi32>
      tpu.vector_store %arg14[%swap3A_1564], %swap3A_1567 {strides = array<i32>} : memref<4096xi32, #tpu.memory_space<vmem>>, vector<16xi32>,
    }
    %scan3A_513 = arith.constant 32 : i32
    %dma_start3A = arith.constant 0 : i32
    %dma_start3A_514 = tpu.memref_slice %arg19[%dma_start3A] : memref<16384xf32, #tpu.memory_space<vmem>> -> memref<4096xf32, #tpu.memory_space<vmem>>
    %dma_start3A_515 = arith.constant 0 : i32
    %dma_start3A_516 = tpu.memref_slice %arg5[%dma_start3A_515] : memref<3203072xf32, #tpu.memory_space<hbm>> -> memref<3203072xf32, #tpu.memory_space<hbm>>
    tpu.enqueue_indirect_dma source(%dma_start3A_516 : memref<3203072xf32, #tpu.memory_space<hbm>>) target(%dma_start3A_514 : memref<4096xf32, #tpu.memory_space<vmem>>) offsets(%arg14 : memref<4096xi32, #tpu.memory_space<vmem>>) semaphore(%arg21 : memref<!tpu.dma_semaphore, #tpu.memory_space<semaphore_mem>>)
    %scan3A_517 = arith.constant 0 : i32
    %scan3A_518 = arith.constant 32 : i32
    %scan3A_519 = arith.addi %scan3A_517, %scan3A_518 : i32
    %scan3A_520 = arith.constant 1 : i32
    scf.for %scan3A_1393 = %scan3A_517 to %scan3A_519 step %scan3A_520  : i32 {
      %mul3A_1394 = arith.constant 1 : i32
      %mul3A_1395 = arith.muli %scan3A_1393, %mul3A_1394 : i32
      %add3A_1396 = arith.constant 0 : i32
      %add3A_1397 = arith.addi %add3A_1396, %mul3A_1395 : i32
      %jit3A = arith.constant 8 : i32
      %div3A = arith.divsi %add3A_1397, %jit3A : i32
      %sign3A = arith.constant 0 : i32
      %sign3A_1398 = arith.cmpi sgt, %add3A_1397, %sign3A : i32
      %sign3A_1399 = arith.extui %sign3A_1398 : i1 to i32
      %sign3A_1400 = arith.constant 0 : i32
      %sign3A_1401 = arith.cmpi slt, %add3A_1397, %sign3A_1400 : i32
      %sign3A_1402 = arith.extui %sign3A_1401 : i1 to i32
      %sign3A_1403 = arith.subi %sign3A_1399, %sign3A_1402 : i32
      %sign3A_1404 = arith.constant 0 : i32
      %sign3A_1405 = arith.cmpi sgt, %jit3A, %sign3A_1404 : i32
      %sign3A_1406 = arith.extui %sign3A_1405 : i1 to i32
      %sign3A_1407 = arith.constant 0 : i32
      %sign3A_1408 = arith.cmpi slt, %jit3A, %sign3A_1407 : i32
      %sign3A_1409 = arith.extui %sign3A_1408 : i1 to i32
      %sign3A_1410 = arith.subi %sign3A_1406, %sign3A_1409 : i32
      %ne3A = arith.cmpi ne, %sign3A_1403, %sign3A_1410 : i32
      %rem3A = arith.remsi %add3A_1397, %jit3A : i32
      %ne3A_1411 = arith.constant 0 : i32
      %ne3A_1412 = arith.cmpi ne, %rem3A, %ne3A_1411 : i32
      %and3A = arith.andi %ne3A, %ne3A_1412 : i1
      %sub3A = arith.constant 1 : i32
      %sub3A_1413 = arith.subi %div3A, %sub3A : i32
      %select_n3A = arith.select %and3A, %sub3A_1413, %div3A : i32
      %jit3A_1414 = arith.constant 8 : i32
      %eq3A = arith.constant 0 : i32
      %eq3A_1415 = arith.cmpi eq, %jit3A_1414, %eq3A : i32
      %jit3A_1416 = arith.constant 1 : i32
      %select_n3A_1417 = arith.select %eq3A_1415, %jit3A_1416, %jit3A_1414 : i32
      %rem3A_1418 = arith.remsi %add3A_1397, %select_n3A_1417 : i32
      %ne3A_1419 = arith.constant 0 : i32
      %ne3A_1420 = arith.cmpi ne, %rem3A_1418, %ne3A_1419 : i32
      %lt3A = arith.constant 0 : i32
      %lt3A_1421 = arith.cmpi slt, %rem3A_1418, %lt3A : i32
      %lt3A_1422 = arith.constant 0 : i32
      %lt3A_1423 = arith.cmpi slt, %select_n3A_1417, %lt3A_1422 : i32
      %ne3A_1424 = arith.xori %lt3A_1421, %lt3A_1423 : i1
      %and3A_1425 = arith.andi %ne3A_1424, %ne3A_1420 : i1
      %add3A_1426 = arith.addi %rem3A_1418, %select_n3A_1417 : i32
      %select_n3A_1427 = arith.select %and3A_1425, %add3A_1426, %rem3A_1418 : i32
      %mul3A_1428 = arith.constant 128 : i32
      %mul3A_1429 = arith.muli %select_n3A_1427, %mul3A_1428 : i32
      %add3A_1430 = arith.constant 800768 : i32
      %add3A_1431 = arith.addi %add3A_1430, %mul3A_1429 : i32
      %mul3A_1432 = arith.constant 128 : i32
      %mul3A_1433 = arith.muli %select_n3A, %mul3A_1432 : i32
      %add3A_1434 = arith.constant 0 : i32
      %add3A_1435 = arith.addi %mul3A_1433, %add3A_1434 : i32
      %get3A_1436 = arith.index_cast %add3A_1435 : i32 to index
      %get3A_1437 = tpu.vector_load %arg11[%get3A_1436] {strides = array<i32>} : memref<512xi32, #tpu.memory_space<vmem>>, vector<16xi32>,
      %get3A_1438 = vector.shape_cast %get3A_1437 : vector<16xi32> to vector<16xi32>
      %add3A_1439 = vector.broadcast %add3A_1431 : i32 to vector<16xi32>
      %add3A_1440 = arith.addi %get3A_1438, %add3A_1439 : vector<16xi32>
      %mul3A_1441 = arith.constant 128 : i32
      %mul3A_1442 = arith.muli %add3A_1397, %mul3A_1441 : i32
      %add3A_1443 = arith.constant 0 : i32
      %add3A_1444 = arith.addi %mul3A_1442, %add3A_1443 : i32
      %swap3A_1445 = arith.index_cast %add3A_1444 : i32 to index
      %swap3A_1446 = tpu.vector_load %arg15[%swap3A_1445] {strides = array<i32>} : memref<4096xi32, #tpu.memory_space<vmem>>, vector<16xi32>,
      %swap3A_1447 = vector.shape_cast %swap3A_1446 : vector<16xi32> to vector<16xi32>
      %swap3A_1448 = vector.shape_cast %add3A_1440 : vector<16xi32> to vector<16xi32>
      tpu.vector_store %arg15[%swap3A_1445], %swap3A_1448 {strides = array<i32>} : memref<4096xi32, #tpu.memory_space<vmem>>, vector<16xi32>,
      %mul3A_1449 = arith.constant 128 : i32
      %mul3A_1450 = arith.muli %select_n3A, %mul3A_1449 : i32
      %add3A_1451 = arith.constant 16 : i32
      %add3A_1452 = arith.addi %mul3A_1450, %add3A_1451 : i32
      %get3A_1453 = arith.index_cast %add3A_1452 : i32 to index
      %get3A_1454 = tpu.vector_load %arg11[%get3A_1453] {strides = array<i32>} : memref<512xi32, #tpu.memory_space<vmem>>, vector<16xi32>,
      %get3A_1455 = vector.shape_cast %get3A_1454 : vector<16xi32> to vector<16xi32>
      %add3A_1456 = vector.broadcast %add3A_1431 : i32 to vector<16xi32>
      %add3A_1457 = arith.addi %get3A_1455, %add3A_1456 : vector<16xi32>
      %mul3A_1458 = arith.constant 128 : i32
      %mul3A_1459 = arith.muli %add3A_1397, %mul3A_1458 : i32
      %add3A_1460 = arith.constant 16 : i32
      %add3A_1461 = arith.addi %mul3A_1459, %add3A_1460 : i32
      %swap3A_1462 = arith.index_cast %add3A_1461 : i32 to index
      %swap3A_1463 = tpu.vector_load %arg15[%swap3A_1462] {strides = array<i32>} : memref<4096xi32, #tpu.memory_space<vmem>>, vector<16xi32>,
      %swap3A_1464 = vector.shape_cast %swap3A_1463 : vector<16xi32> to vector<16xi32>
      %swap3A_1465 = vector.shape_cast %add3A_1457 : vector<16xi32> to vector<16xi32>
      tpu.vector_store %arg15[%swap3A_1462], %swap3A_1465 {strides = array<i32>} : memref<4096xi32, #tpu.memory_space<vmem>>, vector<16xi32>,
      %mul3A_1466 = arith.constant 128 : i32
      %mul3A_1467 = arith.muli %select_n3A, %mul3A_1466 : i32
      %add3A_1468 = arith.constant 32 : i32
      %add3A_1469 = arith.addi %mul3A_1467, %add3A_1468 : i32
      %get3A_1470 = arith.index_cast %add3A_1469 : i32 to index
      %get3A_1471 = tpu.vector_load %arg11[%get3A_1470] {strides = array<i32>} : memref<512xi32, #tpu.memory_space<vmem>>, vector<16xi32>,
      %get3A_1472 = vector.shape_cast %get3A_1471 : vector<16xi32> to vector<16xi32>
      %add3A_1473 = vector.broadcast %add3A_1431 : i32 to vector<16xi32>
      %add3A_1474 = arith.addi %get3A_1472, %add3A_1473 : vector<16xi32>
      %mul3A_1475 = arith.constant 128 : i32
      %mul3A_1476 = arith.muli %add3A_1397, %mul3A_1475 : i32
      %add3A_1477 = arith.constant 32 : i32
      %add3A_1478 = arith.addi %mul3A_1476, %add3A_1477 : i32
      %swap3A_1479 = arith.index_cast %add3A_1478 : i32 to index
      %swap3A_1480 = tpu.vector_load %arg15[%swap3A_1479] {strides = array<i32>} : memref<4096xi32, #tpu.memory_space<vmem>>, vector<16xi32>,
      %swap3A_1481 = vector.shape_cast %swap3A_1480 : vector<16xi32> to vector<16xi32>
      %swap3A_1482 = vector.shape_cast %add3A_1474 : vector<16xi32> to vector<16xi32>
      tpu.vector_store %arg15[%swap3A_1479], %swap3A_1482 {strides = array<i32>} : memref<4096xi32, #tpu.memory_space<vmem>>, vector<16xi32>,
      %mul3A_1483 = arith.constant 128 : i32
      %mul3A_1484 = arith.muli %select_n3A, %mul3A_1483 : i32
      %add3A_1485 = arith.constant 48 : i32
      %add3A_1486 = arith.addi %mul3A_1484, %add3A_1485 : i32
      %get3A_1487 = arith.index_cast %add3A_1486 : i32 to index
      %get3A_1488 = tpu.vector_load %arg11[%get3A_1487] {strides = array<i32>} : memref<512xi32, #tpu.memory_space<vmem>>, vector<16xi32>,
      %get3A_1489 = vector.shape_cast %get3A_1488 : vector<16xi32> to vector<16xi32>
      %add3A_1490 = vector.broadcast %add3A_1431 : i32 to vector<16xi32>
      %add3A_1491 = arith.addi %get3A_1489, %add3A_1490 : vector<16xi32>
      %mul3A_1492 = arith.constant 128 : i32
      %mul3A_1493 = arith.muli %add3A_1397, %mul3A_1492 : i32
      %add3A_1494 = arith.constant 48 : i32
      %add3A_1495 = arith.addi %mul3A_1493, %add3A_1494 : i32
      %swap3A_1496 = arith.index_cast %add3A_1495 : i32 to index
      %swap3A_1497 = tpu.vector_load %arg15[%swap3A_1496] {strides = array<i32>} : memref<4096xi32, #tpu.memory_space<vmem>>, vector<16xi32>,
      %swap3A_1498 = vector.shape_cast %swap3A_1497 : vector<16xi32> to vector<16xi32>
      %swap3A_1499 = vector.shape_cast %add3A_1491 : vector<16xi32> to vector<16xi32>
      tpu.vector_store %arg15[%swap3A_1496], %swap3A_1499 {strides = array<i32>} : memref<4096xi32, #tpu.memory_space<vmem>>, vector<16xi32>,
      %mul3A_1500 = arith.constant 128 : i32
      %mul3A_1501 = arith.muli %select_n3A, %mul3A_1500 : i32
      %add3A_1502 = arith.constant 64 : i32
      %add3A_1503 = arith.addi %mul3A_1501, %add3A_1502 : i32
      %get3A_1504 = arith.index_cast %add3A_1503 : i32 to index
      %get3A_1505 = tpu.vector_load %arg11[%get3A_1504] {strides = array<i32>} : memref<512xi32, #tpu.memory_space<vmem>>, vector<16xi32>,
      %get3A_1506 = vector.shape_cast %get3A_1505 : vector<16xi32> to vector<16xi32>
      %add3A_1507 = vector.broadcast %add3A_1431 : i32 to vector<16xi32>
      %add3A_1508 = arith.addi %get3A_1506, %add3A_1507 : vector<16xi32>
      %mul3A_1509 = arith.constant 128 : i32
      %mul3A_1510 = arith.muli %add3A_1397, %mul3A_1509 : i32
      %add3A_1511 = arith.constant 64 : i32
      %add3A_1512 = arith.addi %mul3A_1510, %add3A_1511 : i32
      %swap3A_1513 = arith.index_cast %add3A_1512 : i32 to index
      %swap3A_1514 = tpu.vector_load %arg15[%swap3A_1513] {strides = array<i32>} : memref<4096xi32, #tpu.memory_space<vmem>>, vector<16xi32>,
      %swap3A_1515 = vector.shape_cast %swap3A_1514 : vector<16xi32> to vector<16xi32>
      %swap3A_1516 = vector.shape_cast %add3A_1508 : vector<16xi32> to vector<16xi32>
      tpu.vector_store %arg15[%swap3A_1513], %swap3A_1516 {strides = array<i32>} : memref<4096xi32, #tpu.memory_space<vmem>>, vector<16xi32>,
      %mul3A_1517 = arith.constant 128 : i32
      %mul3A_1518 = arith.muli %select_n3A, %mul3A_1517 : i32
      %add3A_1519 = arith.constant 80 : i32
      %add3A_1520 = arith.addi %mul3A_1518, %add3A_1519 : i32
      %get3A_1521 = arith.index_cast %add3A_1520 : i32 to index
      %get3A_1522 = tpu.vector_load %arg11[%get3A_1521] {strides = array<i32>} : memref<512xi32, #tpu.memory_space<vmem>>, vector<16xi32>,
      %get3A_1523 = vector.shape_cast %get3A_1522 : vector<16xi32> to vector<16xi32>
      %add3A_1524 = vector.broadcast %add3A_1431 : i32 to vector<16xi32>
      %add3A_1525 = arith.addi %get3A_1523, %add3A_1524 : vector<16xi32>
      %mul3A_1526 = arith.constant 128 : i32
      %mul3A_1527 = arith.muli %add3A_1397, %mul3A_1526 : i32
      %add3A_1528 = arith.constant 80 : i32
      %add3A_1529 = arith.addi %mul3A_1527, %add3A_1528 : i32
      %swap3A_1530 = arith.index_cast %add3A_1529 : i32 to index
      %swap3A_1531 = tpu.vector_load %arg15[%swap3A_1530] {strides = array<i32>} : memref<4096xi32, #tpu.memory_space<vmem>>, vector<16xi32>,
      %swap3A_1532 = vector.shape_cast %swap3A_1531 : vector<16xi32> to vector<16xi32>
      %swap3A_1533 = vector.shape_cast %add3A_1525 : vector<16xi32> to vector<16xi32>
      tpu.vector_store %arg15[%swap3A_1530], %swap3A_1533 {strides = array<i32>} : memref<4096xi32, #tpu.memory_space<vmem>>, vector<16xi32>,
      %mul3A_1534 = arith.constant 128 : i32
      %mul3A_1535 = arith.muli %select_n3A, %mul3A_1534 : i32
      %add3A_1536 = arith.constant 96 : i32
      %add3A_1537 = arith.addi %mul3A_1535, %add3A_1536 : i32
      %get3A_1538 = arith.index_cast %add3A_1537 : i32 to index
      %get3A_1539 = tpu.vector_load %arg11[%get3A_1538] {strides = array<i32>} : memref<512xi32, #tpu.memory_space<vmem>>, vector<16xi32>,
      %get3A_1540 = vector.shape_cast %get3A_1539 : vector<16xi32> to vector<16xi32>
      %add3A_1541 = vector.broadcast %add3A_1431 : i32 to vector<16xi32>
      %add3A_1542 = arith.addi %get3A_1540, %add3A_1541 : vector<16xi32>
      %mul3A_1543 = arith.constant 128 : i32
      %mul3A_1544 = arith.muli %add3A_1397, %mul3A_1543 : i32
      %add3A_1545 = arith.constant 96 : i32
      %add3A_1546 = arith.addi %mul3A_1544, %add3A_1545 : i32
      %swap3A_1547 = arith.index_cast %add3A_1546 : i32 to index
      %swap3A_1548 = tpu.vector_load %arg15[%swap3A_1547] {strides = array<i32>} : memref<4096xi32, #tpu.memory_space<vmem>>, vector<16xi32>,
      %swap3A_1549 = vector.shape_cast %swap3A_1548 : vector<16xi32> to vector<16xi32>
      %swap3A_1550 = vector.shape_cast %add3A_1542 : vector<16xi32> to vector<16xi32>
      tpu.vector_store %arg15[%swap3A_1547], %swap3A_1550 {strides = array<i32>} : memref<4096xi32, #tpu.memory_space<vmem>>, vector<16xi32>,
      %mul3A_1551 = arith.constant 128 : i32
      %mul3A_1552 = arith.muli %select_n3A, %mul3A_1551 : i32
      %add3A_1553 = arith.constant 112 : i32
      %add3A_1554 = arith.addi %mul3A_1552, %add3A_1553 : i32
      %get3A_1555 = arith.index_cast %add3A_1554 : i32 to index
      %get3A_1556 = tpu.vector_load %arg11[%get3A_1555] {strides = array<i32>} : memref<512xi32, #tpu.memory_space<vmem>>, vector<16xi32>,
      %get3A_1557 = vector.shape_cast %get3A_1556 : vector<16xi32> to vector<16xi32>
      %add3A_1558 = vector.broadcast %add3A_1431 : i32 to vector<16xi32>
      %add3A_1559 = arith.addi %get3A_1557, %add3A_1558 : vector<16xi32>
      %mul3A_1560 = arith.constant 128 : i32
      %mul3A_1561 = arith.muli %add3A_1397, %mul3A_1560 : i32
      %add3A_1562 = arith.constant 112 : i32
      %add3A_1563 = arith.addi %mul3A_1561, %add3A_1562 : i32
      %swap3A_1564 = arith.index_cast %add3A_1563 : i32 to index
      %swap3A_1565 = tpu.vector_load %arg15[%swap3A_1564] {strides = array<i32>} : memref<4096xi32, #tpu.memory_space<vmem>>, vector<16xi32>,
      %swap3A_1566 = vector.shape_cast %swap3A_1565 : vector<16xi32> to vector<16xi32>
      %swap3A_1567 = vector.shape_cast %add3A_1559 : vector<16xi32> to vector<16xi32>
      tpu.vector_store %arg15[%swap3A_1564], %swap3A_1567 {strides = array<i32>} : memref<4096xi32, #tpu.memory_space<vmem>>, vector<16xi32>,
    }
    %scan3A_521 = arith.constant 32 : i32
    %dma_start3A_522 = arith.constant 4096 : i32
    %dma_start3A_523 = tpu.memref_slice %arg19[%dma_start3A_522] : memref<16384xf32, #tpu.memory_space<vmem>> -> memref<4096xf32, #tpu.memory_space<vmem>>
    %dma_start3A_524 = arith.constant 0 : i32
    %dma_start3A_525 = tpu.memref_slice %arg5[%dma_start3A_524] : memref<3203072xf32, #tpu.memory_space<hbm>> -> memref<3203072xf32, #tpu.memory_space<hbm>>
    tpu.enqueue_indirect_dma source(%dma_start3A_525 : memref<3203072xf32, #tpu.memory_space<hbm>>) target(%dma_start3A_523 : memref<4096xf32, #tpu.memory_space<vmem>>) offsets(%arg15 : memref<4096xi32, #tpu.memory_space<vmem>>) semaphore(%arg21 : memref<!tpu.dma_semaphore, #tpu.memory_space<semaphore_mem>>)
    %scan3A_526 = arith.constant 0 : i32
    %scan3A_527 = arith.constant 32 : i32
    %scan3A_528 = arith.addi %scan3A_526, %scan3A_527 : i32
    %scan3A_529 = arith.constant 1 : i32
    scf.for %scan3A_1393 = %scan3A_526 to %scan3A_528 step %scan3A_529  : i32 {
      %mul3A_1394 = arith.constant 1 : i32
      %mul3A_1395 = arith.muli %scan3A_1393, %mul3A_1394 : i32
      %add3A_1396 = arith.constant 0 : i32
      %add3A_1397 = arith.addi %add3A_1396, %mul3A_1395 : i32
      %jit3A = arith.constant 8 : i32
      %div3A = arith.divsi %add3A_1397, %jit3A : i32
      %sign3A = arith.constant 0 : i32
      %sign3A_1398 = arith.cmpi sgt, %add3A_1397, %sign3A : i32
      %sign3A_1399 = arith.extui %sign3A_1398 : i1 to i32
      %sign3A_1400 = arith.constant 0 : i32
      %sign3A_1401 = arith.cmpi slt, %add3A_1397, %sign3A_1400 : i32
      %sign3A_1402 = arith.extui %sign3A_1401 : i1 to i32
      %sign3A_1403 = arith.subi %sign3A_1399, %sign3A_1402 : i32
      %sign3A_1404 = arith.constant 0 : i32
      %sign3A_1405 = arith.cmpi sgt, %jit3A, %sign3A_1404 : i32
      %sign3A_1406 = arith.extui %sign3A_1405 : i1 to i32
      %sign3A_1407 = arith.constant 0 : i32
      %sign3A_1408 = arith.cmpi slt, %jit3A, %sign3A_1407 : i32
      %sign3A_1409 = arith.extui %sign3A_1408 : i1 to i32
      %sign3A_1410 = arith.subi %sign3A_1406, %sign3A_1409 : i32
      %ne3A = arith.cmpi ne, %sign3A_1403, %sign3A_1410 : i32
      %rem3A = arith.remsi %add3A_1397, %jit3A : i32
      %ne3A_1411 = arith.constant 0 : i32
      %ne3A_1412 = arith.cmpi ne, %rem3A, %ne3A_1411 : i32
      %and3A = arith.andi %ne3A, %ne3A_1412 : i1
      %sub3A = arith.constant 1 : i32
      %sub3A_1413 = arith.subi %div3A, %sub3A : i32
      %select_n3A = arith.select %and3A, %sub3A_1413, %div3A : i32
      %jit3A_1414 = arith.constant 8 : i32
      %eq3A = arith.constant 0 : i32
      %eq3A_1415 = arith.cmpi eq, %jit3A_1414, %eq3A : i32
      %jit3A_1416 = arith.constant 1 : i32
      %select_n3A_1417 = arith.select %eq3A_1415, %jit3A_1416, %jit3A_1414 : i32
      %rem3A_1418 = arith.remsi %add3A_1397, %select_n3A_1417 : i32
      %ne3A_1419 = arith.constant 0 : i32
      %ne3A_1420 = arith.cmpi ne, %rem3A_1418, %ne3A_1419 : i32
      %lt3A = arith.constant 0 : i32
      %lt3A_1421 = arith.cmpi slt, %rem3A_1418, %lt3A : i32
      %lt3A_1422 = arith.constant 0 : i32
      %lt3A_1423 = arith.cmpi slt, %select_n3A_1417, %lt3A_1422 : i32
      %ne3A_1424 = arith.xori %lt3A_1421, %lt3A_1423 : i1
      %and3A_1425 = arith.andi %ne3A_1424, %ne3A_1420 : i1
      %add3A_1426 = arith.addi %rem3A_1418, %select_n3A_1417 : i32
      %select_n3A_1427 = arith.select %and3A_1425, %add3A_1426, %rem3A_1418 : i32
      %mul3A_1428 = arith.constant 128 : i32
      %mul3A_1429 = arith.muli %select_n3A_1427, %mul3A_1428 : i32
      %add3A_1430 = arith.constant 1601536 : i32
      %add3A_1431 = arith.addi %add3A_1430, %mul3A_1429 : i32
      %mul3A_1432 = arith.constant 128 : i32
      %mul3A_1433 = arith.muli %select_n3A, %mul3A_1432 : i32
      %add3A_1434 = arith.constant 0 : i32
      %add3A_1435 = arith.addi %mul3A_1433, %add3A_1434 : i32
      %get3A_1436 = arith.index_cast %add3A_1435 : i32 to index
      %get3A_1437 = tpu.vector_load %arg11[%get3A_1436] {strides = array<i32>} : memref<512xi32, #tpu.memory_space<vmem>>, vector<16xi32>,
      %get3A_1438 = vector.shape_cast %get3A_1437 : vector<16xi32> to vector<16xi32>
      %add3A_1439 = vector.broadcast %add3A_1431 : i32 to vector<16xi32>
      %add3A_1440 = arith.addi %get3A_1438, %add3A_1439 : vector<16xi32>
      %mul3A_1441 = arith.constant 128 : i32
      %mul3A_1442 = arith.muli %add3A_1397, %mul3A_1441 : i32
      %add3A_1443 = arith.constant 0 : i32
      %add3A_1444 = arith.addi %mul3A_1442, %add3A_1443 : i32
      %swap3A_1445 = arith.index_cast %add3A_1444 : i32 to index
      %swap3A_1446 = tpu.vector_load %arg16[%swap3A_1445] {strides = array<i32>} : memref<4096xi32, #tpu.memory_space<vmem>>, vector<16xi32>,
      %swap3A_1447 = vector.shape_cast %swap3A_1446 : vector<16xi32> to vector<16xi32>
      %swap3A_1448 = vector.shape_cast %add3A_1440 : vector<16xi32> to vector<16xi32>
      tpu.vector_store %arg16[%swap3A_1445], %swap3A_1448 {strides = array<i32>} : memref<4096xi32, #tpu.memory_space<vmem>>, vector<16xi32>,
      %mul3A_1449 = arith.constant 128 : i32
      %mul3A_1450 = arith.muli %select_n3A, %mul3A_1449 : i32
      %add3A_1451 = arith.constant 16 : i32
      %add3A_1452 = arith.addi %mul3A_1450, %add3A_1451 : i32
      %get3A_1453 = arith.index_cast %add3A_1452 : i32 to index
      %get3A_1454 = tpu.vector_load %arg11[%get3A_1453] {strides = array<i32>} : memref<512xi32, #tpu.memory_space<vmem>>, vector<16xi32>,
      %get3A_1455 = vector.shape_cast %get3A_1454 : vector<16xi32> to vector<16xi32>
      %add3A_1456 = vector.broadcast %add3A_1431 : i32 to vector<16xi32>
      %add3A_1457 = arith.addi %get3A_1455, %add3A_1456 : vector<16xi32>
      %mul3A_1458 = arith.constant 128 : i32
      %mul3A_1459 = arith.muli %add3A_1397, %mul3A_1458 : i32
      %add3A_1460 = arith.constant 16 : i32
      %add3A_1461 = arith.addi %mul3A_1459, %add3A_1460 : i32
      %swap3A_1462 = arith.index_cast %add3A_1461 : i32 to index
      %swap3A_1463 = tpu.vector_load %arg16[%swap3A_1462] {strides = array<i32>} : memref<4096xi32, #tpu.memory_space<vmem>>, vector<16xi32>,
      %swap3A_1464 = vector.shape_cast %swap3A_1463 : vector<16xi32> to vector<16xi32>
      %swap3A_1465 = vector.shape_cast %add3A_1457 : vector<16xi32> to vector<16xi32>
      tpu.vector_store %arg16[%swap3A_1462], %swap3A_1465 {strides = array<i32>} : memref<4096xi32, #tpu.memory_space<vmem>>, vector<16xi32>,
      %mul3A_1466 = arith.constant 128 : i32
      %mul3A_1467 = arith.muli %select_n3A, %mul3A_1466 : i32
      %add3A_1468 = arith.constant 32 : i32
      %add3A_1469 = arith.addi %mul3A_1467, %add3A_1468 : i32
      %get3A_1470 = arith.index_cast %add3A_1469 : i32 to index
      %get3A_1471 = tpu.vector_load %arg11[%get3A_1470] {strides = array<i32>} : memref<512xi32, #tpu.memory_space<vmem>>, vector<16xi32>,
      %get3A_1472 = vector.shape_cast %get3A_1471 : vector<16xi32> to vector<16xi32>
      %add3A_1473 = vector.broadcast %add3A_1431 : i32 to vector<16xi32>
      %add3A_1474 = arith.addi %get3A_1472, %add3A_1473 : vector<16xi32>
      %mul3A_1475 = arith.constant 128 : i32
      %mul3A_1476 = arith.muli %add3A_1397, %mul3A_1475 : i32
      %add3A_1477 = arith.constant 32 : i32
      %add3A_1478 = arith.addi %mul3A_1476, %add3A_1477 : i32
      %swap3A_1479 = arith.index_cast %add3A_1478 : i32 to index
      %swap3A_1480 = tpu.vector_load %arg16[%swap3A_1479] {strides = array<i32>} : memref<4096xi32, #tpu.memory_space<vmem>>, vector<16xi32>,
      %swap3A_1481 = vector.shape_cast %swap3A_1480 : vector<16xi32> to vector<16xi32>
      %swap3A_1482 = vector.shape_cast %add3A_1474 : vector<16xi32> to vector<16xi32>
      tpu.vector_store %arg16[%swap3A_1479], %swap3A_1482 {strides = array<i32>} : memref<4096xi32, #tpu.memory_space<vmem>>, vector<16xi32>,
      %mul3A_1483 = arith.constant 128 : i32
      %mul3A_1484 = arith.muli %select_n3A, %mul3A_1483 : i32
      %add3A_1485 = arith.constant 48 : i32
      %add3A_1486 = arith.addi %mul3A_1484, %add3A_1485 : i32
      %get3A_1487 = arith.index_cast %add3A_1486 : i32 to index
      %get3A_1488 = tpu.vector_load %arg11[%get3A_1487] {strides = array<i32>} : memref<512xi32, #tpu.memory_space<vmem>>, vector<16xi32>,
      %get3A_1489 = vector.shape_cast %get3A_1488 : vector<16xi32> to vector<16xi32>
      %add3A_1490 = vector.broadcast %add3A_1431 : i32 to vector<16xi32>
      %add3A_1491 = arith.addi %get3A_1489, %add3A_1490 : vector<16xi32>
      %mul3A_1492 = arith.constant 128 : i32
      %mul3A_1493 = arith.muli %add3A_1397, %mul3A_1492 : i32
      %add3A_1494 = arith.constant 48 : i32
      %add3A_1495 = arith.addi %mul3A_1493, %add3A_1494 : i32
      %swap3A_1496 = arith.index_cast %add3A_1495 : i32 to index
      %swap3A_1497 = tpu.vector_load %arg16[%swap3A_1496] {strides = array<i32>} : memref<4096xi32, #tpu.memory_space<vmem>>, vector<16xi32>,
      %swap3A_1498 = vector.shape_cast %swap3A_1497 : vector<16xi32> to vector<16xi32>
      %swap3A_1499 = vector.shape_cast %add3A_1491 : vector<16xi32> to vector<16xi32>
      tpu.vector_store %arg16[%swap3A_1496], %swap3A_1499 {strides = array<i32>} : memref<4096xi32, #tpu.memory_space<vmem>>, vector<16xi32>,
      %mul3A_1500 = arith.constant 128 : i32
      %mul3A_1501 = arith.muli %select_n3A, %mul3A_1500 : i32
      %add3A_1502 = arith.constant 64 : i32
      %add3A_1503 = arith.addi %mul3A_1501, %add3A_1502 : i32
      %get3A_1504 = arith.index_cast %add3A_1503 : i32 to index
      %get3A_1505 = tpu.vector_load %arg11[%get3A_1504] {strides = array<i32>} : memref<512xi32, #tpu.memory_space<vmem>>, vector<16xi32>,
      %get3A_1506 = vector.shape_cast %get3A_1505 : vector<16xi32> to vector<16xi32>
      %add3A_1507 = vector.broadcast %add3A_1431 : i32 to vector<16xi32>
      %add3A_1508 = arith.addi %get3A_1506, %add3A_1507 : vector<16xi32>
      %mul3A_1509 = arith.constant 128 : i32
      %mul3A_1510 = arith.muli %add3A_1397, %mul3A_1509 : i32
      %add3A_1511 = arith.constant 64 : i32
      %add3A_1512 = arith.addi %mul3A_1510, %add3A_1511 : i32
      %swap3A_1513 = arith.index_cast %add3A_1512 : i32 to index
      %swap3A_1514 = tpu.vector_load %arg16[%swap3A_1513] {strides = array<i32>} : memref<4096xi32, #tpu.memory_space<vmem>>, vector<16xi32>,
      %swap3A_1515 = vector.shape_cast %swap3A_1514 : vector<16xi32> to vector<16xi32>
      %swap3A_1516 = vector.shape_cast %add3A_1508 : vector<16xi32> to vector<16xi32>
      tpu.vector_store %arg16[%swap3A_1513], %swap3A_1516 {strides = array<i32>} : memref<4096xi32, #tpu.memory_space<vmem>>, vector<16xi32>,
      %mul3A_1517 = arith.constant 128 : i32
      %mul3A_1518 = arith.muli %select_n3A, %mul3A_1517 : i32
      %add3A_1519 = arith.constant 80 : i32
      %add3A_1520 = arith.addi %mul3A_1518, %add3A_1519 : i32
      %get3A_1521 = arith.index_cast %add3A_1520 : i32 to index
      %get3A_1522 = tpu.vector_load %arg11[%get3A_1521] {strides = array<i32>} : memref<512xi32, #tpu.memory_space<vmem>>, vector<16xi32>,
      %get3A_1523 = vector.shape_cast %get3A_1522 : vector<16xi32> to vector<16xi32>
      %add3A_1524 = vector.broadcast %add3A_1431 : i32 to vector<16xi32>
      %add3A_1525 = arith.addi %get3A_1523, %add3A_1524 : vector<16xi32>
      %mul3A_1526 = arith.constant 128 : i32
      %mul3A_1527 = arith.muli %add3A_1397, %mul3A_1526 : i32
      %add3A_1528 = arith.constant 80 : i32
      %add3A_1529 = arith.addi %mul3A_1527, %add3A_1528 : i32
      %swap3A_1530 = arith.index_cast %add3A_1529 : i32 to index
      %swap3A_1531 = tpu.vector_load %arg16[%swap3A_1530] {strides = array<i32>} : memref<4096xi32, #tpu.memory_space<vmem>>, vector<16xi32>,
      %swap3A_1532 = vector.shape_cast %swap3A_1531 : vector<16xi32> to vector<16xi32>
      %swap3A_1533 = vector.shape_cast %add3A_1525 : vector<16xi32> to vector<16xi32>
      tpu.vector_store %arg16[%swap3A_1530], %swap3A_1533 {strides = array<i32>} : memref<4096xi32, #tpu.memory_space<vmem>>, vector<16xi32>,
      %mul3A_1534 = arith.constant 128 : i32
      %mul3A_1535 = arith.muli %select_n3A, %mul3A_1534 : i32
      %add3A_1536 = arith.constant 96 : i32
      %add3A_1537 = arith.addi %mul3A_1535, %add3A_1536 : i32
      %get3A_1538 = arith.index_cast %add3A_1537 : i32 to index
      %get3A_1539 = tpu.vector_load %arg11[%get3A_1538] {strides = array<i32>} : memref<512xi32, #tpu.memory_space<vmem>>, vector<16xi32>,
      %get3A_1540 = vector.shape_cast %get3A_1539 : vector<16xi32> to vector<16xi32>
      %add3A_1541 = vector.broadcast %add3A_1431 : i32 to vector<16xi32>
      %add3A_1542 = arith.addi %get3A_1540, %add3A_1541 : vector<16xi32>
      %mul3A_1543 = arith.constant 128 : i32
      %mul3A_1544 = arith.muli %add3A_1397, %mul3A_1543 : i32
      %add3A_1545 = arith.constant 96 : i32
      %add3A_1546 = arith.addi %mul3A_1544, %add3A_1545 : i32
      %swap3A_1547 = arith.index_cast %add3A_1546 : i32 to index
      %swap3A_1548 = tpu.vector_load %arg16[%swap3A_1547] {strides = array<i32>} : memref<4096xi32, #tpu.memory_space<vmem>>, vector<16xi32>,
      %swap3A_1549 = vector.shape_cast %swap3A_1548 : vector<16xi32> to vector<16xi32>
      %swap3A_1550 = vector.shape_cast %add3A_1542 : vector<16xi32> to vector<16xi32>
      tpu.vector_store %arg16[%swap3A_1547], %swap3A_1550 {strides = array<i32>} : memref<4096xi32, #tpu.memory_space<vmem>>, vector<16xi32>,
      %mul3A_1551 = arith.constant 128 : i32
      %mul3A_1552 = arith.muli %select_n3A, %mul3A_1551 : i32
      %add3A_1553 = arith.constant 112 : i32
      %add3A_1554 = arith.addi %mul3A_1552, %add3A_1553 : i32
      %get3A_1555 = arith.index_cast %add3A_1554 : i32 to index
      %get3A_1556 = tpu.vector_load %arg11[%get3A_1555] {strides = array<i32>} : memref<512xi32, #tpu.memory_space<vmem>>, vector<16xi32>,
      %get3A_1557 = vector.shape_cast %get3A_1556 : vector<16xi32> to vector<16xi32>
      %add3A_1558 = vector.broadcast %add3A_1431 : i32 to vector<16xi32>
      %add3A_1559 = arith.addi %get3A_1557, %add3A_1558 : vector<16xi32>
      %mul3A_1560 = arith.constant 128 : i32
      %mul3A_1561 = arith.muli %add3A_1397, %mul3A_1560 : i32
      %add3A_1562 = arith.constant 112 : i32
      %add3A_1563 = arith.addi %mul3A_1561, %add3A_1562 : i32
      %swap3A_1564 = arith.index_cast %add3A_1563 : i32 to index
      %swap3A_1565 = tpu.vector_load %arg16[%swap3A_1564] {strides = array<i32>} : memref<4096xi32, #tpu.memory_space<vmem>>, vector<16xi32>,
      %swap3A_1566 = vector.shape_cast %swap3A_1565 : vector<16xi32> to vector<16xi32>
      %swap3A_1567 = vector.shape_cast %add3A_1559 : vector<16xi32> to vector<16xi32>
      tpu.vector_store %arg16[%swap3A_1564], %swap3A_1567 {strides = array<i32>} : memref<4096xi32, #tpu.memory_space<vmem>>, vector<16xi32>,
    }
    %scan3A_530 = arith.constant 32 : i32
    %dma_start3A_531 = arith.constant 8192 : i32
    %dma_start3A_532 = tpu.memref_slice %arg19[%dma_start3A_531] : memref<16384xf32, #tpu.memory_space<vmem>> -> memref<4096xf32, #tpu.memory_space<vmem>>
    %dma_start3A_533 = arith.constant 0 : i32
    %dma_start3A_534 = tpu.memref_slice %arg5[%dma_start3A_533] : memref<3203072xf32, #tpu.memory_space<hbm>> -> memref<3203072xf32, #tpu.memory_space<hbm>>
    tpu.enqueue_indirect_dma source(%dma_start3A_534 : memref<3203072xf32, #tpu.memory_space<hbm>>) target(%dma_start3A_532 : memref<4096xf32, #tpu.memory_space<vmem>>) offsets(%arg16 : memref<4096xi32, #tpu.memory_space<vmem>>) semaphore(%arg21 : memref<!tpu.dma_semaphore, #tpu.memory_space<semaphore_mem>>)
    %scan3A_535 = arith.constant 0 : i32
    %scan3A_536 = arith.constant 32 : i32
    %scan3A_537 = arith.addi %scan3A_535, %scan3A_536 : i32
    %scan3A_538 = arith.constant 1 : i32
    scf.for %scan3A_1393 = %scan3A_535 to %scan3A_537 step %scan3A_538  : i32 {
      %mul3A_1394 = arith.constant 1 : i32
      %mul3A_1395 = arith.muli %scan3A_1393, %mul3A_1394 : i32
      %add3A_1396 = arith.constant 0 : i32
      %add3A_1397 = arith.addi %add3A_1396, %mul3A_1395 : i32
      %jit3A = arith.constant 8 : i32
      %div3A = arith.divsi %add3A_1397, %jit3A : i32
      %sign3A = arith.constant 0 : i32
      %sign3A_1398 = arith.cmpi sgt, %add3A_1397, %sign3A : i32
      %sign3A_1399 = arith.extui %sign3A_1398 : i1 to i32
      %sign3A_1400 = arith.constant 0 : i32
      %sign3A_1401 = arith.cmpi slt, %add3A_1397, %sign3A_1400 : i32
      %sign3A_1402 = arith.extui %sign3A_1401 : i1 to i32
      %sign3A_1403 = arith.subi %sign3A_1399, %sign3A_1402 : i32
      %sign3A_1404 = arith.constant 0 : i32
      %sign3A_1405 = arith.cmpi sgt, %jit3A, %sign3A_1404 : i32
      %sign3A_1406 = arith.extui %sign3A_1405 : i1 to i32
      %sign3A_1407 = arith.constant 0 : i32
      %sign3A_1408 = arith.cmpi slt, %jit3A, %sign3A_1407 : i32
      %sign3A_1409 = arith.extui %sign3A_1408 : i1 to i32
      %sign3A_1410 = arith.subi %sign3A_1406, %sign3A_1409 : i32
      %ne3A = arith.cmpi ne, %sign3A_1403, %sign3A_1410 : i32
      %rem3A = arith.remsi %add3A_1397, %jit3A : i32
      %ne3A_1411 = arith.constant 0 : i32
      %ne3A_1412 = arith.cmpi ne, %rem3A, %ne3A_1411 : i32
      %and3A = arith.andi %ne3A, %ne3A_1412 : i1
      %sub3A = arith.constant 1 : i32
      %sub3A_1413 = arith.subi %div3A, %sub3A : i32
      %select_n3A = arith.select %and3A, %sub3A_1413, %div3A : i32
      %jit3A_1414 = arith.constant 8 : i32
      %eq3A = arith.constant 0 : i32
      %eq3A_1415 = arith.cmpi eq, %jit3A_1414, %eq3A : i32
      %jit3A_1416 = arith.constant 1 : i32
      %select_n3A_1417 = arith.select %eq3A_1415, %jit3A_1416, %jit3A_1414 : i32
      %rem3A_1418 = arith.remsi %add3A_1397, %select_n3A_1417 : i32
      %ne3A_1419 = arith.constant 0 : i32
      %ne3A_1420 = arith.cmpi ne, %rem3A_1418, %ne3A_1419 : i32
      %lt3A = arith.constant 0 : i32
      %lt3A_1421 = arith.cmpi slt, %rem3A_1418, %lt3A : i32
      %lt3A_1422 = arith.constant 0 : i32
      %lt3A_1423 = arith.cmpi slt, %select_n3A_1417, %lt3A_1422 : i32
      %ne3A_1424 = arith.xori %lt3A_1421, %lt3A_1423 : i1
      %and3A_1425 = arith.andi %ne3A_1424, %ne3A_1420 : i1
      %add3A_1426 = arith.addi %rem3A_1418, %select_n3A_1417 : i32
      %select_n3A_1427 = arith.select %and3A_1425, %add3A_1426, %rem3A_1418 : i32
      %mul3A_1428 = arith.constant 128 : i32
      %mul3A_1429 = arith.muli %select_n3A_1427, %mul3A_1428 : i32
      %add3A_1430 = arith.constant 2402304 : i32
      %add3A_1431 = arith.addi %add3A_1430, %mul3A_1429 : i32
      %mul3A_1432 = arith.constant 128 : i32
      %mul3A_1433 = arith.muli %select_n3A, %mul3A_1432 : i32
      %add3A_1434 = arith.constant 0 : i32
      %add3A_1435 = arith.addi %mul3A_1433, %add3A_1434 : i32
      %get3A_1436 = arith.index_cast %add3A_1435 : i32 to index
      %get3A_1437 = tpu.vector_load %arg11[%get3A_1436] {strides = array<i32>} : memref<512xi32, #tpu.memory_space<vmem>>, vector<16xi32>,
      %get3A_1438 = vector.shape_cast %get3A_1437 : vector<16xi32> to vector<16xi32>
      %add3A_1439 = vector.broadcast %add3A_1431 : i32 to vector<16xi32>
      %add3A_1440 = arith.addi %get3A_1438, %add3A_1439 : vector<16xi32>
      %mul3A_1441 = arith.constant 128 : i32
      %mul3A_1442 = arith.muli %add3A_1397, %mul3A_1441 : i32
      %add3A_1443 = arith.constant 0 : i32
      %add3A_1444 = arith.addi %mul3A_1442, %add3A_1443 : i32
      %swap3A_1445 = arith.index_cast %add3A_1444 : i32 to index
      %swap3A_1446 = tpu.vector_load %arg17[%swap3A_1445] {strides = array<i32>} : memref<4096xi32, #tpu.memory_space<vmem>>, vector<16xi32>,
      %swap3A_1447 = vector.shape_cast %swap3A_1446 : vector<16xi32> to vector<16xi32>
      %swap3A_1448 = vector.shape_cast %add3A_1440 : vector<16xi32> to vector<16xi32>
      tpu.vector_store %arg17[%swap3A_1445], %swap3A_1448 {strides = array<i32>} : memref<4096xi32, #tpu.memory_space<vmem>>, vector<16xi32>,
      %mul3A_1449 = arith.constant 128 : i32
      %mul3A_1450 = arith.muli %select_n3A, %mul3A_1449 : i32
      %add3A_1451 = arith.constant 16 : i32
      %add3A_1452 = arith.addi %mul3A_1450, %add3A_1451 : i32
      %get3A_1453 = arith.index_cast %add3A_1452 : i32 to index
      %get3A_1454 = tpu.vector_load %arg11[%get3A_1453] {strides = array<i32>} : memref<512xi32, #tpu.memory_space<vmem>>, vector<16xi32>,
      %get3A_1455 = vector.shape_cast %get3A_1454 : vector<16xi32> to vector<16xi32>
      %add3A_1456 = vector.broadcast %add3A_1431 : i32 to vector<16xi32>
      %add3A_1457 = arith.addi %get3A_1455, %add3A_1456 : vector<16xi32>
      %mul3A_1458 = arith.constant 128 : i32
      %mul3A_1459 = arith.muli %add3A_1397, %mul3A_1458 : i32
      %add3A_1460 = arith.constant 16 : i32
      %add3A_1461 = arith.addi %mul3A_1459, %add3A_1460 : i32
      %swap3A_1462 = arith.index_cast %add3A_1461 : i32 to index
      %swap3A_1463 = tpu.vector_load %arg17[%swap3A_1462] {strides = array<i32>} : memref<4096xi32, #tpu.memory_space<vmem>>, vector<16xi32>,
      %swap3A_1464 = vector.shape_cast %swap3A_1463 : vector<16xi32> to vector<16xi32>
      %swap3A_1465 = vector.shape_cast %add3A_1457 : vector<16xi32> to vector<16xi32>
      tpu.vector_store %arg17[%swap3A_1462], %swap3A_1465 {strides = array<i32>} : memref<4096xi32, #tpu.memory_space<vmem>>, vector<16xi32>,
      %mul3A_1466 = arith.constant 128 : i32
      %mul3A_1467 = arith.muli %select_n3A, %mul3A_1466 : i32
      %add3A_1468 = arith.constant 32 : i32
      %add3A_1469 = arith.addi %mul3A_1467, %add3A_1468 : i32
      %get3A_1470 = arith.index_cast %add3A_1469 : i32 to index
      %get3A_1471 = tpu.vector_load %arg11[%get3A_1470] {strides = array<i32>} : memref<512xi32, #tpu.memory_space<vmem>>, vector<16xi32>,
      %get3A_1472 = vector.shape_cast %get3A_1471 : vector<16xi32> to vector<16xi32>
      %add3A_1473 = vector.broadcast %add3A_1431 : i32 to vector<16xi32>
      %add3A_1474 = arith.addi %get3A_1472, %add3A_1473 : vector<16xi32>
      %mul3A_1475 = arith.constant 128 : i32
      %mul3A_1476 = arith.muli %add3A_1397, %mul3A_1475 : i32
      %add3A_1477 = arith.constant 32 : i32
      %add3A_1478 = arith.addi %mul3A_1476, %add3A_1477 : i32
      %swap3A_1479 = arith.index_cast %add3A_1478 : i32 to index
      %swap3A_1480 = tpu.vector_load %arg17[%swap3A_1479] {strides = array<i32>} : memref<4096xi32, #tpu.memory_space<vmem>>, vector<16xi32>,
      %swap3A_1481 = vector.shape_cast %swap3A_1480 : vector<16xi32> to vector<16xi32>
      %swap3A_1482 = vector.shape_cast %add3A_1474 : vector<16xi32> to vector<16xi32>
      tpu.vector_store %arg17[%swap3A_1479], %swap3A_1482 {strides = array<i32>} : memref<4096xi32, #tpu.memory_space<vmem>>, vector<16xi32>,
      %mul3A_1483 = arith.constant 128 : i32
      %mul3A_1484 = arith.muli %select_n3A, %mul3A_1483 : i32
      %add3A_1485 = arith.constant 48 : i32
      %add3A_1486 = arith.addi %mul3A_1484, %add3A_1485 : i32
      %get3A_1487 = arith.index_cast %add3A_1486 : i32 to index
      %get3A_1488 = tpu.vector_load %arg11[%get3A_1487] {strides = array<i32>} : memref<512xi32, #tpu.memory_space<vmem>>, vector<16xi32>,
      %get3A_1489 = vector.shape_cast %get3A_1488 : vector<16xi32> to vector<16xi32>
      %add3A_1490 = vector.broadcast %add3A_1431 : i32 to vector<16xi32>
      %add3A_1491 = arith.addi %get3A_1489, %add3A_1490 : vector<16xi32>
      %mul3A_1492 = arith.constant 128 : i32
      %mul3A_1493 = arith.muli %add3A_1397, %mul3A_1492 : i32
      %add3A_1494 = arith.constant 48 : i32
      %add3A_1495 = arith.addi %mul3A_1493, %add3A_1494 : i32
      %swap3A_1496 = arith.index_cast %add3A_1495 : i32 to index
      %swap3A_1497 = tpu.vector_load %arg17[%swap3A_1496] {strides = array<i32>} : memref<4096xi32, #tpu.memory_space<vmem>>, vector<16xi32>,
      %swap3A_1498 = vector.shape_cast %swap3A_1497 : vector<16xi32> to vector<16xi32>
      %swap3A_1499 = vector.shape_cast %add3A_1491 : vector<16xi32> to vector<16xi32>
      tpu.vector_store %arg17[%swap3A_1496], %swap3A_1499 {strides = array<i32>} : memref<4096xi32, #tpu.memory_space<vmem>>, vector<16xi32>,
      %mul3A_1500 = arith.constant 128 : i32
      %mul3A_1501 = arith.muli %select_n3A, %mul3A_1500 : i32
      %add3A_1502 = arith.constant 64 : i32
      %add3A_1503 = arith.addi %mul3A_1501, %add3A_1502 : i32
      %get3A_1504 = arith.index_cast %add3A_1503 : i32 to index
      %get3A_1505 = tpu.vector_load %arg11[%get3A_1504] {strides = array<i32>} : memref<512xi32, #tpu.memory_space<vmem>>, vector<16xi32>,
      %get3A_1506 = vector.shape_cast %get3A_1505 : vector<16xi32> to vector<16xi32>
      %add3A_1507 = vector.broadcast %add3A_1431 : i32 to vector<16xi32>
      %add3A_1508 = arith.addi %get3A_1506, %add3A_1507 : vector<16xi32>
      %mul3A_1509 = arith.constant 128 : i32
      %mul3A_1510 = arith.muli %add3A_1397, %mul3A_1509 : i32
      %add3A_1511 = arith.constant 64 : i32
      %add3A_1512 = arith.addi %mul3A_1510, %add3A_1511 : i32
      %swap3A_1513 = arith.index_cast %add3A_1512 : i32 to index
      %swap3A_1514 = tpu.vector_load %arg17[%swap3A_1513] {strides = array<i32>} : memref<4096xi32, #tpu.memory_space<vmem>>, vector<16xi32>,
      %swap3A_1515 = vector.shape_cast %swap3A_1514 : vector<16xi32> to vector<16xi32>
      %swap3A_1516 = vector.shape_cast %add3A_1508 : vector<16xi32> to vector<16xi32>
      tpu.vector_store %arg17[%swap3A_1513], %swap3A_1516 {strides = array<i32>} : memref<4096xi32, #tpu.memory_space<vmem>>, vector<16xi32>,
      %mul3A_1517 = arith.constant 128 : i32
      %mul3A_1518 = arith.muli %select_n3A, %mul3A_1517 : i32
      %add3A_1519 = arith.constant 80 : i32
      %add3A_1520 = arith.addi %mul3A_1518, %add3A_1519 : i32
      %get3A_1521 = arith.index_cast %add3A_1520 : i32 to index
      %get3A_1522 = tpu.vector_load %arg11[%get3A_1521] {strides = array<i32>} : memref<512xi32, #tpu.memory_space<vmem>>, vector<16xi32>,
      %get3A_1523 = vector.shape_cast %get3A_1522 : vector<16xi32> to vector<16xi32>
      %add3A_1524 = vector.broadcast %add3A_1431 : i32 to vector<16xi32>
      %add3A_1525 = arith.addi %get3A_1523, %add3A_1524 : vector<16xi32>
      %mul3A_1526 = arith.constant 128 : i32
      %mul3A_1527 = arith.muli %add3A_1397, %mul3A_1526 : i32
      %add3A_1528 = arith.constant 80 : i32
      %add3A_1529 = arith.addi %mul3A_1527, %add3A_1528 : i32
      %swap3A_1530 = arith.index_cast %add3A_1529 : i32 to index
      %swap3A_1531 = tpu.vector_load %arg17[%swap3A_1530] {strides = array<i32>} : memref<4096xi32, #tpu.memory_space<vmem>>, vector<16xi32>,
      %swap3A_1532 = vector.shape_cast %swap3A_1531 : vector<16xi32> to vector<16xi32>
      %swap3A_1533 = vector.shape_cast %add3A_1525 : vector<16xi32> to vector<16xi32>
      tpu.vector_store %arg17[%swap3A_1530], %swap3A_1533 {strides = array<i32>} : memref<4096xi32, #tpu.memory_space<vmem>>, vector<16xi32>,
      %mul3A_1534 = arith.constant 128 : i32
      %mul3A_1535 = arith.muli %select_n3A, %mul3A_1534 : i32
      %add3A_1536 = arith.constant 96 : i32
      %add3A_1537 = arith.addi %mul3A_1535, %add3A_1536 : i32
      %get3A_1538 = arith.index_cast %add3A_1537 : i32 to index
      %get3A_1539 = tpu.vector_load %arg11[%get3A_1538] {strides = array<i32>} : memref<512xi32, #tpu.memory_space<vmem>>, vector<16xi32>,
      %get3A_1540 = vector.shape_cast %get3A_1539 : vector<16xi32> to vector<16xi32>
      %add3A_1541 = vector.broadcast %add3A_1431 : i32 to vector<16xi32>
      %add3A_1542 = arith.addi %get3A_1540, %add3A_1541 : vector<16xi32>
      %mul3A_1543 = arith.constant 128 : i32
      %mul3A_1544 = arith.muli %add3A_1397, %mul3A_1543 : i32
      %add3A_1545 = arith.constant 96 : i32
      %add3A_1546 = arith.addi %mul3A_1544, %add3A_1545 : i32
      %swap3A_1547 = arith.index_cast %add3A_1546 : i32 to index
      %swap3A_1548 = tpu.vector_load %arg17[%swap3A_1547] {strides = array<i32>} : memref<4096xi32, #tpu.memory_space<vmem>>, vector<16xi32>,
      %swap3A_1549 = vector.shape_cast %swap3A_1548 : vector<16xi32> to vector<16xi32>
      %swap3A_1550 = vector.shape_cast %add3A_1542 : vector<16xi32> to vector<16xi32>
      tpu.vector_store %arg17[%swap3A_1547], %swap3A_1550 {strides = array<i32>} : memref<4096xi32, #tpu.memory_space<vmem>>, vector<16xi32>,
      %mul3A_1551 = arith.constant 128 : i32
      %mul3A_1552 = arith.muli %select_n3A, %mul3A_1551 : i32
      %add3A_1553 = arith.constant 112 : i32
      %add3A_1554 = arith.addi %mul3A_1552, %add3A_1553 : i32
      %get3A_1555 = arith.index_cast %add3A_1554 : i32 to index
      %get3A_1556 = tpu.vector_load %arg11[%get3A_1555] {strides = array<i32>} : memref<512xi32, #tpu.memory_space<vmem>>, vector<16xi32>,
      %get3A_1557 = vector.shape_cast %get3A_1556 : vector<16xi32> to vector<16xi32>
      %add3A_1558 = vector.broadcast %add3A_1431 : i32 to vector<16xi32>
      %add3A_1559 = arith.addi %get3A_1557, %add3A_1558 : vector<16xi32>
      %mul3A_1560 = arith.constant 128 : i32
      %mul3A_1561 = arith.muli %add3A_1397, %mul3A_1560 : i32
      %add3A_1562 = arith.constant 112 : i32
      %add3A_1563 = arith.addi %mul3A_1561, %add3A_1562 : i32
      %swap3A_1564 = arith.index_cast %add3A_1563 : i32 to index
      %swap3A_1565 = tpu.vector_load %arg17[%swap3A_1564] {strides = array<i32>} : memref<4096xi32, #tpu.memory_space<vmem>>, vector<16xi32>,
      %swap3A_1566 = vector.shape_cast %swap3A_1565 : vector<16xi32> to vector<16xi32>
      %swap3A_1567 = vector.shape_cast %add3A_1559 : vector<16xi32> to vector<16xi32>
      tpu.vector_store %arg17[%swap3A_1564], %swap3A_1567 {strides = array<i32>} : memref<4096xi32, #tpu.memory_space<vmem>>, vector<16xi32>,
    }
    %scan3A_539 = arith.constant 32 : i32
    %dma_start3A_540 = arith.constant 12288 : i32
    %dma_start3A_541 = tpu.memref_slice %arg19[%dma_start3A_540] : memref<16384xf32, #tpu.memory_space<vmem>> -> memref<4096xf32, #tpu.memory_space<vmem>>
    %dma_start3A_542 = arith.constant 0 : i32
    %dma_start3A_543 = tpu.memref_slice %arg5[%dma_start3A_542] : memref<3203072xf32, #tpu.memory_space<hbm>> -> memref<3203072xf32, #tpu.memory_space<hbm>>
    tpu.enqueue_indirect_dma source(%dma_start3A_543 : memref<3203072xf32, #tpu.memory_space<hbm>>) target(%dma_start3A_541 : memref<4096xf32, #tpu.memory_space<vmem>>) offsets(%arg17 : memref<4096xi32, #tpu.memory_space<vmem>>) semaphore(%arg21 : memref<!tpu.dma_semaphore, #tpu.memory_space<semaphore_mem>>)
    %get3A_544 = arith.constant 0 : i32
    %get3A_545 = arith.index_cast %get3A_544 : i32 to index
    %get3A_546 = arith.constant 0 : index
    %get3A_547 = tpu.vector_load %arg8[%get3A_545, %get3A_546] {strides = array<i32>} : memref<4x128xi32, #tpu.memory_space<vmem>>, vector<1x16xi32>,
    %get3A_548 = vector.shape_cast %get3A_547 : vector<1x16xi32> to vector<16xi32>
    %mul3A_549 = arith.constant 100000 : i32
    %mul3A_550 = vector.broadcast %mul3A_549 : i32 to vector<16xi32>
    %mul3A_551 = arith.muli %get3A_548, %mul3A_550 : vector<16xi32>
    %get3A_552 = arith.constant 0 : i32
    %get3A_553 = arith.index_cast %get3A_552 : i32 to index
    %get3A_554 = arith.constant 0 : index
    %get3A_555 = tpu.vector_load %arg9[%get3A_553, %get3A_554] {strides = array<i32>} : memref<4x128xi32, #tpu.memory_space<vmem>>, vector<1x16xi32>,
    %get3A_556 = vector.shape_cast %get3A_555 : vector<1x16xi32> to vector<16xi32>
    %add3A_557 = arith.addi %mul3A_551, %get3A_556 : vector<16xi32>
    %shift_right_arithmetic3A_558 = arith.constant 7 : i32
    %shift_right_arithmetic3A_559 = vector.broadcast %shift_right_arithmetic3A_558 : i32 to vector<16xi32>
    %shift_right_arithmetic3A_560 = arith.shrsi %add3A_557, %shift_right_arithmetic3A_559 : vector<16xi32>
    %mul3A_561 = arith.constant 896 : i32
    %mul3A_562 = vector.broadcast %mul3A_561 : i32 to vector<16xi32>
    %mul3A_563 = arith.muli %shift_right_arithmetic3A_560, %mul3A_562 : vector<16xi32>
    %add3A_564 = arith.addi %add3A_557, %mul3A_563 : vector<16xi32>
    %swap3A_565 = arith.constant 0 : index
    %swap3A_566 = tpu.vector_load %arg10[%swap3A_565] {strides = array<i32>} : memref<512xi32, #tpu.memory_space<vmem>>, vector<16xi32>,
    %swap3A_567 = vector.shape_cast %swap3A_566 : vector<16xi32> to vector<16xi32>
    %swap3A_568 = vector.shape_cast %add3A_564 : vector<16xi32> to vector<16xi32>
    tpu.vector_store %arg10[%swap3A_565], %swap3A_568 {strides = array<i32>} : memref<512xi32, #tpu.memory_space<vmem>>, vector<16xi32>,
    %get3A_569 = arith.constant 0 : i32
    %get3A_570 = arith.index_cast %get3A_569 : i32 to index
    %get3A_571 = arith.constant 16 : index
    %get3A_572 = tpu.vector_load %arg8[%get3A_570, %get3A_571] {strides = array<i32>} : memref<4x128xi32, #tpu.memory_space<vmem>>, vector<1x16xi32>,
    %get3A_573 = vector.shape_cast %get3A_572 : vector<1x16xi32> to vector<16xi32>
    %mul3A_574 = arith.constant 100000 : i32
    %mul3A_575 = vector.broadcast %mul3A_574 : i32 to vector<16xi32>
    %mul3A_576 = arith.muli %get3A_573, %mul3A_575 : vector<16xi32>
    %get3A_577 = arith.constant 0 : i32
    %get3A_578 = arith.index_cast %get3A_577 : i32 to index
    %get3A_579 = arith.constant 16 : index
    %get3A_580 = tpu.vector_load %arg9[%get3A_578, %get3A_579] {strides = array<i32>} : memref<4x128xi32, #tpu.memory_space<vmem>>, vector<1x16xi32>,
    %get3A_581 = vector.shape_cast %get3A_580 : vector<1x16xi32> to vector<16xi32>
    %add3A_582 = arith.addi %mul3A_576, %get3A_581 : vector<16xi32>
    %shift_right_arithmetic3A_583 = arith.constant 7 : i32
    %shift_right_arithmetic3A_584 = vector.broadcast %shift_right_arithmetic3A_583 : i32 to vector<16xi32>
    %shift_right_arithmetic3A_585 = arith.shrsi %add3A_582, %shift_right_arithmetic3A_584 : vector<16xi32>
    %mul3A_586 = arith.constant 896 : i32
    %mul3A_587 = vector.broadcast %mul3A_586 : i32 to vector<16xi32>
    %mul3A_588 = arith.muli %shift_right_arithmetic3A_585, %mul3A_587 : vector<16xi32>
    %add3A_589 = arith.addi %add3A_582, %mul3A_588 : vector<16xi32>
    %swap3A_590 = arith.constant 16 : index
    %swap3A_591 = tpu.vector_load %arg10[%swap3A_590] {strides = array<i32>} : memref<512xi32, #tpu.memory_space<vmem>>, vector<16xi32>,
    %swap3A_592 = vector.shape_cast %swap3A_591 : vector<16xi32> to vector<16xi32>
    %swap3A_593 = vector.shape_cast %add3A_589 : vector<16xi32> to vector<16xi32>
    tpu.vector_store %arg10[%swap3A_590], %swap3A_593 {strides = array<i32>} : memref<512xi32, #tpu.memory_space<vmem>>, vector<16xi32>,
    %get3A_594 = arith.constant 0 : i32
    %get3A_595 = arith.index_cast %get3A_594 : i32 to index
    %get3A_596 = arith.constant 32 : index
    %get3A_597 = tpu.vector_load %arg8[%get3A_595, %get3A_596] {strides = array<i32>} : memref<4x128xi32, #tpu.memory_space<vmem>>, vector<1x16xi32>,
    %get3A_598 = vector.shape_cast %get3A_597 : vector<1x16xi32> to vector<16xi32>
    %mul3A_599 = arith.constant 100000 : i32
    %mul3A_600 = vector.broadcast %mul3A_599 : i32 to vector<16xi32>
    %mul3A_601 = arith.muli %get3A_598, %mul3A_600 : vector<16xi32>
    %get3A_602 = arith.constant 0 : i32
    %get3A_603 = arith.index_cast %get3A_602 : i32 to index
    %get3A_604 = arith.constant 32 : index
    %get3A_605 = tpu.vector_load %arg9[%get3A_603, %get3A_604] {strides = array<i32>} : memref<4x128xi32, #tpu.memory_space<vmem>>, vector<1x16xi32>,
    %get3A_606 = vector.shape_cast %get3A_605 : vector<1x16xi32> to vector<16xi32>
    %add3A_607 = arith.addi %mul3A_601, %get3A_606 : vector<16xi32>
    %shift_right_arithmetic3A_608 = arith.constant 7 : i32
    %shift_right_arithmetic3A_609 = vector.broadcast %shift_right_arithmetic3A_608 : i32 to vector<16xi32>
    %shift_right_arithmetic3A_610 = arith.shrsi %add3A_607, %shift_right_arithmetic3A_609 : vector<16xi32>
    %mul3A_611 = arith.constant 896 : i32
    %mul3A_612 = vector.broadcast %mul3A_611 : i32 to vector<16xi32>
    %mul3A_613 = arith.muli %shift_right_arithmetic3A_610, %mul3A_612 : vector<16xi32>
    %add3A_614 = arith.addi %add3A_607, %mul3A_613 : vector<16xi32>
    %swap3A_615 = arith.constant 32 : index
    %swap3A_616 = tpu.vector_load %arg10[%swap3A_615] {strides = array<i32>} : memref<512xi32, #tpu.memory_space<vmem>>, vector<16xi32>,
    %swap3A_617 = vector.shape_cast %swap3A_616 : vector<16xi32> to vector<16xi32>
    %swap3A_618 = vector.shape_cast %add3A_614 : vector<16xi32> to vector<16xi32>
    tpu.vector_store %arg10[%swap3A_615], %swap3A_618 {strides = array<i32>} : memref<512xi32, #tpu.memory_space<vmem>>, vector<16xi32>,
    %get3A_619 = arith.constant 0 : i32
    %get3A_620 = arith.index_cast %get3A_619 : i32 to index
    %get3A_621 = arith.constant 48 : index
    %get3A_622 = tpu.vector_load %arg8[%get3A_620, %get3A_621] {strides = array<i32>} : memref<4x128xi32, #tpu.memory_space<vmem>>, vector<1x16xi32>,
    %get3A_623 = vector.shape_cast %get3A_622 : vector<1x16xi32> to vector<16xi32>
    %mul3A_624 = arith.constant 100000 : i32
    %mul3A_625 = vector.broadcast %mul3A_624 : i32 to vector<16xi32>
    %mul3A_626 = arith.muli %get3A_623, %mul3A_625 : vector<16xi32>
    %get3A_627 = arith.constant 0 : i32
    %get3A_628 = arith.index_cast %get3A_627 : i32 to index
    %get3A_629 = arith.constant 48 : index
    %get3A_630 = tpu.vector_load %arg9[%get3A_628, %get3A_629] {strides = array<i32>} : memref<4x128xi32, #tpu.memory_space<vmem>>, vector<1x16xi32>,
    %get3A_631 = vector.shape_cast %get3A_630 : vector<1x16xi32> to vector<16xi32>
    %add3A_632 = arith.addi %mul3A_626, %get3A_631 : vector<16xi32>
    %shift_right_arithmetic3A_633 = arith.constant 7 : i32
    %shift_right_arithmetic3A_634 = vector.broadcast %shift_right_arithmetic3A_633 : i32 to vector<16xi32>
    %shift_right_arithmetic3A_635 = arith.shrsi %add3A_632, %shift_right_arithmetic3A_634 : vector<16xi32>
    %mul3A_636 = arith.constant 896 : i32
    %mul3A_637 = vector.broadcast %mul3A_636 : i32 to vector<16xi32>
    %mul3A_638 = arith.muli %shift_right_arithmetic3A_635, %mul3A_637 : vector<16xi32>
    %add3A_639 = arith.addi %add3A_632, %mul3A_638 : vector<16xi32>
    %swap3A_640 = arith.constant 48 : index
    %swap3A_641 = tpu.vector_load %arg10[%swap3A_640] {strides = array<i32>} : memref<512xi32, #tpu.memory_space<vmem>>, vector<16xi32>,
    %swap3A_642 = vector.shape_cast %swap3A_641 : vector<16xi32> to vector<16xi32>
    %swap3A_643 = vector.shape_cast %add3A_639 : vector<16xi32> to vector<16xi32>
    tpu.vector_store %arg10[%swap3A_640], %swap3A_643 {strides = array<i32>} : memref<512xi32, #tpu.memory_space<vmem>>, vector<16xi32>,
    %get3A_644 = arith.constant 0 : i32
    %get3A_645 = arith.index_cast %get3A_644 : i32 to index
    %get3A_646 = arith.constant 64 : index
    %get3A_647 = tpu.vector_load %arg8[%get3A_645, %get3A_646] {strides = array<i32>} : memref<4x128xi32, #tpu.memory_space<vmem>>, vector<1x16xi32>,
    %get3A_648 = vector.shape_cast %get3A_647 : vector<1x16xi32> to vector<16xi32>
    %mul3A_649 = arith.constant 100000 : i32
    %mul3A_650 = vector.broadcast %mul3A_649 : i32 to vector<16xi32>
    %mul3A_651 = arith.muli %get3A_648, %mul3A_650 : vector<16xi32>
    %get3A_652 = arith.constant 0 : i32
    %get3A_653 = arith.index_cast %get3A_652 : i32 to index
    %get3A_654 = arith.constant 64 : index
    %get3A_655 = tpu.vector_load %arg9[%get3A_653, %get3A_654] {strides = array<i32>} : memref<4x128xi32, #tpu.memory_space<vmem>>, vector<1x16xi32>,
    %get3A_656 = vector.shape_cast %get3A_655 : vector<1x16xi32> to vector<16xi32>
    %add3A_657 = arith.addi %mul3A_651, %get3A_656 : vector<16xi32>
    %shift_right_arithmetic3A_658 = arith.constant 7 : i32
    %shift_right_arithmetic3A_659 = vector.broadcast %shift_right_arithmetic3A_658 : i32 to vector<16xi32>
    %shift_right_arithmetic3A_660 = arith.shrsi %add3A_657, %shift_right_arithmetic3A_659 : vector<16xi32>
    %mul3A_661 = arith.constant 896 : i32
    %mul3A_662 = vector.broadcast %mul3A_661 : i32 to vector<16xi32>
    %mul3A_663 = arith.muli %shift_right_arithmetic3A_660, %mul3A_662 : vector<16xi32>
    %add3A_664 = arith.addi %add3A_657, %mul3A_663 : vector<16xi32>
    %swap3A_665 = arith.constant 64 : index
    %swap3A_666 = tpu.vector_load %arg10[%swap3A_665] {strides = array<i32>} : memref<512xi32, #tpu.memory_space<vmem>>, vector<16xi32>,
    %swap3A_667 = vector.shape_cast %swap3A_666 : vector<16xi32> to vector<16xi32>
    %swap3A_668 = vector.shape_cast %add3A_664 : vector<16xi32> to vector<16xi32>
    tpu.vector_store %arg10[%swap3A_665], %swap3A_668 {strides = array<i32>} : memref<512xi32, #tpu.memory_space<vmem>>, vector<16xi32>,
    %get3A_669 = arith.constant 0 : i32
    %get3A_670 = arith.index_cast %get3A_669 : i32 to index
    %get3A_671 = arith.constant 80 : index
    %get3A_672 = tpu.vector_load %arg8[%get3A_670, %get3A_671] {strides = array<i32>} : memref<4x128xi32, #tpu.memory_space<vmem>>, vector<1x16xi32>,
    %get3A_673 = vector.shape_cast %get3A_672 : vector<1x16xi32> to vector<16xi32>
    %mul3A_674 = arith.constant 100000 : i32
    %mul3A_675 = vector.broadcast %mul3A_674 : i32 to vector<16xi32>
    %mul3A_676 = arith.muli %get3A_673, %mul3A_675 : vector<16xi32>
    %get3A_677 = arith.constant 0 : i32
    %get3A_678 = arith.index_cast %get3A_677 : i32 to index
    %get3A_679 = arith.constant 80 : index
    %get3A_680 = tpu.vector_load %arg9[%get3A_678, %get3A_679] {strides = array<i32>} : memref<4x128xi32, #tpu.memory_space<vmem>>, vector<1x16xi32>,
    %get3A_681 = vector.shape_cast %get3A_680 : vector<1x16xi32> to vector<16xi32>
    %add3A_682 = arith.addi %mul3A_676, %get3A_681 : vector<16xi32>
    %shift_right_arithmetic3A_683 = arith.constant 7 : i32
    %shift_right_arithmetic3A_684 = vector.broadcast %shift_right_arithmetic3A_683 : i32 to vector<16xi32>
    %shift_right_arithmetic3A_685 = arith.shrsi %add3A_682, %shift_right_arithmetic3A_684 : vector<16xi32>
    %mul3A_686 = arith.constant 896 : i32
    %mul3A_687 = vector.broadcast %mul3A_686 : i32 to vector<16xi32>
    %mul3A_688 = arith.muli %shift_right_arithmetic3A_685, %mul3A_687 : vector<16xi32>
    %add3A_689 = arith.addi %add3A_682, %mul3A_688 : vector<16xi32>
    %swap3A_690 = arith.constant 80 : index
    %swap3A_691 = tpu.vector_load %arg10[%swap3A_690] {strides = array<i32>} : memref<512xi32, #tpu.memory_space<vmem>>, vector<16xi32>,
    %swap3A_692 = vector.shape_cast %swap3A_691 : vector<16xi32> to vector<16xi32>
    %swap3A_693 = vector.shape_cast %add3A_689 : vector<16xi32> to vector<16xi32>
    tpu.vector_store %arg10[%swap3A_690], %swap3A_693 {strides = array<i32>} : memref<512xi32, #tpu.memory_space<vmem>>, vector<16xi32>,
    %get3A_694 = arith.constant 0 : i32
    %get3A_695 = arith.index_cast %get3A_694 : i32 to index
    %get3A_696 = arith.constant 96 : index
    %get3A_697 = tpu.vector_load %arg8[%get3A_695, %get3A_696] {strides = array<i32>} : memref<4x128xi32, #tpu.memory_space<vmem>>, vector<1x16xi32>,
    %get3A_698 = vector.shape_cast %get3A_697 : vector<1x16xi32> to vector<16xi32>
    %mul3A_699 = arith.constant 100000 : i32
    %mul3A_700 = vector.broadcast %mul3A_699 : i32 to vector<16xi32>
    %mul3A_701 = arith.muli %get3A_698, %mul3A_700 : vector<16xi32>
    %get3A_702 = arith.constant 0 : i32
    %get3A_703 = arith.index_cast %get3A_702 : i32 to index
    %get3A_704 = arith.constant 96 : index
    %get3A_705 = tpu.vector_load %arg9[%get3A_703, %get3A_704] {strides = array<i32>} : memref<4x128xi32, #tpu.memory_space<vmem>>, vector<1x16xi32>,
    %get3A_706 = vector.shape_cast %get3A_705 : vector<1x16xi32> to vector<16xi32>
    %add3A_707 = arith.addi %mul3A_701, %get3A_706 : vector<16xi32>
    %shift_right_arithmetic3A_708 = arith.constant 7 : i32
    %shift_right_arithmetic3A_709 = vector.broadcast %shift_right_arithmetic3A_708 : i32 to vector<16xi32>
    %shift_right_arithmetic3A_710 = arith.shrsi %add3A_707, %shift_right_arithmetic3A_709 : vector<16xi32>
    %mul3A_711 = arith.constant 896 : i32
    %mul3A_712 = vector.broadcast %mul3A_711 : i32 to vector<16xi32>
    %mul3A_713 = arith.muli %shift_right_arithmetic3A_710, %mul3A_712 : vector<16xi32>
    %add3A_714 = arith.addi %add3A_707, %mul3A_713 : vector<16xi32>
    %swap3A_715 = arith.constant 96 : index
    %swap3A_716 = tpu.vector_load %arg10[%swap3A_715] {strides = array<i32>} : memref<512xi32, #tpu.memory_space<vmem>>, vector<16xi32>,
    %swap3A_717 = vector.shape_cast %swap3A_716 : vector<16xi32> to vector<16xi32>
    %swap3A_718 = vector.shape_cast %add3A_714 : vector<16xi32> to vector<16xi32>
    tpu.vector_store %arg10[%swap3A_715], %swap3A_718 {strides = array<i32>} : memref<512xi32, #tpu.memory_space<vmem>>, vector<16xi32>,
    %get3A_719 = arith.constant 0 : i32
    %get3A_720 = arith.index_cast %get3A_719 : i32 to index
    %get3A_721 = arith.constant 112 : index
    %get3A_722 = tpu.vector_load %arg8[%get3A_720, %get3A_721] {strides = array<i32>} : memref<4x128xi32, #tpu.memory_space<vmem>>, vector<1x16xi32>,
    %get3A_723 = vector.shape_cast %get3A_722 : vector<1x16xi32> to vector<16xi32>
    %mul3A_724 = arith.constant 100000 : i32
    %mul3A_725 = vector.broadcast %mul3A_724 : i32 to vector<16xi32>
    %mul3A_726 = arith.muli %get3A_723, %mul3A_725 : vector<16xi32>
    %get3A_727 = arith.constant 0 : i32
    %get3A_728 = arith.index_cast %get3A_727 : i32 to index
    %get3A_729 = arith.constant 112 : index
    %get3A_730 = tpu.vector_load %arg9[%get3A_728, %get3A_729] {strides = array<i32>} : memref<4x128xi32, #tpu.memory_space<vmem>>, vector<1x16xi32>,
    %get3A_731 = vector.shape_cast %get3A_730 : vector<1x16xi32> to vector<16xi32>
    %add3A_732 = arith.addi %mul3A_726, %get3A_731 : vector<16xi32>
    %shift_right_arithmetic3A_733 = arith.constant 7 : i32
    %shift_right_arithmetic3A_734 = vector.broadcast %shift_right_arithmetic3A_733 : i32 to vector<16xi32>
    %shift_right_arithmetic3A_735 = arith.shrsi %add3A_732, %shift_right_arithmetic3A_734 : vector<16xi32>
    %mul3A_736 = arith.constant 896 : i32
    %mul3A_737 = vector.broadcast %mul3A_736 : i32 to vector<16xi32>
    %mul3A_738 = arith.muli %shift_right_arithmetic3A_735, %mul3A_737 : vector<16xi32>
    %add3A_739 = arith.addi %add3A_732, %mul3A_738 : vector<16xi32>
    %swap3A_740 = arith.constant 112 : index
    %swap3A_741 = tpu.vector_load %arg10[%swap3A_740] {strides = array<i32>} : memref<512xi32, #tpu.memory_space<vmem>>, vector<16xi32>,
    %swap3A_742 = vector.shape_cast %swap3A_741 : vector<16xi32> to vector<16xi32>
    %swap3A_743 = vector.shape_cast %add3A_739 : vector<16xi32> to vector<16xi32>
    tpu.vector_store %arg10[%swap3A_740], %swap3A_743 {strides = array<i32>} : memref<512xi32, #tpu.memory_space<vmem>>, vector<16xi32>,
    %get3A_744 = arith.constant 1 : i32
    %get3A_745 = arith.index_cast %get3A_744 : i32 to index
    %get3A_746 = arith.constant 0 : index
    %get3A_747 = tpu.vector_load %arg8[%get3A_745, %get3A_746] {strides = array<i32>} : memref<4x128xi32, #tpu.memory_space<vmem>>, vector<1x16xi32>,
    %get3A_748 = vector.shape_cast %get3A_747 : vector<1x16xi32> to vector<16xi32>
    %mul3A_749 = arith.constant 100000 : i32
    %mul3A_750 = vector.broadcast %mul3A_749 : i32 to vector<16xi32>
    %mul3A_751 = arith.muli %get3A_748, %mul3A_750 : vector<16xi32>
    %get3A_752 = arith.constant 1 : i32
    %get3A_753 = arith.index_cast %get3A_752 : i32 to index
    %get3A_754 = arith.constant 0 : index
    %get3A_755 = tpu.vector_load %arg9[%get3A_753, %get3A_754] {strides = array<i32>} : memref<4x128xi32, #tpu.memory_space<vmem>>, vector<1x16xi32>,
    %get3A_756 = vector.shape_cast %get3A_755 : vector<1x16xi32> to vector<16xi32>
    %add3A_757 = arith.addi %mul3A_751, %get3A_756 : vector<16xi32>
    %shift_right_arithmetic3A_758 = arith.constant 7 : i32
    %shift_right_arithmetic3A_759 = vector.broadcast %shift_right_arithmetic3A_758 : i32 to vector<16xi32>
    %shift_right_arithmetic3A_760 = arith.shrsi %add3A_757, %shift_right_arithmetic3A_759 : vector<16xi32>
    %mul3A_761 = arith.constant 896 : i32
    %mul3A_762 = vector.broadcast %mul3A_761 : i32 to vector<16xi32>
    %mul3A_763 = arith.muli %shift_right_arithmetic3A_760, %mul3A_762 : vector<16xi32>
    %add3A_764 = arith.addi %add3A_757, %mul3A_763 : vector<16xi32>
    %swap3A_765 = arith.constant 128 : index
    %swap3A_766 = tpu.vector_load %arg10[%swap3A_765] {strides = array<i32>} : memref<512xi32, #tpu.memory_space<vmem>>, vector<16xi32>,
    %swap3A_767 = vector.shape_cast %swap3A_766 : vector<16xi32> to vector<16xi32>
    %swap3A_768 = vector.shape_cast %add3A_764 : vector<16xi32> to vector<16xi32>
    tpu.vector_store %arg10[%swap3A_765], %swap3A_768 {strides = array<i32>} : memref<512xi32, #tpu.memory_space<vmem>>, vector<16xi32>,
    %get3A_769 = arith.constant 1 : i32
    %get3A_770 = arith.index_cast %get3A_769 : i32 to index
    %get3A_771 = arith.constant 16 : index
    %get3A_772 = tpu.vector_load %arg8[%get3A_770, %get3A_771] {strides = array<i32>} : memref<4x128xi32, #tpu.memory_space<vmem>>, vector<1x16xi32>,
    %get3A_773 = vector.shape_cast %get3A_772 : vector<1x16xi32> to vector<16xi32>
    %mul3A_774 = arith.constant 100000 : i32
    %mul3A_775 = vector.broadcast %mul3A_774 : i32 to vector<16xi32>
    %mul3A_776 = arith.muli %get3A_773, %mul3A_775 : vector<16xi32>
    %get3A_777 = arith.constant 1 : i32
    %get3A_778 = arith.index_cast %get3A_777 : i32 to index
    %get3A_779 = arith.constant 16 : index
    %get3A_780 = tpu.vector_load %arg9[%get3A_778, %get3A_779] {strides = array<i32>} : memref<4x128xi32, #tpu.memory_space<vmem>>, vector<1x16xi32>,
    %get3A_781 = vector.shape_cast %get3A_780 : vector<1x16xi32> to vector<16xi32>
    %add3A_782 = arith.addi %mul3A_776, %get3A_781 : vector<16xi32>
    %shift_right_arithmetic3A_783 = arith.constant 7 : i32
    %shift_right_arithmetic3A_784 = vector.broadcast %shift_right_arithmetic3A_783 : i32 to vector<16xi32>
    %shift_right_arithmetic3A_785 = arith.shrsi %add3A_782, %shift_right_arithmetic3A_784 : vector<16xi32>
    %mul3A_786 = arith.constant 896 : i32
    %mul3A_787 = vector.broadcast %mul3A_786 : i32 to vector<16xi32>
    %mul3A_788 = arith.muli %shift_right_arithmetic3A_785, %mul3A_787 : vector<16xi32>
    %add3A_789 = arith.addi %add3A_782, %mul3A_788 : vector<16xi32>
    %swap3A_790 = arith.constant 144 : index
    %swap3A_791 = tpu.vector_load %arg10[%swap3A_790] {strides = array<i32>} : memref<512xi32, #tpu.memory_space<vmem>>, vector<16xi32>,
    %swap3A_792 = vector.shape_cast %swap3A_791 : vector<16xi32> to vector<16xi32>
    %swap3A_793 = vector.shape_cast %add3A_789 : vector<16xi32> to vector<16xi32>
    tpu.vector_store %arg10[%swap3A_790], %swap3A_793 {strides = array<i32>} : memref<512xi32, #tpu.memory_space<vmem>>, vector<16xi32>,
    %get3A_794 = arith.constant 1 : i32
    %get3A_795 = arith.index_cast %get3A_794 : i32 to index
    %get3A_796 = arith.constant 32 : index
    %get3A_797 = tpu.vector_load %arg8[%get3A_795, %get3A_796] {strides = array<i32>} : memref<4x128xi32, #tpu.memory_space<vmem>>, vector<1x16xi32>,
    %get3A_798 = vector.shape_cast %get3A_797 : vector<1x16xi32> to vector<16xi32>
    %mul3A_799 = arith.constant 100000 : i32
    %mul3A_800 = vector.broadcast %mul3A_799 : i32 to vector<16xi32>
    %mul3A_801 = arith.muli %get3A_798, %mul3A_800 : vector<16xi32>
    %get3A_802 = arith.constant 1 : i32
    %get3A_803 = arith.index_cast %get3A_802 : i32 to index
    %get3A_804 = arith.constant 32 : index
    %get3A_805 = tpu.vector_load %arg9[%get3A_803, %get3A_804] {strides = array<i32>} : memref<4x128xi32, #tpu.memory_space<vmem>>, vector<1x16xi32>,
    %get3A_806 = vector.shape_cast %get3A_805 : vector<1x16xi32> to vector<16xi32>
    %add3A_807 = arith.addi %mul3A_801, %get3A_806 : vector<16xi32>
    %shift_right_arithmetic3A_808 = arith.constant 7 : i32
    %shift_right_arithmetic3A_809 = vector.broadcast %shift_right_arithmetic3A_808 : i32 to vector<16xi32>
    %shift_right_arithmetic3A_810 = arith.shrsi %add3A_807, %shift_right_arithmetic3A_809 : vector<16xi32>
    %mul3A_811 = arith.constant 896 : i32
    %mul3A_812 = vector.broadcast %mul3A_811 : i32 to vector<16xi32>
    %mul3A_813 = arith.muli %shift_right_arithmetic3A_810, %mul3A_812 : vector<16xi32>
    %add3A_814 = arith.addi %add3A_807, %mul3A_813 : vector<16xi32>
    %swap3A_815 = arith.constant 160 : index
    %swap3A_816 = tpu.vector_load %arg10[%swap3A_815] {strides = array<i32>} : memref<512xi32, #tpu.memory_space<vmem>>, vector<16xi32>,
    %swap3A_817 = vector.shape_cast %swap3A_816 : vector<16xi32> to vector<16xi32>
    %swap3A_818 = vector.shape_cast %add3A_814 : vector<16xi32> to vector<16xi32>
    tpu.vector_store %arg10[%swap3A_815], %swap3A_818 {strides = array<i32>} : memref<512xi32, #tpu.memory_space<vmem>>, vector<16xi32>,
    %get3A_819 = arith.constant 1 : i32
    %get3A_820 = arith.index_cast %get3A_819 : i32 to index
    %get3A_821 = arith.constant 48 : index
    %get3A_822 = tpu.vector_load %arg8[%get3A_820, %get3A_821] {strides = array<i32>} : memref<4x128xi32, #tpu.memory_space<vmem>>, vector<1x16xi32>,
    %get3A_823 = vector.shape_cast %get3A_822 : vector<1x16xi32> to vector<16xi32>
    %mul3A_824 = arith.constant 100000 : i32
    %mul3A_825 = vector.broadcast %mul3A_824 : i32 to vector<16xi32>
    %mul3A_826 = arith.muli %get3A_823, %mul3A_825 : vector<16xi32>
    %get3A_827 = arith.constant 1 : i32
    %get3A_828 = arith.index_cast %get3A_827 : i32 to index
    %get3A_829 = arith.constant 48 : index
    %get3A_830 = tpu.vector_load %arg9[%get3A_828, %get3A_829] {strides = array<i32>} : memref<4x128xi32, #tpu.memory_space<vmem>>, vector<1x16xi32>,
    %get3A_831 = vector.shape_cast %get3A_830 : vector<1x16xi32> to vector<16xi32>
    %add3A_832 = arith.addi %mul3A_826, %get3A_831 : vector<16xi32>
    %shift_right_arithmetic3A_833 = arith.constant 7 : i32
    %shift_right_arithmetic3A_834 = vector.broadcast %shift_right_arithmetic3A_833 : i32 to vector<16xi32>
    %shift_right_arithmetic3A_835 = arith.shrsi %add3A_832, %shift_right_arithmetic3A_834 : vector<16xi32>
    %mul3A_836 = arith.constant 896 : i32
    %mul3A_837 = vector.broadcast %mul3A_836 : i32 to vector<16xi32>
    %mul3A_838 = arith.muli %shift_right_arithmetic3A_835, %mul3A_837 : vector<16xi32>
    %add3A_839 = arith.addi %add3A_832, %mul3A_838 : vector<16xi32>
    %swap3A_840 = arith.constant 176 : index
    %swap3A_841 = tpu.vector_load %arg10[%swap3A_840] {strides = array<i32>} : memref<512xi32, #tpu.memory_space<vmem>>, vector<16xi32>,
    %swap3A_842 = vector.shape_cast %swap3A_841 : vector<16xi32> to vector<16xi32>
    %swap3A_843 = vector.shape_cast %add3A_839 : vector<16xi32> to vector<16xi32>
    tpu.vector_store %arg10[%swap3A_840], %swap3A_843 {strides = array<i32>} : memref<512xi32, #tpu.memory_space<vmem>>, vector<16xi32>,
    %get3A_844 = arith.constant 1 : i32
    %get3A_845 = arith.index_cast %get3A_844 : i32 to index
    %get3A_846 = arith.constant 64 : index
    %get3A_847 = tpu.vector_load %arg8[%get3A_845, %get3A_846] {strides = array<i32>} : memref<4x128xi32, #tpu.memory_space<vmem>>, vector<1x16xi32>,
    %get3A_848 = vector.shape_cast %get3A_847 : vector<1x16xi32> to vector<16xi32>
    %mul3A_849 = arith.constant 100000 : i32
    %mul3A_850 = vector.broadcast %mul3A_849 : i32 to vector<16xi32>
    %mul3A_851 = arith.muli %get3A_848, %mul3A_850 : vector<16xi32>
    %get3A_852 = arith.constant 1 : i32
    %get3A_853 = arith.index_cast %get3A_852 : i32 to index
    %get3A_854 = arith.constant 64 : index
    %get3A_855 = tpu.vector_load %arg9[%get3A_853, %get3A_854] {strides = array<i32>} : memref<4x128xi32, #tpu.memory_space<vmem>>, vector<1x16xi32>,
    %get3A_856 = vector.shape_cast %get3A_855 : vector<1x16xi32> to vector<16xi32>
    %add3A_857 = arith.addi %mul3A_851, %get3A_856 : vector<16xi32>
    %shift_right_arithmetic3A_858 = arith.constant 7 : i32
    %shift_right_arithmetic3A_859 = vector.broadcast %shift_right_arithmetic3A_858 : i32 to vector<16xi32>
    %shift_right_arithmetic3A_860 = arith.shrsi %add3A_857, %shift_right_arithmetic3A_859 : vector<16xi32>
    %mul3A_861 = arith.constant 896 : i32
    %mul3A_862 = vector.broadcast %mul3A_861 : i32 to vector<16xi32>
    %mul3A_863 = arith.muli %shift_right_arithmetic3A_860, %mul3A_862 : vector<16xi32>
    %add3A_864 = arith.addi %add3A_857, %mul3A_863 : vector<16xi32>
    %swap3A_865 = arith.constant 192 : index
    %swap3A_866 = tpu.vector_load %arg10[%swap3A_865] {strides = array<i32>} : memref<512xi32, #tpu.memory_space<vmem>>, vector<16xi32>,
    %swap3A_867 = vector.shape_cast %swap3A_866 : vector<16xi32> to vector<16xi32>
    %swap3A_868 = vector.shape_cast %add3A_864 : vector<16xi32> to vector<16xi32>
    tpu.vector_store %arg10[%swap3A_865], %swap3A_868 {strides = array<i32>} : memref<512xi32, #tpu.memory_space<vmem>>, vector<16xi32>,
    %get3A_869 = arith.constant 1 : i32
    %get3A_870 = arith.index_cast %get3A_869 : i32 to index
    %get3A_871 = arith.constant 80 : index
    %get3A_872 = tpu.vector_load %arg8[%get3A_870, %get3A_871] {strides = array<i32>} : memref<4x128xi32, #tpu.memory_space<vmem>>, vector<1x16xi32>,
    %get3A_873 = vector.shape_cast %get3A_872 : vector<1x16xi32> to vector<16xi32>
    %mul3A_874 = arith.constant 100000 : i32
    %mul3A_875 = vector.broadcast %mul3A_874 : i32 to vector<16xi32>
    %mul3A_876 = arith.muli %get3A_873, %mul3A_875 : vector<16xi32>
    %get3A_877 = arith.constant 1 : i32
    %get3A_878 = arith.index_cast %get3A_877 : i32 to index
    %get3A_879 = arith.constant 80 : index
    %get3A_880 = tpu.vector_load %arg9[%get3A_878, %get3A_879] {strides = array<i32>} : memref<4x128xi32, #tpu.memory_space<vmem>>, vector<1x16xi32>,
    %get3A_881 = vector.shape_cast %get3A_880 : vector<1x16xi32> to vector<16xi32>
    %add3A_882 = arith.addi %mul3A_876, %get3A_881 : vector<16xi32>
    %shift_right_arithmetic3A_883 = arith.constant 7 : i32
    %shift_right_arithmetic3A_884 = vector.broadcast %shift_right_arithmetic3A_883 : i32 to vector<16xi32>
    %shift_right_arithmetic3A_885 = arith.shrsi %add3A_882, %shift_right_arithmetic3A_884 : vector<16xi32>
    %mul3A_886 = arith.constant 896 : i32
    %mul3A_887 = vector.broadcast %mul3A_886 : i32 to vector<16xi32>
    %mul3A_888 = arith.muli %shift_right_arithmetic3A_885, %mul3A_887 : vector<16xi32>
    %add3A_889 = arith.addi %add3A_882, %mul3A_888 : vector<16xi32>
    %swap3A_890 = arith.constant 208 : index
    %swap3A_891 = tpu.vector_load %arg10[%swap3A_890] {strides = array<i32>} : memref<512xi32, #tpu.memory_space<vmem>>, vector<16xi32>,
    %swap3A_892 = vector.shape_cast %swap3A_891 : vector<16xi32> to vector<16xi32>
    %swap3A_893 = vector.shape_cast %add3A_889 : vector<16xi32> to vector<16xi32>
    tpu.vector_store %arg10[%swap3A_890], %swap3A_893 {strides = array<i32>} : memref<512xi32, #tpu.memory_space<vmem>>, vector<16xi32>,
    %get3A_894 = arith.constant 1 : i32
    %get3A_895 = arith.index_cast %get3A_894 : i32 to index
    %get3A_896 = arith.constant 96 : index
    %get3A_897 = tpu.vector_load %arg8[%get3A_895, %get3A_896] {strides = array<i32>} : memref<4x128xi32, #tpu.memory_space<vmem>>, vector<1x16xi32>,
    %get3A_898 = vector.shape_cast %get3A_897 : vector<1x16xi32> to vector<16xi32>
    %mul3A_899 = arith.constant 100000 : i32
    %mul3A_900 = vector.broadcast %mul3A_899 : i32 to vector<16xi32>
    %mul3A_901 = arith.muli %get3A_898, %mul3A_900 : vector<16xi32>
    %get3A_902 = arith.constant 1 : i32
    %get3A_903 = arith.index_cast %get3A_902 : i32 to index
    %get3A_904 = arith.constant 96 : index
    %get3A_905 = tpu.vector_load %arg9[%get3A_903, %get3A_904] {strides = array<i32>} : memref<4x128xi32, #tpu.memory_space<vmem>>, vector<1x16xi32>,
    %get3A_906 = vector.shape_cast %get3A_905 : vector<1x16xi32> to vector<16xi32>
    %add3A_907 = arith.addi %mul3A_901, %get3A_906 : vector<16xi32>
    %shift_right_arithmetic3A_908 = arith.constant 7 : i32
    %shift_right_arithmetic3A_909 = vector.broadcast %shift_right_arithmetic3A_908 : i32 to vector<16xi32>
    %shift_right_arithmetic3A_910 = arith.shrsi %add3A_907, %shift_right_arithmetic3A_909 : vector<16xi32>
    %mul3A_911 = arith.constant 896 : i32
    %mul3A_912 = vector.broadcast %mul3A_911 : i32 to vector<16xi32>
    %mul3A_913 = arith.muli %shift_right_arithmetic3A_910, %mul3A_912 : vector<16xi32>
    %add3A_914 = arith.addi %add3A_907, %mul3A_913 : vector<16xi32>
    %swap3A_915 = arith.constant 224 : index
    %swap3A_916 = tpu.vector_load %arg10[%swap3A_915] {strides = array<i32>} : memref<512xi32, #tpu.memory_space<vmem>>, vector<16xi32>,
    %swap3A_917 = vector.shape_cast %swap3A_916 : vector<16xi32> to vector<16xi32>
    %swap3A_918 = vector.shape_cast %add3A_914 : vector<16xi32> to vector<16xi32>
    tpu.vector_store %arg10[%swap3A_915], %swap3A_918 {strides = array<i32>} : memref<512xi32, #tpu.memory_space<vmem>>, vector<16xi32>,
    %get3A_919 = arith.constant 1 : i32
    %get3A_920 = arith.index_cast %get3A_919 : i32 to index
    %get3A_921 = arith.constant 112 : index
    %get3A_922 = tpu.vector_load %arg8[%get3A_920, %get3A_921] {strides = array<i32>} : memref<4x128xi32, #tpu.memory_space<vmem>>, vector<1x16xi32>,
    %get3A_923 = vector.shape_cast %get3A_922 : vector<1x16xi32> to vector<16xi32>
    %mul3A_924 = arith.constant 100000 : i32
    %mul3A_925 = vector.broadcast %mul3A_924 : i32 to vector<16xi32>
    %mul3A_926 = arith.muli %get3A_923, %mul3A_925 : vector<16xi32>
    %get3A_927 = arith.constant 1 : i32
    %get3A_928 = arith.index_cast %get3A_927 : i32 to index
    %get3A_929 = arith.constant 112 : index
    %get3A_930 = tpu.vector_load %arg9[%get3A_928, %get3A_929] {strides = array<i32>} : memref<4x128xi32, #tpu.memory_space<vmem>>, vector<1x16xi32>,
    %get3A_931 = vector.shape_cast %get3A_930 : vector<1x16xi32> to vector<16xi32>
    %add3A_932 = arith.addi %mul3A_926, %get3A_931 : vector<16xi32>
    %shift_right_arithmetic3A_933 = arith.constant 7 : i32
    %shift_right_arithmetic3A_934 = vector.broadcast %shift_right_arithmetic3A_933 : i32 to vector<16xi32>
    %shift_right_arithmetic3A_935 = arith.shrsi %add3A_932, %shift_right_arithmetic3A_934 : vector<16xi32>
    %mul3A_936 = arith.constant 896 : i32
    %mul3A_937 = vector.broadcast %mul3A_936 : i32 to vector<16xi32>
    %mul3A_938 = arith.muli %shift_right_arithmetic3A_935, %mul3A_937 : vector<16xi32>
    %add3A_939 = arith.addi %add3A_932, %mul3A_938 : vector<16xi32>
    %swap3A_940 = arith.constant 240 : index
    %swap3A_941 = tpu.vector_load %arg10[%swap3A_940] {strides = array<i32>} : memref<512xi32, #tpu.memory_space<vmem>>, vector<16xi32>,
    %swap3A_942 = vector.shape_cast %swap3A_941 : vector<16xi32> to vector<16xi32>
    %swap3A_943 = vector.shape_cast %add3A_939 : vector<16xi32> to vector<16xi32>
    tpu.vector_store %arg10[%swap3A_940], %swap3A_943 {strides = array<i32>} : memref<512xi32, #tpu.memory_space<vmem>>, vector<16xi32>,
    %get3A_944 = arith.constant 2 : i32
    %get3A_945 = arith.index_cast %get3A_944 : i32 to index
    %get3A_946 = arith.constant 0 : index
    %get3A_947 = tpu.vector_load %arg8[%get3A_945, %get3A_946] {strides = array<i32>} : memref<4x128xi32, #tpu.memory_space<vmem>>, vector<1x16xi32>,
    %get3A_948 = vector.shape_cast %get3A_947 : vector<1x16xi32> to vector<16xi32>
    %mul3A_949 = arith.constant 100000 : i32
    %mul3A_950 = vector.broadcast %mul3A_949 : i32 to vector<16xi32>
    %mul3A_951 = arith.muli %get3A_948, %mul3A_950 : vector<16xi32>
    %get3A_952 = arith.constant 2 : i32
    %get3A_953 = arith.index_cast %get3A_952 : i32 to index
    %get3A_954 = arith.constant 0 : index
    %get3A_955 = tpu.vector_load %arg9[%get3A_953, %get3A_954] {strides = array<i32>} : memref<4x128xi32, #tpu.memory_space<vmem>>, vector<1x16xi32>,
    %get3A_956 = vector.shape_cast %get3A_955 : vector<1x16xi32> to vector<16xi32>
    %add3A_957 = arith.addi %mul3A_951, %get3A_956 : vector<16xi32>
    %shift_right_arithmetic3A_958 = arith.constant 7 : i32
    %shift_right_arithmetic3A_959 = vector.broadcast %shift_right_arithmetic3A_958 : i32 to vector<16xi32>
    %shift_right_arithmetic3A_960 = arith.shrsi %add3A_957, %shift_right_arithmetic3A_959 : vector<16xi32>
    %mul3A_961 = arith.constant 896 : i32
    %mul3A_962 = vector.broadcast %mul3A_961 : i32 to vector<16xi32>
    %mul3A_963 = arith.muli %shift_right_arithmetic3A_960, %mul3A_962 : vector<16xi32>
    %add3A_964 = arith.addi %add3A_957, %mul3A_963 : vector<16xi32>
    %swap3A_965 = arith.constant 256 : index
    %swap3A_966 = tpu.vector_load %arg10[%swap3A_965] {strides = array<i32>} : memref<512xi32, #tpu.memory_space<vmem>>, vector<16xi32>,
    %swap3A_967 = vector.shape_cast %swap3A_966 : vector<16xi32> to vector<16xi32>
    %swap3A_968 = vector.shape_cast %add3A_964 : vector<16xi32> to vector<16xi32>
    tpu.vector_store %arg10[%swap3A_965], %swap3A_968 {strides = array<i32>} : memref<512xi32, #tpu.memory_space<vmem>>, vector<16xi32>,
    %get3A_969 = arith.constant 2 : i32
    %get3A_970 = arith.index_cast %get3A_969 : i32 to index
    %get3A_971 = arith.constant 16 : index
    %get3A_972 = tpu.vector_load %arg8[%get3A_970, %get3A_971] {strides = array<i32>} : memref<4x128xi32, #tpu.memory_space<vmem>>, vector<1x16xi32>,
    %get3A_973 = vector.shape_cast %get3A_972 : vector<1x16xi32> to vector<16xi32>
    %mul3A_974 = arith.constant 100000 : i32
    %mul3A_975 = vector.broadcast %mul3A_974 : i32 to vector<16xi32>
    %mul3A_976 = arith.muli %get3A_973, %mul3A_975 : vector<16xi32>
    %get3A_977 = arith.constant 2 : i32
    %get3A_978 = arith.index_cast %get3A_977 : i32 to index
    %get3A_979 = arith.constant 16 : index
    %get3A_980 = tpu.vector_load %arg9[%get3A_978, %get3A_979] {strides = array<i32>} : memref<4x128xi32, #tpu.memory_space<vmem>>, vector<1x16xi32>,
    %get3A_981 = vector.shape_cast %get3A_980 : vector<1x16xi32> to vector<16xi32>
    %add3A_982 = arith.addi %mul3A_976, %get3A_981 : vector<16xi32>
    %shift_right_arithmetic3A_983 = arith.constant 7 : i32
    %shift_right_arithmetic3A_984 = vector.broadcast %shift_right_arithmetic3A_983 : i32 to vector<16xi32>
    %shift_right_arithmetic3A_985 = arith.shrsi %add3A_982, %shift_right_arithmetic3A_984 : vector<16xi32>
    %mul3A_986 = arith.constant 896 : i32
    %mul3A_987 = vector.broadcast %mul3A_986 : i32 to vector<16xi32>
    %mul3A_988 = arith.muli %shift_right_arithmetic3A_985, %mul3A_987 : vector<16xi32>
    %add3A_989 = arith.addi %add3A_982, %mul3A_988 : vector<16xi32>
    %swap3A_990 = arith.constant 272 : index
    %swap3A_991 = tpu.vector_load %arg10[%swap3A_990] {strides = array<i32>} : memref<512xi32, #tpu.memory_space<vmem>>, vector<16xi32>,
    %swap3A_992 = vector.shape_cast %swap3A_991 : vector<16xi32> to vector<16xi32>
    %swap3A_993 = vector.shape_cast %add3A_989 : vector<16xi32> to vector<16xi32>
    tpu.vector_store %arg10[%swap3A_990], %swap3A_993 {strides = array<i32>} : memref<512xi32, #tpu.memory_space<vmem>>, vector<16xi32>,
    %get3A_994 = arith.constant 2 : i32
    %get3A_995 = arith.index_cast %get3A_994 : i32 to index
    %get3A_996 = arith.constant 32 : index
    %get3A_997 = tpu.vector_load %arg8[%get3A_995, %get3A_996] {strides = array<i32>} : memref<4x128xi32, #tpu.memory_space<vmem>>, vector<1x16xi32>,
    %get3A_998 = vector.shape_cast %get3A_997 : vector<1x16xi32> to vector<16xi32>
    %mul3A_999 = arith.constant 100000 : i32
    %mul3A_1000 = vector.broadcast %mul3A_999 : i32 to vector<16xi32>
    %mul3A_1001 = arith.muli %get3A_998, %mul3A_1000 : vector<16xi32>
    %get3A_1002 = arith.constant 2 : i32
    %get3A_1003 = arith.index_cast %get3A_1002 : i32 to index
    %get3A_1004 = arith.constant 32 : index
    %get3A_1005 = tpu.vector_load %arg9[%get3A_1003, %get3A_1004] {strides = array<i32>} : memref<4x128xi32, #tpu.memory_space<vmem>>, vector<1x16xi32>,
    %get3A_1006 = vector.shape_cast %get3A_1005 : vector<1x16xi32> to vector<16xi32>
    %add3A_1007 = arith.addi %mul3A_1001, %get3A_1006 : vector<16xi32>
    %shift_right_arithmetic3A_1008 = arith.constant 7 : i32
    %shift_right_arithmetic3A_1009 = vector.broadcast %shift_right_arithmetic3A_1008 : i32 to vector<16xi32>
    %shift_right_arithmetic3A_1010 = arith.shrsi %add3A_1007, %shift_right_arithmetic3A_1009 : vector<16xi32>
    %mul3A_1011 = arith.constant 896 : i32
    %mul3A_1012 = vector.broadcast %mul3A_1011 : i32 to vector<16xi32>
    %mul3A_1013 = arith.muli %shift_right_arithmetic3A_1010, %mul3A_1012 : vector<16xi32>
    %add3A_1014 = arith.addi %add3A_1007, %mul3A_1013 : vector<16xi32>
    %swap3A_1015 = arith.constant 288 : index
    %swap3A_1016 = tpu.vector_load %arg10[%swap3A_1015] {strides = array<i32>} : memref<512xi32, #tpu.memory_space<vmem>>, vector<16xi32>,
    %swap3A_1017 = vector.shape_cast %swap3A_1016 : vector<16xi32> to vector<16xi32>
    %swap3A_1018 = vector.shape_cast %add3A_1014 : vector<16xi32> to vector<16xi32>
    tpu.vector_store %arg10[%swap3A_1015], %swap3A_1018 {strides = array<i32>} : memref<512xi32, #tpu.memory_space<vmem>>, vector<16xi32>,
    %get3A_1019 = arith.constant 2 : i32
    %get3A_1020 = arith.index_cast %get3A_1019 : i32 to index
    %get3A_1021 = arith.constant 48 : index
    %get3A_1022 = tpu.vector_load %arg8[%get3A_1020, %get3A_1021] {strides = array<i32>} : memref<4x128xi32, #tpu.memory_space<vmem>>, vector<1x16xi32>,
    %get3A_1023 = vector.shape_cast %get3A_1022 : vector<1x16xi32> to vector<16xi32>
    %mul3A_1024 = arith.constant 100000 : i32
    %mul3A_1025 = vector.broadcast %mul3A_1024 : i32 to vector<16xi32>
    %mul3A_1026 = arith.muli %get3A_1023, %mul3A_1025 : vector<16xi32>
    %get3A_1027 = arith.constant 2 : i32
    %get3A_1028 = arith.index_cast %get3A_1027 : i32 to index
    %get3A_1029 = arith.constant 48 : index
    %get3A_1030 = tpu.vector_load %arg9[%get3A_1028, %get3A_1029] {strides = array<i32>} : memref<4x128xi32, #tpu.memory_space<vmem>>, vector<1x16xi32>,
    %get3A_1031 = vector.shape_cast %get3A_1030 : vector<1x16xi32> to vector<16xi32>
    %add3A_1032 = arith.addi %mul3A_1026, %get3A_1031 : vector<16xi32>
    %shift_right_arithmetic3A_1033 = arith.constant 7 : i32
    %shift_right_arithmetic3A_1034 = vector.broadcast %shift_right_arithmetic3A_1033 : i32 to vector<16xi32>
    %shift_right_arithmetic3A_1035 = arith.shrsi %add3A_1032, %shift_right_arithmetic3A_1034 : vector<16xi32>
    %mul3A_1036 = arith.constant 896 : i32
    %mul3A_1037 = vector.broadcast %mul3A_1036 : i32 to vector<16xi32>
    %mul3A_1038 = arith.muli %shift_right_arithmetic3A_1035, %mul3A_1037 : vector<16xi32>
    %add3A_1039 = arith.addi %add3A_1032, %mul3A_1038 : vector<16xi32>
    %swap3A_1040 = arith.constant 304 : index
    %swap3A_1041 = tpu.vector_load %arg10[%swap3A_1040] {strides = array<i32>} : memref<512xi32, #tpu.memory_space<vmem>>, vector<16xi32>,
    %swap3A_1042 = vector.shape_cast %swap3A_1041 : vector<16xi32> to vector<16xi32>
    %swap3A_1043 = vector.shape_cast %add3A_1039 : vector<16xi32> to vector<16xi32>
    tpu.vector_store %arg10[%swap3A_1040], %swap3A_1043 {strides = array<i32>} : memref<512xi32, #tpu.memory_space<vmem>>, vector<16xi32>,
    %get3A_1044 = arith.constant 2 : i32
    %get3A_1045 = arith.index_cast %get3A_1044 : i32 to index
    %get3A_1046 = arith.constant 64 : index
    %get3A_1047 = tpu.vector_load %arg8[%get3A_1045, %get3A_1046] {strides = array<i32>} : memref<4x128xi32, #tpu.memory_space<vmem>>, vector<1x16xi32>,
    %get3A_1048 = vector.shape_cast %get3A_1047 : vector<1x16xi32> to vector<16xi32>
    %mul3A_1049 = arith.constant 100000 : i32
    %mul3A_1050 = vector.broadcast %mul3A_1049 : i32 to vector<16xi32>
    %mul3A_1051 = arith.muli %get3A_1048, %mul3A_1050 : vector<16xi32>
    %get3A_1052 = arith.constant 2 : i32
    %get3A_1053 = arith.index_cast %get3A_1052 : i32 to index
    %get3A_1054 = arith.constant 64 : index
    %get3A_1055 = tpu.vector_load %arg9[%get3A_1053, %get3A_1054] {strides = array<i32>} : memref<4x128xi32, #tpu.memory_space<vmem>>, vector<1x16xi32>,
    %get3A_1056 = vector.shape_cast %get3A_1055 : vector<1x16xi32> to vector<16xi32>
    %add3A_1057 = arith.addi %mul3A_1051, %get3A_1056 : vector<16xi32>
    %shift_right_arithmetic3A_1058 = arith.constant 7 : i32
    %shift_right_arithmetic3A_1059 = vector.broadcast %shift_right_arithmetic3A_1058 : i32 to vector<16xi32>
    %shift_right_arithmetic3A_1060 = arith.shrsi %add3A_1057, %shift_right_arithmetic3A_1059 : vector<16xi32>
    %mul3A_1061 = arith.constant 896 : i32
    %mul3A_1062 = vector.broadcast %mul3A_1061 : i32 to vector<16xi32>
    %mul3A_1063 = arith.muli %shift_right_arithmetic3A_1060, %mul3A_1062 : vector<16xi32>
    %add3A_1064 = arith.addi %add3A_1057, %mul3A_1063 : vector<16xi32>
    %swap3A_1065 = arith.constant 320 : index
    %swap3A_1066 = tpu.vector_load %arg10[%swap3A_1065] {strides = array<i32>} : memref<512xi32, #tpu.memory_space<vmem>>, vector<16xi32>,
    %swap3A_1067 = vector.shape_cast %swap3A_1066 : vector<16xi32> to vector<16xi32>
    %swap3A_1068 = vector.shape_cast %add3A_1064 : vector<16xi32> to vector<16xi32>
    tpu.vector_store %arg10[%swap3A_1065], %swap3A_1068 {strides = array<i32>} : memref<512xi32, #tpu.memory_space<vmem>>, vector<16xi32>,
    %get3A_1069 = arith.constant 2 : i32
    %get3A_1070 = arith.index_cast %get3A_1069 : i32 to index
    %get3A_1071 = arith.constant 80 : index
    %get3A_1072 = tpu.vector_load %arg8[%get3A_1070, %get3A_1071] {strides = array<i32>} : memref<4x128xi32, #tpu.memory_space<vmem>>, vector<1x16xi32>,
    %get3A_1073 = vector.shape_cast %get3A_1072 : vector<1x16xi32> to vector<16xi32>
    %mul3A_1074 = arith.constant 100000 : i32
    %mul3A_1075 = vector.broadcast %mul3A_1074 : i32 to vector<16xi32>
    %mul3A_1076 = arith.muli %get3A_1073, %mul3A_1075 : vector<16xi32>
    %get3A_1077 = arith.constant 2 : i32
    %get3A_1078 = arith.index_cast %get3A_1077 : i32 to index
    %get3A_1079 = arith.constant 80 : index
    %get3A_1080 = tpu.vector_load %arg9[%get3A_1078, %get3A_1079] {strides = array<i32>} : memref<4x128xi32, #tpu.memory_space<vmem>>, vector<1x16xi32>,
    %get3A_1081 = vector.shape_cast %get3A_1080 : vector<1x16xi32> to vector<16xi32>
    %add3A_1082 = arith.addi %mul3A_1076, %get3A_1081 : vector<16xi32>
    %shift_right_arithmetic3A_1083 = arith.constant 7 : i32
    %shift_right_arithmetic3A_1084 = vector.broadcast %shift_right_arithmetic3A_1083 : i32 to vector<16xi32>
    %shift_right_arithmetic3A_1085 = arith.shrsi %add3A_1082, %shift_right_arithmetic3A_1084 : vector<16xi32>
    %mul3A_1086 = arith.constant 896 : i32
    %mul3A_1087 = vector.broadcast %mul3A_1086 : i32 to vector<16xi32>
    %mul3A_1088 = arith.muli %shift_right_arithmetic3A_1085, %mul3A_1087 : vector<16xi32>
    %add3A_1089 = arith.addi %add3A_1082, %mul3A_1088 : vector<16xi32>
    %swap3A_1090 = arith.constant 336 : index
    %swap3A_1091 = tpu.vector_load %arg10[%swap3A_1090] {strides = array<i32>} : memref<512xi32, #tpu.memory_space<vmem>>, vector<16xi32>,
    %swap3A_1092 = vector.shape_cast %swap3A_1091 : vector<16xi32> to vector<16xi32>
    %swap3A_1093 = vector.shape_cast %add3A_1089 : vector<16xi32> to vector<16xi32>
    tpu.vector_store %arg10[%swap3A_1090], %swap3A_1093 {strides = array<i32>} : memref<512xi32, #tpu.memory_space<vmem>>, vector<16xi32>,
    %get3A_1094 = arith.constant 2 : i32
    %get3A_1095 = arith.index_cast %get3A_1094 : i32 to index
    %get3A_1096 = arith.constant 96 : index
    %get3A_1097 = tpu.vector_load %arg8[%get3A_1095, %get3A_1096] {strides = array<i32>} : memref<4x128xi32, #tpu.memory_space<vmem>>, vector<1x16xi32>,
    %get3A_1098 = vector.shape_cast %get3A_1097 : vector<1x16xi32> to vector<16xi32>
    %mul3A_1099 = arith.constant 100000 : i32
    %mul3A_1100 = vector.broadcast %mul3A_1099 : i32 to vector<16xi32>
    %mul3A_1101 = arith.muli %get3A_1098, %mul3A_1100 : vector<16xi32>
    %get3A_1102 = arith.constant 2 : i32
    %get3A_1103 = arith.index_cast %get3A_1102 : i32 to index
    %get3A_1104 = arith.constant 96 : index
    %get3A_1105 = tpu.vector_load %arg9[%get3A_1103, %get3A_1104] {strides = array<i32>} : memref<4x128xi32, #tpu.memory_space<vmem>>, vector<1x16xi32>,
    %get3A_1106 = vector.shape_cast %get3A_1105 : vector<1x16xi32> to vector<16xi32>
    %add3A_1107 = arith.addi %mul3A_1101, %get3A_1106 : vector<16xi32>
    %shift_right_arithmetic3A_1108 = arith.constant 7 : i32
    %shift_right_arithmetic3A_1109 = vector.broadcast %shift_right_arithmetic3A_1108 : i32 to vector<16xi32>
    %shift_right_arithmetic3A_1110 = arith.shrsi %add3A_1107, %shift_right_arithmetic3A_1109 : vector<16xi32>
    %mul3A_1111 = arith.constant 896 : i32
    %mul3A_1112 = vector.broadcast %mul3A_1111 : i32 to vector<16xi32>
    %mul3A_1113 = arith.muli %shift_right_arithmetic3A_1110, %mul3A_1112 : vector<16xi32>
    %add3A_1114 = arith.addi %add3A_1107, %mul3A_1113 : vector<16xi32>
    %swap3A_1115 = arith.constant 352 : index
    %swap3A_1116 = tpu.vector_load %arg10[%swap3A_1115] {strides = array<i32>} : memref<512xi32, #tpu.memory_space<vmem>>, vector<16xi32>,
    %swap3A_1117 = vector.shape_cast %swap3A_1116 : vector<16xi32> to vector<16xi32>
    %swap3A_1118 = vector.shape_cast %add3A_1114 : vector<16xi32> to vector<16xi32>
    tpu.vector_store %arg10[%swap3A_1115], %swap3A_1118 {strides = array<i32>} : memref<512xi32, #tpu.memory_space<vmem>>, vector<16xi32>,
    %get3A_1119 = arith.constant 2 : i32
    %get3A_1120 = arith.index_cast %get3A_1119 : i32 to index
    %get3A_1121 = arith.constant 112 : index
    %get3A_1122 = tpu.vector_load %arg8[%get3A_1120, %get3A_1121] {strides = array<i32>} : memref<4x128xi32, #tpu.memory_space<vmem>>, vector<1x16xi32>,
    %get3A_1123 = vector.shape_cast %get3A_1122 : vector<1x16xi32> to vector<16xi32>
    %mul3A_1124 = arith.constant 100000 : i32
    %mul3A_1125 = vector.broadcast %mul3A_1124 : i32 to vector<16xi32>
    %mul3A_1126 = arith.muli %get3A_1123, %mul3A_1125 : vector<16xi32>
    %get3A_1127 = arith.constant 2 : i32
    %get3A_1128 = arith.index_cast %get3A_1127 : i32 to index
    %get3A_1129 = arith.constant 112 : index
    %get3A_1130 = tpu.vector_load %arg9[%get3A_1128, %get3A_1129] {strides = array<i32>} : memref<4x128xi32, #tpu.memory_space<vmem>>, vector<1x16xi32>,
    %get3A_1131 = vector.shape_cast %get3A_1130 : vector<1x16xi32> to vector<16xi32>
    %add3A_1132 = arith.addi %mul3A_1126, %get3A_1131 : vector<16xi32>
    %shift_right_arithmetic3A_1133 = arith.constant 7 : i32
    %shift_right_arithmetic3A_1134 = vector.broadcast %shift_right_arithmetic3A_1133 : i32 to vector<16xi32>
    %shift_right_arithmetic3A_1135 = arith.shrsi %add3A_1132, %shift_right_arithmetic3A_1134 : vector<16xi32>
    %mul3A_1136 = arith.constant 896 : i32
    %mul3A_1137 = vector.broadcast %mul3A_1136 : i32 to vector<16xi32>
    %mul3A_1138 = arith.muli %shift_right_arithmetic3A_1135, %mul3A_1137 : vector<16xi32>
    %add3A_1139 = arith.addi %add3A_1132, %mul3A_1138 : vector<16xi32>
    %swap3A_1140 = arith.constant 368 : index
    %swap3A_1141 = tpu.vector_load %arg10[%swap3A_1140] {strides = array<i32>} : memref<512xi32, #tpu.memory_space<vmem>>, vector<16xi32>,
    %swap3A_1142 = vector.shape_cast %swap3A_1141 : vector<16xi32> to vector<16xi32>
    %swap3A_1143 = vector.shape_cast %add3A_1139 : vector<16xi32> to vector<16xi32>
    tpu.vector_store %arg10[%swap3A_1140], %swap3A_1143 {strides = array<i32>} : memref<512xi32, #tpu.memory_space<vmem>>, vector<16xi32>,
    %get3A_1144 = arith.constant 3 : i32
    %get3A_1145 = arith.index_cast %get3A_1144 : i32 to index
    %get3A_1146 = arith.constant 0 : index
    %get3A_1147 = tpu.vector_load %arg8[%get3A_1145, %get3A_1146] {strides = array<i32>} : memref<4x128xi32, #tpu.memory_space<vmem>>, vector<1x16xi32>,
    %get3A_1148 = vector.shape_cast %get3A_1147 : vector<1x16xi32> to vector<16xi32>
    %mul3A_1149 = arith.constant 100000 : i32
    %mul3A_1150 = vector.broadcast %mul3A_1149 : i32 to vector<16xi32>
    %mul3A_1151 = arith.muli %get3A_1148, %mul3A_1150 : vector<16xi32>
    %get3A_1152 = arith.constant 3 : i32
    %get3A_1153 = arith.index_cast %get3A_1152 : i32 to index
    %get3A_1154 = arith.constant 0 : index
    %get3A_1155 = tpu.vector_load %arg9[%get3A_1153, %get3A_1154] {strides = array<i32>} : memref<4x128xi32, #tpu.memory_space<vmem>>, vector<1x16xi32>,
    %get3A_1156 = vector.shape_cast %get3A_1155 : vector<1x16xi32> to vector<16xi32>
    %add3A_1157 = arith.addi %mul3A_1151, %get3A_1156 : vector<16xi32>
    %shift_right_arithmetic3A_1158 = arith.constant 7 : i32
    %shift_right_arithmetic3A_1159 = vector.broadcast %shift_right_arithmetic3A_1158 : i32 to vector<16xi32>
    %shift_right_arithmetic3A_1160 = arith.shrsi %add3A_1157, %shift_right_arithmetic3A_1159 : vector<16xi32>
    %mul3A_1161 = arith.constant 896 : i32
    %mul3A_1162 = vector.broadcast %mul3A_1161 : i32 to vector<16xi32>
    %mul3A_1163 = arith.muli %shift_right_arithmetic3A_1160, %mul3A_1162 : vector<16xi32>
    %add3A_1164 = arith.addi %add3A_1157, %mul3A_1163 : vector<16xi32>
    %swap3A_1165 = arith.constant 384 : index
    %swap3A_1166 = tpu.vector_load %arg10[%swap3A_1165] {strides = array<i32>} : memref<512xi32, #tpu.memory_space<vmem>>, vector<16xi32>,
    %swap3A_1167 = vector.shape_cast %swap3A_1166 : vector<16xi32> to vector<16xi32>
    %swap3A_1168 = vector.shape_cast %add3A_1164 : vector<16xi32> to vector<16xi32>
    tpu.vector_store %arg10[%swap3A_1165], %swap3A_1168 {strides = array<i32>} : memref<512xi32, #tpu.memory_space<vmem>>, vector<16xi32>,
    %get3A_1169 = arith.constant 3 : i32
    %get3A_1170 = arith.index_cast %get3A_1169 : i32 to index
    %get3A_1171 = arith.constant 16 : index
    %get3A_1172 = tpu.vector_load %arg8[%get3A_1170, %get3A_1171] {strides = array<i32>} : memref<4x128xi32, #tpu.memory_space<vmem>>, vector<1x16xi32>,
    %get3A_1173 = vector.shape_cast %get3A_1172 : vector<1x16xi32> to vector<16xi32>
    %mul3A_1174 = arith.constant 100000 : i32
    %mul3A_1175 = vector.broadcast %mul3A_1174 : i32 to vector<16xi32>
    %mul3A_1176 = arith.muli %get3A_1173, %mul3A_1175 : vector<16xi32>
    %get3A_1177 = arith.constant 3 : i32
    %get3A_1178 = arith.index_cast %get3A_1177 : i32 to index
    %get3A_1179 = arith.constant 16 : index
    %get3A_1180 = tpu.vector_load %arg9[%get3A_1178, %get3A_1179] {strides = array<i32>} : memref<4x128xi32, #tpu.memory_space<vmem>>, vector<1x16xi32>,
    %get3A_1181 = vector.shape_cast %get3A_1180 : vector<1x16xi32> to vector<16xi32>
    %add3A_1182 = arith.addi %mul3A_1176, %get3A_1181 : vector<16xi32>
    %shift_right_arithmetic3A_1183 = arith.constant 7 : i32
    %shift_right_arithmetic3A_1184 = vector.broadcast %shift_right_arithmetic3A_1183 : i32 to vector<16xi32>
    %shift_right_arithmetic3A_1185 = arith.shrsi %add3A_1182, %shift_right_arithmetic3A_1184 : vector<16xi32>
    %mul3A_1186 = arith.constant 896 : i32
    %mul3A_1187 = vector.broadcast %mul3A_1186 : i32 to vector<16xi32>
    %mul3A_1188 = arith.muli %shift_right_arithmetic3A_1185, %mul3A_1187 : vector<16xi32>
    %add3A_1189 = arith.addi %add3A_1182, %mul3A_1188 : vector<16xi32>
    %swap3A_1190 = arith.constant 400 : index
    %swap3A_1191 = tpu.vector_load %arg10[%swap3A_1190] {strides = array<i32>} : memref<512xi32, #tpu.memory_space<vmem>>, vector<16xi32>,
    %swap3A_1192 = vector.shape_cast %swap3A_1191 : vector<16xi32> to vector<16xi32>
    %swap3A_1193 = vector.shape_cast %add3A_1189 : vector<16xi32> to vector<16xi32>
    tpu.vector_store %arg10[%swap3A_1190], %swap3A_1193 {strides = array<i32>} : memref<512xi32, #tpu.memory_space<vmem>>, vector<16xi32>,
    %get3A_1194 = arith.constant 3 : i32
    %get3A_1195 = arith.index_cast %get3A_1194 : i32 to index
    %get3A_1196 = arith.constant 32 : index
    %get3A_1197 = tpu.vector_load %arg8[%get3A_1195, %get3A_1196] {strides = array<i32>} : memref<4x128xi32, #tpu.memory_space<vmem>>, vector<1x16xi32>,
    %get3A_1198 = vector.shape_cast %get3A_1197 : vector<1x16xi32> to vector<16xi32>
    %mul3A_1199 = arith.constant 100000 : i32
    %mul3A_1200 = vector.broadcast %mul3A_1199 : i32 to vector<16xi32>
    %mul3A_1201 = arith.muli %get3A_1198, %mul3A_1200 : vector<16xi32>
    %get3A_1202 = arith.constant 3 : i32
    %get3A_1203 = arith.index_cast %get3A_1202 : i32 to index
    %get3A_1204 = arith.constant 32 : index
    %get3A_1205 = tpu.vector_load %arg9[%get3A_1203, %get3A_1204] {strides = array<i32>} : memref<4x128xi32, #tpu.memory_space<vmem>>, vector<1x16xi32>,
    %get3A_1206 = vector.shape_cast %get3A_1205 : vector<1x16xi32> to vector<16xi32>
    %add3A_1207 = arith.addi %mul3A_1201, %get3A_1206 : vector<16xi32>
    %shift_right_arithmetic3A_1208 = arith.constant 7 : i32
    %shift_right_arithmetic3A_1209 = vector.broadcast %shift_right_arithmetic3A_1208 : i32 to vector<16xi32>
    %shift_right_arithmetic3A_1210 = arith.shrsi %add3A_1207, %shift_right_arithmetic3A_1209 : vector<16xi32>
    %mul3A_1211 = arith.constant 896 : i32
    %mul3A_1212 = vector.broadcast %mul3A_1211 : i32 to vector<16xi32>
    %mul3A_1213 = arith.muli %shift_right_arithmetic3A_1210, %mul3A_1212 : vector<16xi32>
    %add3A_1214 = arith.addi %add3A_1207, %mul3A_1213 : vector<16xi32>
    %swap3A_1215 = arith.constant 416 : index
    %swap3A_1216 = tpu.vector_load %arg10[%swap3A_1215] {strides = array<i32>} : memref<512xi32, #tpu.memory_space<vmem>>, vector<16xi32>,
    %swap3A_1217 = vector.shape_cast %swap3A_1216 : vector<16xi32> to vector<16xi32>
    %swap3A_1218 = vector.shape_cast %add3A_1214 : vector<16xi32> to vector<16xi32>
    tpu.vector_store %arg10[%swap3A_1215], %swap3A_1218 {strides = array<i32>} : memref<512xi32, #tpu.memory_space<vmem>>, vector<16xi32>,
    %get3A_1219 = arith.constant 3 : i32
    %get3A_1220 = arith.index_cast %get3A_1219 : i32 to index
    %get3A_1221 = arith.constant 48 : index
    %get3A_1222 = tpu.vector_load %arg8[%get3A_1220, %get3A_1221] {strides = array<i32>} : memref<4x128xi32, #tpu.memory_space<vmem>>, vector<1x16xi32>,
    %get3A_1223 = vector.shape_cast %get3A_1222 : vector<1x16xi32> to vector<16xi32>
    %mul3A_1224 = arith.constant 100000 : i32
    %mul3A_1225 = vector.broadcast %mul3A_1224 : i32 to vector<16xi32>
    %mul3A_1226 = arith.muli %get3A_1223, %mul3A_1225 : vector<16xi32>
    %get3A_1227 = arith.constant 3 : i32
    %get3A_1228 = arith.index_cast %get3A_1227 : i32 to index
    %get3A_1229 = arith.constant 48 : index
    %get3A_1230 = tpu.vector_load %arg9[%get3A_1228, %get3A_1229] {strides = array<i32>} : memref<4x128xi32, #tpu.memory_space<vmem>>, vector<1x16xi32>,
    %get3A_1231 = vector.shape_cast %get3A_1230 : vector<1x16xi32> to vector<16xi32>
    %add3A_1232 = arith.addi %mul3A_1226, %get3A_1231 : vector<16xi32>
    %shift_right_arithmetic3A_1233 = arith.constant 7 : i32
    %shift_right_arithmetic3A_1234 = vector.broadcast %shift_right_arithmetic3A_1233 : i32 to vector<16xi32>
    %shift_right_arithmetic3A_1235 = arith.shrsi %add3A_1232, %shift_right_arithmetic3A_1234 : vector<16xi32>
    %mul3A_1236 = arith.constant 896 : i32
    %mul3A_1237 = vector.broadcast %mul3A_1236 : i32 to vector<16xi32>
    %mul3A_1238 = arith.muli %shift_right_arithmetic3A_1235, %mul3A_1237 : vector<16xi32>
    %add3A_1239 = arith.addi %add3A_1232, %mul3A_1238 : vector<16xi32>
    %swap3A_1240 = arith.constant 432 : index
    %swap3A_1241 = tpu.vector_load %arg10[%swap3A_1240] {strides = array<i32>} : memref<512xi32, #tpu.memory_space<vmem>>, vector<16xi32>,
    %swap3A_1242 = vector.shape_cast %swap3A_1241 : vector<16xi32> to vector<16xi32>
    %swap3A_1243 = vector.shape_cast %add3A_1239 : vector<16xi32> to vector<16xi32>
    tpu.vector_store %arg10[%swap3A_1240], %swap3A_1243 {strides = array<i32>} : memref<512xi32, #tpu.memory_space<vmem>>, vector<16xi32>,
    %get3A_1244 = arith.constant 3 : i32
    %get3A_1245 = arith.index_cast %get3A_1244 : i32 to index
    %get3A_1246 = arith.constant 64 : index
    %get3A_1247 = tpu.vector_load %arg8[%get3A_1245, %get3A_1246] {strides = array<i32>} : memref<4x128xi32, #tpu.memory_space<vmem>>, vector<1x16xi32>,
    %get3A_1248 = vector.shape_cast %get3A_1247 : vector<1x16xi32> to vector<16xi32>
    %mul3A_1249 = arith.constant 100000 : i32
    %mul3A_1250 = vector.broadcast %mul3A_1249 : i32 to vector<16xi32>
    %mul3A_1251 = arith.muli %get3A_1248, %mul3A_1250 : vector<16xi32>
    %get3A_1252 = arith.constant 3 : i32
    %get3A_1253 = arith.index_cast %get3A_1252 : i32 to index
    %get3A_1254 = arith.constant 64 : index
    %get3A_1255 = tpu.vector_load %arg9[%get3A_1253, %get3A_1254] {strides = array<i32>} : memref<4x128xi32, #tpu.memory_space<vmem>>, vector<1x16xi32>,
    %get3A_1256 = vector.shape_cast %get3A_1255 : vector<1x16xi32> to vector<16xi32>
    %add3A_1257 = arith.addi %mul3A_1251, %get3A_1256 : vector<16xi32>
    %shift_right_arithmetic3A_1258 = arith.constant 7 : i32
    %shift_right_arithmetic3A_1259 = vector.broadcast %shift_right_arithmetic3A_1258 : i32 to vector<16xi32>
    %shift_right_arithmetic3A_1260 = arith.shrsi %add3A_1257, %shift_right_arithmetic3A_1259 : vector<16xi32>
    %mul3A_1261 = arith.constant 896 : i32
    %mul3A_1262 = vector.broadcast %mul3A_1261 : i32 to vector<16xi32>
    %mul3A_1263 = arith.muli %shift_right_arithmetic3A_1260, %mul3A_1262 : vector<16xi32>
    %add3A_1264 = arith.addi %add3A_1257, %mul3A_1263 : vector<16xi32>
    %swap3A_1265 = arith.constant 448 : index
    %swap3A_1266 = tpu.vector_load %arg10[%swap3A_1265] {strides = array<i32>} : memref<512xi32, #tpu.memory_space<vmem>>, vector<16xi32>,
    %swap3A_1267 = vector.shape_cast %swap3A_1266 : vector<16xi32> to vector<16xi32>
    %swap3A_1268 = vector.shape_cast %add3A_1264 : vector<16xi32> to vector<16xi32>
    tpu.vector_store %arg10[%swap3A_1265], %swap3A_1268 {strides = array<i32>} : memref<512xi32, #tpu.memory_space<vmem>>, vector<16xi32>,
    %get3A_1269 = arith.constant 3 : i32
    %get3A_1270 = arith.index_cast %get3A_1269 : i32 to index
    %get3A_1271 = arith.constant 80 : index
    %get3A_1272 = tpu.vector_load %arg8[%get3A_1270, %get3A_1271] {strides = array<i32>} : memref<4x128xi32, #tpu.memory_space<vmem>>, vector<1x16xi32>,
    %get3A_1273 = vector.shape_cast %get3A_1272 : vector<1x16xi32> to vector<16xi32>
    %mul3A_1274 = arith.constant 100000 : i32
    %mul3A_1275 = vector.broadcast %mul3A_1274 : i32 to vector<16xi32>
    %mul3A_1276 = arith.muli %get3A_1273, %mul3A_1275 : vector<16xi32>
    %get3A_1277 = arith.constant 3 : i32
    %get3A_1278 = arith.index_cast %get3A_1277 : i32 to index
    %get3A_1279 = arith.constant 80 : index
    %get3A_1280 = tpu.vector_load %arg9[%get3A_1278, %get3A_1279] {strides = array<i32>} : memref<4x128xi32, #tpu.memory_space<vmem>>, vector<1x16xi32>,
    %get3A_1281 = vector.shape_cast %get3A_1280 : vector<1x16xi32> to vector<16xi32>
    %add3A_1282 = arith.addi %mul3A_1276, %get3A_1281 : vector<16xi32>
    %shift_right_arithmetic3A_1283 = arith.constant 7 : i32
    %shift_right_arithmetic3A_1284 = vector.broadcast %shift_right_arithmetic3A_1283 : i32 to vector<16xi32>
    %shift_right_arithmetic3A_1285 = arith.shrsi %add3A_1282, %shift_right_arithmetic3A_1284 : vector<16xi32>
    %mul3A_1286 = arith.constant 896 : i32
    %mul3A_1287 = vector.broadcast %mul3A_1286 : i32 to vector<16xi32>
    %mul3A_1288 = arith.muli %shift_right_arithmetic3A_1285, %mul3A_1287 : vector<16xi32>
    %add3A_1289 = arith.addi %add3A_1282, %mul3A_1288 : vector<16xi32>
    %swap3A_1290 = arith.constant 464 : index
    %swap3A_1291 = tpu.vector_load %arg10[%swap3A_1290] {strides = array<i32>} : memref<512xi32, #tpu.memory_space<vmem>>, vector<16xi32>,
    %swap3A_1292 = vector.shape_cast %swap3A_1291 : vector<16xi32> to vector<16xi32>
    %swap3A_1293 = vector.shape_cast %add3A_1289 : vector<16xi32> to vector<16xi32>
    tpu.vector_store %arg10[%swap3A_1290], %swap3A_1293 {strides = array<i32>} : memref<512xi32, #tpu.memory_space<vmem>>, vector<16xi32>,
    %get3A_1294 = arith.constant 3 : i32
    %get3A_1295 = arith.index_cast %get3A_1294 : i32 to index
    %get3A_1296 = arith.constant 96 : index
    %get3A_1297 = tpu.vector_load %arg8[%get3A_1295, %get3A_1296] {strides = array<i32>} : memref<4x128xi32, #tpu.memory_space<vmem>>, vector<1x16xi32>,
    %get3A_1298 = vector.shape_cast %get3A_1297 : vector<1x16xi32> to vector<16xi32>
    %mul3A_1299 = arith.constant 100000 : i32
    %mul3A_1300 = vector.broadcast %mul3A_1299 : i32 to vector<16xi32>
    %mul3A_1301 = arith.muli %get3A_1298, %mul3A_1300 : vector<16xi32>
    %get3A_1302 = arith.constant 3 : i32
    %get3A_1303 = arith.index_cast %get3A_1302 : i32 to index
    %get3A_1304 = arith.constant 96 : index
    %get3A_1305 = tpu.vector_load %arg9[%get3A_1303, %get3A_1304] {strides = array<i32>} : memref<4x128xi32, #tpu.memory_space<vmem>>, vector<1x16xi32>,
    %get3A_1306 = vector.shape_cast %get3A_1305 : vector<1x16xi32> to vector<16xi32>
    %add3A_1307 = arith.addi %mul3A_1301, %get3A_1306 : vector<16xi32>
    %shift_right_arithmetic3A_1308 = arith.constant 7 : i32
    %shift_right_arithmetic3A_1309 = vector.broadcast %shift_right_arithmetic3A_1308 : i32 to vector<16xi32>
    %shift_right_arithmetic3A_1310 = arith.shrsi %add3A_1307, %shift_right_arithmetic3A_1309 : vector<16xi32>
    %mul3A_1311 = arith.constant 896 : i32
    %mul3A_1312 = vector.broadcast %mul3A_1311 : i32 to vector<16xi32>
    %mul3A_1313 = arith.muli %shift_right_arithmetic3A_1310, %mul3A_1312 : vector<16xi32>
    %add3A_1314 = arith.addi %add3A_1307, %mul3A_1313 : vector<16xi32>
    %swap3A_1315 = arith.constant 480 : index
    %swap3A_1316 = tpu.vector_load %arg10[%swap3A_1315] {strides = array<i32>} : memref<512xi32, #tpu.memory_space<vmem>>, vector<16xi32>,
    %swap3A_1317 = vector.shape_cast %swap3A_1316 : vector<16xi32> to vector<16xi32>
    %swap3A_1318 = vector.shape_cast %add3A_1314 : vector<16xi32> to vector<16xi32>
    tpu.vector_store %arg10[%swap3A_1315], %swap3A_1318 {strides = array<i32>} : memref<512xi32, #tpu.memory_space<vmem>>, vector<16xi32>,
    %get3A_1319 = arith.constant 3 : i32
    %get3A_1320 = arith.index_cast %get3A_1319 : i32 to index
    %get3A_1321 = arith.constant 112 : index
    %get3A_1322 = tpu.vector_load %arg8[%get3A_1320, %get3A_1321] {strides = array<i32>} : memref<4x128xi32, #tpu.memory_space<vmem>>, vector<1x16xi32>,
    %get3A_1323 = vector.shape_cast %get3A_1322 : vector<1x16xi32> to vector<16xi32>
    %mul3A_1324 = arith.constant 100000 : i32
    %mul3A_1325 = vector.broadcast %mul3A_1324 : i32 to vector<16xi32>
    %mul3A_1326 = arith.muli %get3A_1323, %mul3A_1325 : vector<16xi32>
    %get3A_1327 = arith.constant 3 : i32
    %get3A_1328 = arith.index_cast %get3A_1327 : i32 to index
    %get3A_1329 = arith.constant 112 : index
    %get3A_1330 = tpu.vector_load %arg9[%get3A_1328, %get3A_1329] {strides = array<i32>} : memref<4x128xi32, #tpu.memory_space<vmem>>, vector<1x16xi32>,
    %get3A_1331 = vector.shape_cast %get3A_1330 : vector<1x16xi32> to vector<16xi32>
    %add3A_1332 = arith.addi %mul3A_1326, %get3A_1331 : vector<16xi32>
    %shift_right_arithmetic3A_1333 = arith.constant 7 : i32
    %shift_right_arithmetic3A_1334 = vector.broadcast %shift_right_arithmetic3A_1333 : i32 to vector<16xi32>
    %shift_right_arithmetic3A_1335 = arith.shrsi %add3A_1332, %shift_right_arithmetic3A_1334 : vector<16xi32>
    %mul3A_1336 = arith.constant 896 : i32
    %mul3A_1337 = vector.broadcast %mul3A_1336 : i32 to vector<16xi32>
    %mul3A_1338 = arith.muli %shift_right_arithmetic3A_1335, %mul3A_1337 : vector<16xi32>
    %add3A_1339 = arith.addi %add3A_1332, %mul3A_1338 : vector<16xi32>
    %swap3A_1340 = arith.constant 496 : index
    %swap3A_1341 = tpu.vector_load %arg10[%swap3A_1340] {strides = array<i32>} : memref<512xi32, #tpu.memory_space<vmem>>, vector<16xi32>,
    %swap3A_1342 = vector.shape_cast %swap3A_1341 : vector<16xi32> to vector<16xi32>
    %swap3A_1343 = vector.shape_cast %add3A_1339 : vector<16xi32> to vector<16xi32>
    tpu.vector_store %arg10[%swap3A_1340], %swap3A_1343 {strides = array<i32>} : memref<512xi32, #tpu.memory_space<vmem>>, vector<16xi32>,
    %scan3A_1344 = arith.constant 0 : i32
    %scan3A_1345 = arith.constant 32 : i32
    %scan3A_1346 = arith.addi %scan3A_1344, %scan3A_1345 : i32
    %scan3A_1347 = arith.constant 1 : i32
    scf.for %scan3A_1393 = %scan3A_1344 to %scan3A_1346 step %scan3A_1347  : i32 {
      %mul3A_1394 = arith.constant 1 : i32
      %mul3A_1395 = arith.muli %scan3A_1393, %mul3A_1394 : i32
      %add3A_1396 = arith.constant 0 : i32
      %add3A_1397 = arith.addi %add3A_1396, %mul3A_1395 : i32
      %jit3A = arith.constant 8 : i32
      %div3A = arith.divsi %add3A_1397, %jit3A : i32
      %sign3A = arith.constant 0 : i32
      %sign3A_1398 = arith.cmpi sgt, %add3A_1397, %sign3A : i32
      %sign3A_1399 = arith.extui %sign3A_1398 : i1 to i32
      %sign3A_1400 = arith.constant 0 : i32
      %sign3A_1401 = arith.cmpi slt, %add3A_1397, %sign3A_1400 : i32
      %sign3A_1402 = arith.extui %sign3A_1401 : i1 to i32
      %sign3A_1403 = arith.subi %sign3A_1399, %sign3A_1402 : i32
      %sign3A_1404 = arith.constant 0 : i32
      %sign3A_1405 = arith.cmpi sgt, %jit3A, %sign3A_1404 : i32
      %sign3A_1406 = arith.extui %sign3A_1405 : i1 to i32
      %sign3A_1407 = arith.constant 0 : i32
      %sign3A_1408 = arith.cmpi slt, %jit3A, %sign3A_1407 : i32
      %sign3A_1409 = arith.extui %sign3A_1408 : i1 to i32
      %sign3A_1410 = arith.subi %sign3A_1406, %sign3A_1409 : i32
      %ne3A = arith.cmpi ne, %sign3A_1403, %sign3A_1410 : i32
      %rem3A = arith.remsi %add3A_1397, %jit3A : i32
      %ne3A_1411 = arith.constant 0 : i32
      %ne3A_1412 = arith.cmpi ne, %rem3A, %ne3A_1411 : i32
      %and3A = arith.andi %ne3A, %ne3A_1412 : i1
      %sub3A = arith.constant 1 : i32
      %sub3A_1413 = arith.subi %div3A, %sub3A : i32
      %select_n3A = arith.select %and3A, %sub3A_1413, %div3A : i32
      %jit3A_1414 = arith.constant 8 : i32
      %eq3A = arith.constant 0 : i32
      %eq3A_1415 = arith.cmpi eq, %jit3A_1414, %eq3A : i32
      %jit3A_1416 = arith.constant 1 : i32
      %select_n3A_1417 = arith.select %eq3A_1415, %jit3A_1416, %jit3A_1414 : i32
      %rem3A_1418 = arith.remsi %add3A_1397, %select_n3A_1417 : i32
      %ne3A_1419 = arith.constant 0 : i32
      %ne3A_1420 = arith.cmpi ne, %rem3A_1418, %ne3A_1419 : i32
      %lt3A = arith.constant 0 : i32
      %lt3A_1421 = arith.cmpi slt, %rem3A_1418, %lt3A : i32
      %lt3A_1422 = arith.constant 0 : i32
      %lt3A_1423 = arith.cmpi slt, %select_n3A_1417, %lt3A_1422 : i32
      %ne3A_1424 = arith.xori %lt3A_1421, %lt3A_1423 : i1
      %and3A_1425 = arith.andi %ne3A_1424, %ne3A_1420 : i1
      %add3A_1426 = arith.addi %rem3A_1418, %select_n3A_1417 : i32
      %select_n3A_1427 = arith.select %and3A_1425, %add3A_1426, %rem3A_1418 : i32
      %mul3A_1428 = arith.constant 128 : i32
      %mul3A_1429 = arith.muli %select_n3A_1427, %mul3A_1428 : i32
      %add3A_1430 = arith.constant 0 : i32
      %add3A_1431 = arith.addi %add3A_1430, %mul3A_1429 : i32
      %mul3A_1432 = arith.constant 128 : i32
      %mul3A_1433 = arith.muli %select_n3A, %mul3A_1432 : i32
      %add3A_1434 = arith.constant 0 : i32
      %add3A_1435 = arith.addi %mul3A_1433, %add3A_1434 : i32
      %get3A_1436 = arith.index_cast %add3A_1435 : i32 to index
      %get3A_1437 = tpu.vector_load %arg10[%get3A_1436] {strides = array<i32>} : memref<512xi32, #tpu.memory_space<vmem>>, vector<16xi32>,
      %get3A_1438 = vector.shape_cast %get3A_1437 : vector<16xi32> to vector<16xi32>
      %add3A_1439 = vector.broadcast %add3A_1431 : i32 to vector<16xi32>
      %add3A_1440 = arith.addi %get3A_1438, %add3A_1439 : vector<16xi32>
      %mul3A_1441 = arith.constant 128 : i32
      %mul3A_1442 = arith.muli %add3A_1397, %mul3A_1441 : i32
      %add3A_1443 = arith.constant 0 : i32
      %add3A_1444 = arith.addi %mul3A_1442, %add3A_1443 : i32
      %swap3A_1445 = arith.index_cast %add3A_1444 : i32 to index
      %swap3A_1446 = tpu.vector_load %arg12[%swap3A_1445] {strides = array<i32>} : memref<4096xi32, #tpu.memory_space<vmem>>, vector<16xi32>,
      %swap3A_1447 = vector.shape_cast %swap3A_1446 : vector<16xi32> to vector<16xi32>
      %swap3A_1448 = vector.shape_cast %add3A_1440 : vector<16xi32> to vector<16xi32>
      tpu.vector_store %arg12[%swap3A_1445], %swap3A_1448 {strides = array<i32>} : memref<4096xi32, #tpu.memory_space<vmem>>, vector<16xi32>,
      %mul3A_1449 = arith.constant 128 : i32
      %mul3A_1450 = arith.muli %select_n3A, %mul3A_1449 : i32
      %add3A_1451 = arith.constant 16 : i32
      %add3A_1452 = arith.addi %mul3A_1450, %add3A_1451 : i32
      %get3A_1453 = arith.index_cast %add3A_1452 : i32 to index
      %get3A_1454 = tpu.vector_load %arg10[%get3A_1453] {strides = array<i32>} : memref<512xi32, #tpu.memory_space<vmem>>, vector<16xi32>,
      %get3A_1455 = vector.shape_cast %get3A_1454 : vector<16xi32> to vector<16xi32>
      %add3A_1456 = vector.broadcast %add3A_1431 : i32 to vector<16xi32>
      %add3A_1457 = arith.addi %get3A_1455, %add3A_1456 : vector<16xi32>
      %mul3A_1458 = arith.constant 128 : i32
      %mul3A_1459 = arith.muli %add3A_1397, %mul3A_1458 : i32
      %add3A_1460 = arith.constant 16 : i32
      %add3A_1461 = arith.addi %mul3A_1459, %add3A_1460 : i32
      %swap3A_1462 = arith.index_cast %add3A_1461 : i32 to index
      %swap3A_1463 = tpu.vector_load %arg12[%swap3A_1462] {strides = array<i32>} : memref<4096xi32, #tpu.memory_space<vmem>>, vector<16xi32>,
      %swap3A_1464 = vector.shape_cast %swap3A_1463 : vector<16xi32> to vector<16xi32>
      %swap3A_1465 = vector.shape_cast %add3A_1457 : vector<16xi32> to vector<16xi32>
      tpu.vector_store %arg12[%swap3A_1462], %swap3A_1465 {strides = array<i32>} : memref<4096xi32, #tpu.memory_space<vmem>>, vector<16xi32>,
      %mul3A_1466 = arith.constant 128 : i32
      %mul3A_1467 = arith.muli %select_n3A, %mul3A_1466 : i32
      %add3A_1468 = arith.constant 32 : i32
      %add3A_1469 = arith.addi %mul3A_1467, %add3A_1468 : i32
      %get3A_1470 = arith.index_cast %add3A_1469 : i32 to index
      %get3A_1471 = tpu.vector_load %arg10[%get3A_1470] {strides = array<i32>} : memref<512xi32, #tpu.memory_space<vmem>>, vector<16xi32>,
      %get3A_1472 = vector.shape_cast %get3A_1471 : vector<16xi32> to vector<16xi32>
      %add3A_1473 = vector.broadcast %add3A_1431 : i32 to vector<16xi32>
      %add3A_1474 = arith.addi %get3A_1472, %add3A_1473 : vector<16xi32>
      %mul3A_1475 = arith.constant 128 : i32
      %mul3A_1476 = arith.muli %add3A_1397, %mul3A_1475 : i32
      %add3A_1477 = arith.constant 32 : i32
      %add3A_1478 = arith.addi %mul3A_1476, %add3A_1477 : i32
      %swap3A_1479 = arith.index_cast %add3A_1478 : i32 to index
      %swap3A_1480 = tpu.vector_load %arg12[%swap3A_1479] {strides = array<i32>} : memref<4096xi32, #tpu.memory_space<vmem>>, vector<16xi32>,
      %swap3A_1481 = vector.shape_cast %swap3A_1480 : vector<16xi32> to vector<16xi32>
      %swap3A_1482 = vector.shape_cast %add3A_1474 : vector<16xi32> to vector<16xi32>
      tpu.vector_store %arg12[%swap3A_1479], %swap3A_1482 {strides = array<i32>} : memref<4096xi32, #tpu.memory_space<vmem>>, vector<16xi32>,
      %mul3A_1483 = arith.constant 128 : i32
      %mul3A_1484 = arith.muli %select_n3A, %mul3A_1483 : i32
      %add3A_1485 = arith.constant 48 : i32
      %add3A_1486 = arith.addi %mul3A_1484, %add3A_1485 : i32
      %get3A_1487 = arith.index_cast %add3A_1486 : i32 to index
      %get3A_1488 = tpu.vector_load %arg10[%get3A_1487] {strides = array<i32>} : memref<512xi32, #tpu.memory_space<vmem>>, vector<16xi32>,
      %get3A_1489 = vector.shape_cast %get3A_1488 : vector<16xi32> to vector<16xi32>
      %add3A_1490 = vector.broadcast %add3A_1431 : i32 to vector<16xi32>
      %add3A_1491 = arith.addi %get3A_1489, %add3A_1490 : vector<16xi32>
      %mul3A_1492 = arith.constant 128 : i32
      %mul3A_1493 = arith.muli %add3A_1397, %mul3A_1492 : i32
      %add3A_1494 = arith.constant 48 : i32
      %add3A_1495 = arith.addi %mul3A_1493, %add3A_1494 : i32
      %swap3A_1496 = arith.index_cast %add3A_1495 : i32 to index
      %swap3A_1497 = tpu.vector_load %arg12[%swap3A_1496] {strides = array<i32>} : memref<4096xi32, #tpu.memory_space<vmem>>, vector<16xi32>,
      %swap3A_1498 = vector.shape_cast %swap3A_1497 : vector<16xi32> to vector<16xi32>
      %swap3A_1499 = vector.shape_cast %add3A_1491 : vector<16xi32> to vector<16xi32>
      tpu.vector_store %arg12[%swap3A_1496], %swap3A_1499 {strides = array<i32>} : memref<4096xi32, #tpu.memory_space<vmem>>, vector<16xi32>,
      %mul3A_1500 = arith.constant 128 : i32
      %mul3A_1501 = arith.muli %select_n3A, %mul3A_1500 : i32
      %add3A_1502 = arith.constant 64 : i32
      %add3A_1503 = arith.addi %mul3A_1501, %add3A_1502 : i32
      %get3A_1504 = arith.index_cast %add3A_1503 : i32 to index
      %get3A_1505 = tpu.vector_load %arg10[%get3A_1504] {strides = array<i32>} : memref<512xi32, #tpu.memory_space<vmem>>, vector<16xi32>,
      %get3A_1506 = vector.shape_cast %get3A_1505 : vector<16xi32> to vector<16xi32>
      %add3A_1507 = vector.broadcast %add3A_1431 : i32 to vector<16xi32>
      %add3A_1508 = arith.addi %get3A_1506, %add3A_1507 : vector<16xi32>
      %mul3A_1509 = arith.constant 128 : i32
      %mul3A_1510 = arith.muli %add3A_1397, %mul3A_1509 : i32
      %add3A_1511 = arith.constant 64 : i32
      %add3A_1512 = arith.addi %mul3A_1510, %add3A_1511 : i32
      %swap3A_1513 = arith.index_cast %add3A_1512 : i32 to index
      %swap3A_1514 = tpu.vector_load %arg12[%swap3A_1513] {strides = array<i32>} : memref<4096xi32, #tpu.memory_space<vmem>>, vector<16xi32>,
      %swap3A_1515 = vector.shape_cast %swap3A_1514 : vector<16xi32> to vector<16xi32>
      %swap3A_1516 = vector.shape_cast %add3A_1508 : vector<16xi32> to vector<16xi32>
      tpu.vector_store %arg12[%swap3A_1513], %swap3A_1516 {strides = array<i32>} : memref<4096xi32, #tpu.memory_space<vmem>>, vector<16xi32>,
      %mul3A_1517 = arith.constant 128 : i32
      %mul3A_1518 = arith.muli %select_n3A, %mul3A_1517 : i32
      %add3A_1519 = arith.constant 80 : i32
      %add3A_1520 = arith.addi %mul3A_1518, %add3A_1519 : i32
      %get3A_1521 = arith.index_cast %add3A_1520 : i32 to index
      %get3A_1522 = tpu.vector_load %arg10[%get3A_1521] {strides = array<i32>} : memref<512xi32, #tpu.memory_space<vmem>>, vector<16xi32>,
      %get3A_1523 = vector.shape_cast %get3A_1522 : vector<16xi32> to vector<16xi32>
      %add3A_1524 = vector.broadcast %add3A_1431 : i32 to vector<16xi32>
      %add3A_1525 = arith.addi %get3A_1523, %add3A_1524 : vector<16xi32>
      %mul3A_1526 = arith.constant 128 : i32
      %mul3A_1527 = arith.muli %add3A_1397, %mul3A_1526 : i32
      %add3A_1528 = arith.constant 80 : i32
      %add3A_1529 = arith.addi %mul3A_1527, %add3A_1528 : i32
      %swap3A_1530 = arith.index_cast %add3A_1529 : i32 to index
      %swap3A_1531 = tpu.vector_load %arg12[%swap3A_1530] {strides = array<i32>} : memref<4096xi32, #tpu.memory_space<vmem>>, vector<16xi32>,
      %swap3A_1532 = vector.shape_cast %swap3A_1531 : vector<16xi32> to vector<16xi32>
      %swap3A_1533 = vector.shape_cast %add3A_1525 : vector<16xi32> to vector<16xi32>
      tpu.vector_store %arg12[%swap3A_1530], %swap3A_1533 {strides = array<i32>} : memref<4096xi32, #tpu.memory_space<vmem>>, vector<16xi32>,
      %mul3A_1534 = arith.constant 128 : i32
      %mul3A_1535 = arith.muli %select_n3A, %mul3A_1534 : i32
      %add3A_1536 = arith.constant 96 : i32
      %add3A_1537 = arith.addi %mul3A_1535, %add3A_1536 : i32
      %get3A_1538 = arith.index_cast %add3A_1537 : i32 to index
      %get3A_1539 = tpu.vector_load %arg10[%get3A_1538] {strides = array<i32>} : memref<512xi32, #tpu.memory_space<vmem>>, vector<16xi32>,
      %get3A_1540 = vector.shape_cast %get3A_1539 : vector<16xi32> to vector<16xi32>
      %add3A_1541 = vector.broadcast %add3A_1431 : i32 to vector<16xi32>
      %add3A_1542 = arith.addi %get3A_1540, %add3A_1541 : vector<16xi32>
      %mul3A_1543 = arith.constant 128 : i32
      %mul3A_1544 = arith.muli %add3A_1397, %mul3A_1543 : i32
      %add3A_1545 = arith.constant 96 : i32
      %add3A_1546 = arith.addi %mul3A_1544, %add3A_1545 : i32
      %swap3A_1547 = arith.index_cast %add3A_1546 : i32 to index
      %swap3A_1548 = tpu.vector_load %arg12[%swap3A_1547] {strides = array<i32>} : memref<4096xi32, #tpu.memory_space<vmem>>, vector<16xi32>,
      %swap3A_1549 = vector.shape_cast %swap3A_1548 : vector<16xi32> to vector<16xi32>
      %swap3A_1550 = vector.shape_cast %add3A_1542 : vector<16xi32> to vector<16xi32>
      tpu.vector_store %arg12[%swap3A_1547], %swap3A_1550 {strides = array<i32>} : memref<4096xi32, #tpu.memory_space<vmem>>, vector<16xi32>,
      %mul3A_1551 = arith.constant 128 : i32
      %mul3A_1552 = arith.muli %select_n3A, %mul3A_1551 : i32
      %add3A_1553 = arith.constant 112 : i32
      %add3A_1554 = arith.addi %mul3A_1552, %add3A_1553 : i32
      %get3A_1555 = arith.index_cast %add3A_1554 : i32 to index
      %get3A_1556 = tpu.vector_load %arg10[%get3A_1555] {strides = array<i32>} : memref<512xi32, #tpu.memory_space<vmem>>, vector<16xi32>,
      %get3A_1557 = vector.shape_cast %get3A_1556 : vector<16xi32> to vector<16xi32>
      %add3A_1558 = vector.broadcast %add3A_1431 : i32 to vector<16xi32>
      %add3A_1559 = arith.addi %get3A_1557, %add3A_1558 : vector<16xi32>
      %mul3A_1560 = arith.constant 128 : i32
      %mul3A_1561 = arith.muli %add3A_1397, %mul3A_1560 : i32
      %add3A_1562 = arith.constant 112 : i32
      %add3A_1563 = arith.addi %mul3A_1561, %add3A_1562 : i32
      %swap3A_1564 = arith.index_cast %add3A_1563 : i32 to index
      %swap3A_1565 = tpu.vector_load %arg12[%swap3A_1564] {strides = array<i32>} : memref<4096xi32, #tpu.memory_space<vmem>>, vector<16xi32>,
      %swap3A_1566 = vector.shape_cast %swap3A_1565 : vector<16xi32> to vector<16xi32>
      %swap3A_1567 = vector.shape_cast %add3A_1559 : vector<16xi32> to vector<16xi32>
      tpu.vector_store %arg12[%swap3A_1564], %swap3A_1567 {strides = array<i32>} : memref<4096xi32, #tpu.memory_space<vmem>>, vector<16xi32>,
    }
    %scan3A_1348 = arith.constant 32 : i32
    %dma_start3A_1349 = arith.constant 0 : i32
    %dma_start3A_1350 = tpu.memref_slice %arg18[%dma_start3A_1349] : memref<8192xf32, #tpu.memory_space<vmem>> -> memref<4096xf32, #tpu.memory_space<vmem>>
    %dma_start3A_1351 = arith.constant 0 : i32
    %dma_start3A_1352 = tpu.memref_slice %arg4[%dma_start3A_1351] : memref<12800000xf32, #tpu.memory_space<hbm>> -> memref<12800000xf32, #tpu.memory_space<hbm>>
    tpu.enqueue_indirect_dma source(%dma_start3A_1352 : memref<12800000xf32, #tpu.memory_space<hbm>>) target(%dma_start3A_1350 : memref<4096xf32, #tpu.memory_space<vmem>>) offsets(%arg12 : memref<4096xi32, #tpu.memory_space<vmem>>) semaphore(%arg20 : memref<!tpu.dma_semaphore, #tpu.memory_space<semaphore_mem>>)
    %scan3A_1353 = arith.constant 0 : i32
    %scan3A_1354 = arith.constant 32 : i32
    %scan3A_1355 = arith.addi %scan3A_1353, %scan3A_1354 : i32
    %scan3A_1356 = arith.constant 1 : i32
    scf.for %scan3A_1393 = %scan3A_1353 to %scan3A_1355 step %scan3A_1356  : i32 {
      %mul3A_1394 = arith.constant 1 : i32
      %mul3A_1395 = arith.muli %scan3A_1393, %mul3A_1394 : i32
      %add3A_1396 = arith.constant 0 : i32
      %add3A_1397 = arith.addi %add3A_1396, %mul3A_1395 : i32
      %jit3A = arith.constant 8 : i32
      %div3A = arith.divsi %add3A_1397, %jit3A : i32
      %sign3A = arith.constant 0 : i32
      %sign3A_1398 = arith.cmpi sgt, %add3A_1397, %sign3A : i32
      %sign3A_1399 = arith.extui %sign3A_1398 : i1 to i32
      %sign3A_1400 = arith.constant 0 : i32
      %sign3A_1401 = arith.cmpi slt, %add3A_1397, %sign3A_1400 : i32
      %sign3A_1402 = arith.extui %sign3A_1401 : i1 to i32
      %sign3A_1403 = arith.subi %sign3A_1399, %sign3A_1402 : i32
      %sign3A_1404 = arith.constant 0 : i32
      %sign3A_1405 = arith.cmpi sgt, %jit3A, %sign3A_1404 : i32
      %sign3A_1406 = arith.extui %sign3A_1405 : i1 to i32
      %sign3A_1407 = arith.constant 0 : i32
      %sign3A_1408 = arith.cmpi slt, %jit3A, %sign3A_1407 : i32
      %sign3A_1409 = arith.extui %sign3A_1408 : i1 to i32
      %sign3A_1410 = arith.subi %sign3A_1406, %sign3A_1409 : i32
      %ne3A = arith.cmpi ne, %sign3A_1403, %sign3A_1410 : i32
      %rem3A = arith.remsi %add3A_1397, %jit3A : i32
      %ne3A_1411 = arith.constant 0 : i32
      %ne3A_1412 = arith.cmpi ne, %rem3A, %ne3A_1411 : i32
      %and3A = arith.andi %ne3A, %ne3A_1412 : i1
      %sub3A = arith.constant 1 : i32
      %sub3A_1413 = arith.subi %div3A, %sub3A : i32
      %select_n3A = arith.select %and3A, %sub3A_1413, %div3A : i32
      %jit3A_1414 = arith.constant 8 : i32
      %eq3A = arith.constant 0 : i32
      %eq3A_1415 = arith.cmpi eq, %jit3A_1414, %eq3A : i32
      %jit3A_1416 = arith.constant 1 : i32
      %select_n3A_1417 = arith.select %eq3A_1415, %jit3A_1416, %jit3A_1414 : i32
      %rem3A_1418 = arith.remsi %add3A_1397, %select_n3A_1417 : i32
      %ne3A_1419 = arith.constant 0 : i32
      %ne3A_1420 = arith.cmpi ne, %rem3A_1418, %ne3A_1419 : i32
      %lt3A = arith.constant 0 : i32
      %lt3A_1421 = arith.cmpi slt, %rem3A_1418, %lt3A : i32
      %lt3A_1422 = arith.constant 0 : i32
      %lt3A_1423 = arith.cmpi slt, %select_n3A_1417, %lt3A_1422 : i32
      %ne3A_1424 = arith.xori %lt3A_1421, %lt3A_1423 : i1
      %and3A_1425 = arith.andi %ne3A_1424, %ne3A_1420 : i1
      %add3A_1426 = arith.addi %rem3A_1418, %select_n3A_1417 : i32
      %select_n3A_1427 = arith.select %and3A_1425, %add3A_1426, %rem3A_1418 : i32
      %mul3A_1428 = arith.constant 128 : i32
      %mul3A_1429 = arith.muli %select_n3A_1427, %mul3A_1428 : i32
      %add3A_1430 = arith.constant 6400000 : i32
      %add3A_1431 = arith.addi %add3A_1430, %mul3A_1429 : i32
      %mul3A_1432 = arith.constant 128 : i32
      %mul3A_1433 = arith.muli %select_n3A, %mul3A_1432 : i32
      %add3A_1434 = arith.constant 0 : i32
      %add3A_1435 = arith.addi %mul3A_1433, %add3A_1434 : i32
      %get3A_1436 = arith.index_cast %add3A_1435 : i32 to index
      %get3A_1437 = tpu.vector_load %arg10[%get3A_1436] {strides = array<i32>} : memref<512xi32, #tpu.memory_space<vmem>>, vector<16xi32>,
      %get3A_1438 = vector.shape_cast %get3A_1437 : vector<16xi32> to vector<16xi32>
      %add3A_1439 = vector.broadcast %add3A_1431 : i32 to vector<16xi32>
      %add3A_1440 = arith.addi %get3A_1438, %add3A_1439 : vector<16xi32>
      %mul3A_1441 = arith.constant 128 : i32
      %mul3A_1442 = arith.muli %add3A_1397, %mul3A_1441 : i32
      %add3A_1443 = arith.constant 0 : i32
      %add3A_1444 = arith.addi %mul3A_1442, %add3A_1443 : i32
      %swap3A_1445 = arith.index_cast %add3A_1444 : i32 to index
      %swap3A_1446 = tpu.vector_load %arg13[%swap3A_1445] {strides = array<i32>} : memref<4096xi32, #tpu.memory_space<vmem>>, vector<16xi32>,
      %swap3A_1447 = vector.shape_cast %swap3A_1446 : vector<16xi32> to vector<16xi32>
      %swap3A_1448 = vector.shape_cast %add3A_1440 : vector<16xi32> to vector<16xi32>
      tpu.vector_store %arg13[%swap3A_1445], %swap3A_1448 {strides = array<i32>} : memref<4096xi32, #tpu.memory_space<vmem>>, vector<16xi32>,
      %mul3A_1449 = arith.constant 128 : i32
      %mul3A_1450 = arith.muli %select_n3A, %mul3A_1449 : i32
      %add3A_1451 = arith.constant 16 : i32
      %add3A_1452 = arith.addi %mul3A_1450, %add3A_1451 : i32
      %get3A_1453 = arith.index_cast %add3A_1452 : i32 to index
      %get3A_1454 = tpu.vector_load %arg10[%get3A_1453] {strides = array<i32>} : memref<512xi32, #tpu.memory_space<vmem>>, vector<16xi32>,
      %get3A_1455 = vector.shape_cast %get3A_1454 : vector<16xi32> to vector<16xi32>
      %add3A_1456 = vector.broadcast %add3A_1431 : i32 to vector<16xi32>
      %add3A_1457 = arith.addi %get3A_1455, %add3A_1456 : vector<16xi32>
      %mul3A_1458 = arith.constant 128 : i32
      %mul3A_1459 = arith.muli %add3A_1397, %mul3A_1458 : i32
      %add3A_1460 = arith.constant 16 : i32
      %add3A_1461 = arith.addi %mul3A_1459, %add3A_1460 : i32
      %swap3A_1462 = arith.index_cast %add3A_1461 : i32 to index
      %swap3A_1463 = tpu.vector_load %arg13[%swap3A_1462] {strides = array<i32>} : memref<4096xi32, #tpu.memory_space<vmem>>, vector<16xi32>,
      %swap3A_1464 = vector.shape_cast %swap3A_1463 : vector<16xi32> to vector<16xi32>
      %swap3A_1465 = vector.shape_cast %add3A_1457 : vector<16xi32> to vector<16xi32>
      tpu.vector_store %arg13[%swap3A_1462], %swap3A_1465 {strides = array<i32>} : memref<4096xi32, #tpu.memory_space<vmem>>, vector<16xi32>,
      %mul3A_1466 = arith.constant 128 : i32
      %mul3A_1467 = arith.muli %select_n3A, %mul3A_1466 : i32
      %add3A_1468 = arith.constant 32 : i32
      %add3A_1469 = arith.addi %mul3A_1467, %add3A_1468 : i32
      %get3A_1470 = arith.index_cast %add3A_1469 : i32 to index
      %get3A_1471 = tpu.vector_load %arg10[%get3A_1470] {strides = array<i32>} : memref<512xi32, #tpu.memory_space<vmem>>, vector<16xi32>,
      %get3A_1472 = vector.shape_cast %get3A_1471 : vector<16xi32> to vector<16xi32>
      %add3A_1473 = vector.broadcast %add3A_1431 : i32 to vector<16xi32>
      %add3A_1474 = arith.addi %get3A_1472, %add3A_1473 : vector<16xi32>
      %mul3A_1475 = arith.constant 128 : i32
      %mul3A_1476 = arith.muli %add3A_1397, %mul3A_1475 : i32
      %add3A_1477 = arith.constant 32 : i32
      %add3A_1478 = arith.addi %mul3A_1476, %add3A_1477 : i32
      %swap3A_1479 = arith.index_cast %add3A_1478 : i32 to index
      %swap3A_1480 = tpu.vector_load %arg13[%swap3A_1479] {strides = array<i32>} : memref<4096xi32, #tpu.memory_space<vmem>>, vector<16xi32>,
      %swap3A_1481 = vector.shape_cast %swap3A_1480 : vector<16xi32> to vector<16xi32>
      %swap3A_1482 = vector.shape_cast %add3A_1474 : vector<16xi32> to vector<16xi32>
      tpu.vector_store %arg13[%swap3A_1479], %swap3A_1482 {strides = array<i32>} : memref<4096xi32, #tpu.memory_space<vmem>>, vector<16xi32>,
      %mul3A_1483 = arith.constant 128 : i32
      %mul3A_1484 = arith.muli %select_n3A, %mul3A_1483 : i32
      %add3A_1485 = arith.constant 48 : i32
      %add3A_1486 = arith.addi %mul3A_1484, %add3A_1485 : i32
      %get3A_1487 = arith.index_cast %add3A_1486 : i32 to index
      %get3A_1488 = tpu.vector_load %arg10[%get3A_1487] {strides = array<i32>} : memref<512xi32, #tpu.memory_space<vmem>>, vector<16xi32>,
      %get3A_1489 = vector.shape_cast %get3A_1488 : vector<16xi32> to vector<16xi32>
      %add3A_1490 = vector.broadcast %add3A_1431 : i32 to vector<16xi32>
      %add3A_1491 = arith.addi %get3A_1489, %add3A_1490 : vector<16xi32>
      %mul3A_1492 = arith.constant 128 : i32
      %mul3A_1493 = arith.muli %add3A_1397, %mul3A_1492 : i32
      %add3A_1494 = arith.constant 48 : i32
      %add3A_1495 = arith.addi %mul3A_1493, %add3A_1494 : i32
      %swap3A_1496 = arith.index_cast %add3A_1495 : i32 to index
      %swap3A_1497 = tpu.vector_load %arg13[%swap3A_1496] {strides = array<i32>} : memref<4096xi32, #tpu.memory_space<vmem>>, vector<16xi32>,
      %swap3A_1498 = vector.shape_cast %swap3A_1497 : vector<16xi32> to vector<16xi32>
      %swap3A_1499 = vector.shape_cast %add3A_1491 : vector<16xi32> to vector<16xi32>
      tpu.vector_store %arg13[%swap3A_1496], %swap3A_1499 {strides = array<i32>} : memref<4096xi32, #tpu.memory_space<vmem>>, vector<16xi32>,
      %mul3A_1500 = arith.constant 128 : i32
      %mul3A_1501 = arith.muli %select_n3A, %mul3A_1500 : i32
      %add3A_1502 = arith.constant 64 : i32
      %add3A_1503 = arith.addi %mul3A_1501, %add3A_1502 : i32
      %get3A_1504 = arith.index_cast %add3A_1503 : i32 to index
      %get3A_1505 = tpu.vector_load %arg10[%get3A_1504] {strides = array<i32>} : memref<512xi32, #tpu.memory_space<vmem>>, vector<16xi32>,
      %get3A_1506 = vector.shape_cast %get3A_1505 : vector<16xi32> to vector<16xi32>
      %add3A_1507 = vector.broadcast %add3A_1431 : i32 to vector<16xi32>
      %add3A_1508 = arith.addi %get3A_1506, %add3A_1507 : vector<16xi32>
      %mul3A_1509 = arith.constant 128 : i32
      %mul3A_1510 = arith.muli %add3A_1397, %mul3A_1509 : i32
      %add3A_1511 = arith.constant 64 : i32
      %add3A_1512 = arith.addi %mul3A_1510, %add3A_1511 : i32
      %swap3A_1513 = arith.index_cast %add3A_1512 : i32 to index
      %swap3A_1514 = tpu.vector_load %arg13[%swap3A_1513] {strides = array<i32>} : memref<4096xi32, #tpu.memory_space<vmem>>, vector<16xi32>,
      %swap3A_1515 = vector.shape_cast %swap3A_1514 : vector<16xi32> to vector<16xi32>
      %swap3A_1516 = vector.shape_cast %add3A_1508 : vector<16xi32> to vector<16xi32>
      tpu.vector_store %arg13[%swap3A_1513], %swap3A_1516 {strides = array<i32>} : memref<4096xi32, #tpu.memory_space<vmem>>, vector<16xi32>,
      %mul3A_1517 = arith.constant 128 : i32
      %mul3A_1518 = arith.muli %select_n3A, %mul3A_1517 : i32
      %add3A_1519 = arith.constant 80 : i32
      %add3A_1520 = arith.addi %mul3A_1518, %add3A_1519 : i32
      %get3A_1521 = arith.index_cast %add3A_1520 : i32 to index
      %get3A_1522 = tpu.vector_load %arg10[%get3A_1521] {strides = array<i32>} : memref<512xi32, #tpu.memory_space<vmem>>, vector<16xi32>,
      %get3A_1523 = vector.shape_cast %get3A_1522 : vector<16xi32> to vector<16xi32>
      %add3A_1524 = vector.broadcast %add3A_1431 : i32 to vector<16xi32>
      %add3A_1525 = arith.addi %get3A_1523, %add3A_1524 : vector<16xi32>
      %mul3A_1526 = arith.constant 128 : i32
      %mul3A_1527 = arith.muli %add3A_1397, %mul3A_1526 : i32
      %add3A_1528 = arith.constant 80 : i32
      %add3A_1529 = arith.addi %mul3A_1527, %add3A_1528 : i32
      %swap3A_1530 = arith.index_cast %add3A_1529 : i32 to index
      %swap3A_1531 = tpu.vector_load %arg13[%swap3A_1530] {strides = array<i32>} : memref<4096xi32, #tpu.memory_space<vmem>>, vector<16xi32>,
      %swap3A_1532 = vector.shape_cast %swap3A_1531 : vector<16xi32> to vector<16xi32>
      %swap3A_1533 = vector.shape_cast %add3A_1525 : vector<16xi32> to vector<16xi32>
      tpu.vector_store %arg13[%swap3A_1530], %swap3A_1533 {strides = array<i32>} : memref<4096xi32, #tpu.memory_space<vmem>>, vector<16xi32>,
      %mul3A_1534 = arith.constant 128 : i32
      %mul3A_1535 = arith.muli %select_n3A, %mul3A_1534 : i32
      %add3A_1536 = arith.constant 96 : i32
      %add3A_1537 = arith.addi %mul3A_1535, %add3A_1536 : i32
      %get3A_1538 = arith.index_cast %add3A_1537 : i32 to index
      %get3A_1539 = tpu.vector_load %arg10[%get3A_1538] {strides = array<i32>} : memref<512xi32, #tpu.memory_space<vmem>>, vector<16xi32>,
      %get3A_1540 = vector.shape_cast %get3A_1539 : vector<16xi32> to vector<16xi32>
      %add3A_1541 = vector.broadcast %add3A_1431 : i32 to vector<16xi32>
      %add3A_1542 = arith.addi %get3A_1540, %add3A_1541 : vector<16xi32>
      %mul3A_1543 = arith.constant 128 : i32
      %mul3A_1544 = arith.muli %add3A_1397, %mul3A_1543 : i32
      %add3A_1545 = arith.constant 96 : i32
      %add3A_1546 = arith.addi %mul3A_1544, %add3A_1545 : i32
      %swap3A_1547 = arith.index_cast %add3A_1546 : i32 to index
      %swap3A_1548 = tpu.vector_load %arg13[%swap3A_1547] {strides = array<i32>} : memref<4096xi32, #tpu.memory_space<vmem>>, vector<16xi32>,
      %swap3A_1549 = vector.shape_cast %swap3A_1548 : vector<16xi32> to vector<16xi32>
      %swap3A_1550 = vector.shape_cast %add3A_1542 : vector<16xi32> to vector<16xi32>
      tpu.vector_store %arg13[%swap3A_1547], %swap3A_1550 {strides = array<i32>} : memref<4096xi32, #tpu.memory_space<vmem>>, vector<16xi32>,
      %mul3A_1551 = arith.constant 128 : i32
      %mul3A_1552 = arith.muli %select_n3A, %mul3A_1551 : i32
      %add3A_1553 = arith.constant 112 : i32
      %add3A_1554 = arith.addi %mul3A_1552, %add3A_1553 : i32
      %get3A_1555 = arith.index_cast %add3A_1554 : i32 to index
      %get3A_1556 = tpu.vector_load %arg10[%get3A_1555] {strides = array<i32>} : memref<512xi32, #tpu.memory_space<vmem>>, vector<16xi32>,
      %get3A_1557 = vector.shape_cast %get3A_1556 : vector<16xi32> to vector<16xi32>
      %add3A_1558 = vector.broadcast %add3A_1431 : i32 to vector<16xi32>
      %add3A_1559 = arith.addi %get3A_1557, %add3A_1558 : vector<16xi32>
      %mul3A_1560 = arith.constant 128 : i32
      %mul3A_1561 = arith.muli %add3A_1397, %mul3A_1560 : i32
      %add3A_1562 = arith.constant 112 : i32
      %add3A_1563 = arith.addi %mul3A_1561, %add3A_1562 : i32
      %swap3A_1564 = arith.index_cast %add3A_1563 : i32 to index
      %swap3A_1565 = tpu.vector_load %arg13[%swap3A_1564] {strides = array<i32>} : memref<4096xi32, #tpu.memory_space<vmem>>, vector<16xi32>,
      %swap3A_1566 = vector.shape_cast %swap3A_1565 : vector<16xi32> to vector<16xi32>
      %swap3A_1567 = vector.shape_cast %add3A_1559 : vector<16xi32> to vector<16xi32>
      tpu.vector_store %arg13[%swap3A_1564], %swap3A_1567 {strides = array<i32>} : memref<4096xi32, #tpu.memory_space<vmem>>, vector<16xi32>,
    }
    %scan3A_1357 = arith.constant 32 : i32
    %dma_start3A_1358 = arith.constant 4096 : i32
    %dma_start3A_1359 = tpu.memref_slice %arg18[%dma_start3A_1358] : memref<8192xf32, #tpu.memory_space<vmem>> -> memref<4096xf32, #tpu.memory_space<vmem>>
    %dma_start3A_1360 = arith.constant 0 : i32
    %dma_start3A_1361 = tpu.memref_slice %arg4[%dma_start3A_1360] : memref<12800000xf32, #tpu.memory_space<hbm>> -> memref<12800000xf32, #tpu.memory_space<hbm>>
    tpu.enqueue_indirect_dma source(%dma_start3A_1361 : memref<12800000xf32, #tpu.memory_space<hbm>>) target(%dma_start3A_1359 : memref<4096xf32, #tpu.memory_space<vmem>>) offsets(%arg13 : memref<4096xi32, #tpu.memory_space<vmem>>) semaphore(%arg20 : memref<!tpu.dma_semaphore, #tpu.memory_space<semaphore_mem>>)
    %dma_wait3A = arith.constant 0 : i32
    %dma_wait3A_1362 = tpu.memref_slice %arg6[%dma_wait3A] : memref<262144xf32, #tpu.memory_space<hbm>> -> memref<8192xf32, #tpu.memory_space<hbm>>
    %dma_wait3A_1363 = arith.constant 0 : i32
    %dma_wait3A_1364 = tpu.memref_slice %arg6[%dma_wait3A_1363] : memref<262144xf32, #tpu.memory_space<hbm>> -> memref<8192xf32, #tpu.memory_space<hbm>>
    tpu.wait_dma2 semaphore(%arg20 : memref<!tpu.dma_semaphore, #tpu.memory_space<semaphore_mem>>) src(%dma_wait3A_1364 : memref<8192xf32, #tpu.memory_space<hbm>>) dst(%arg18 : memref<8192xf32, #tpu.memory_space<vmem>>)
    %dma_wait3A_1365 = arith.constant 0 : i32
    %dma_wait3A_1366 = tpu.memref_slice %arg7[%dma_wait3A_1365] : memref<524288xf32, #tpu.memory_space<hbm>> -> memref<16384xf32, #tpu.memory_space<hbm>>
    %dma_wait3A_1367 = arith.constant 0 : i32
    %dma_wait3A_1368 = tpu.memref_slice %arg7[%dma_wait3A_1367] : memref<524288xf32, #tpu.memory_space<hbm>> -> memref<16384xf32, #tpu.memory_space<hbm>>
    tpu.wait_dma2 semaphore(%arg21 : memref<!tpu.dma_semaphore, #tpu.memory_space<semaphore_mem>>) src(%dma_wait3A_1368 : memref<16384xf32, #tpu.memory_space<hbm>>) dst(%arg19 : memref<16384xf32, #tpu.memory_space<vmem>>)
    %mul3A_1369 = arith.constant 4096 : i32
    %mul3A_1370 = arith.muli %add3A, %mul3A_1369 : i32
    %add3A_1371 = arith.constant 0 : i32
    %add3A_1372 = arith.addi %add3A_1371, %mul3A_1370 : i32
    "tpu.region"() ({
      %run_scoped3A = tpu.sem_alloc : memref<!tpu.dma_semaphore, #tpu.memory_space<semaphore_mem>>
      %dma_start3A_1393 = arith.constant 0 : i32
      %dma_start3A_1394 = tpu.memref_slice %arg18[%dma_start3A_1393] : memref<8192xf32, #tpu.memory_space<vmem>> -> memref<4096xf32, #tpu.memory_space<vmem>>
      %dma_start3A_1395 = tpu.memref_slice %arg6[%add3A_1372] : memref<262144xf32, #tpu.memory_space<hbm>> -> memref<4096xf32, #tpu.memory_space<hbm>>
      %dma_start3A_1396 = tpu.memref_slice %arg6[%add3A_1372] : memref<262144xf32, #tpu.memory_space<hbm>> -> memref<4096xf32, #tpu.memory_space<hbm>>
      %dma_start3A_1397 = arith.constant 0 : i32
      %dma_start3A_1398 = tpu.memref_slice %arg18[%dma_start3A_1397] : memref<8192xf32, #tpu.memory_space<vmem>> -> memref<4096xf32, #tpu.memory_space<vmem>>
      tpu.enqueue_dma source(%dma_start3A_1398 : memref<4096xf32, #tpu.memory_space<vmem>>) target(%dma_start3A_1396 : memref<4096xf32, #tpu.memory_space<hbm>>) target_semaphore(%run_scoped3A : memref<!tpu.dma_semaphore, #tpu.memory_space<semaphore_mem>>)
      %dma_wait3A_1399 = arith.constant 0 : i32
      %dma_wait3A_1400 = tpu.memref_slice %arg18[%dma_wait3A_1399] : memref<8192xf32, #tpu.memory_space<vmem>> -> memref<4096xf32, #tpu.memory_space<vmem>>
      %dma_wait3A_1401 = tpu.memref_slice %arg6[%add3A_1372] : memref<262144xf32, #tpu.memory_space<hbm>> -> memref<4096xf32, #tpu.memory_space<hbm>>
      %dma_wait3A_1402 = tpu.memref_slice %arg6[%add3A_1372] : memref<262144xf32, #tpu.memory_space<hbm>> -> memref<4096xf32, #tpu.memory_space<hbm>>
      %dma_wait3A_1403 = arith.constant 0 : i32
      %dma_wait3A_1404 = tpu.memref_slice %arg18[%dma_wait3A_1403] : memref<8192xf32, #tpu.memory_space<vmem>> -> memref<4096xf32, #tpu.memory_space<vmem>>
      tpu.wait_dma2 semaphore(%run_scoped3A : memref<!tpu.dma_semaphore, #tpu.memory_space<semaphore_mem>>) src(%dma_wait3A_1404 : memref<4096xf32, #tpu.memory_space<vmem>>) dst(%dma_wait3A_1402 : memref<4096xf32, #tpu.memory_space<hbm>>)
      tpu.yield
    }) : () -> ()
    %mul3A_1373 = arith.constant 4096 : i32
    %mul3A_1374 = arith.muli %add3A, %mul3A_1373 : i32
    %add3A_1375 = arith.constant 131072 : i32
    %add3A_1376 = arith.addi %add3A_1375, %mul3A_1374 : i32
    "tpu.region"() ({
      %run_scoped3A = tpu.sem_alloc : memref<!tpu.dma_semaphore, #tpu.memory_space<semaphore_mem>>
      %dma_start3A_1393 = arith.constant 4096 : i32
      %dma_start3A_1394 = tpu.memref_slice %arg18[%dma_start3A_1393] : memref<8192xf32, #tpu.memory_space<vmem>> -> memref<4096xf32, #tpu.memory_space<vmem>>
      %dma_start3A_1395 = tpu.memref_slice %arg6[%add3A_1376] : memref<262144xf32, #tpu.memory_space<hbm>> -> memref<4096xf32, #tpu.memory_space<hbm>>
      %dma_start3A_1396 = tpu.memref_slice %arg6[%add3A_1376] : memref<262144xf32, #tpu.memory_space<hbm>> -> memref<4096xf32, #tpu.memory_space<hbm>>
      %dma_start3A_1397 = arith.constant 4096 : i32
      %dma_start3A_1398 = tpu.memref_slice %arg18[%dma_start3A_1397] : memref<8192xf32, #tpu.memory_space<vmem>> -> memref<4096xf32, #tpu.memory_space<vmem>>
      tpu.enqueue_dma source(%dma_start3A_1398 : memref<4096xf32, #tpu.memory_space<vmem>>) target(%dma_start3A_1396 : memref<4096xf32, #tpu.memory_space<hbm>>) target_semaphore(%run_scoped3A : memref<!tpu.dma_semaphore, #tpu.memory_space<semaphore_mem>>)
      %dma_wait3A_1399 = arith.constant 4096 : i32
      %dma_wait3A_1400 = tpu.memref_slice %arg18[%dma_wait3A_1399] : memref<8192xf32, #tpu.memory_space<vmem>> -> memref<4096xf32, #tpu.memory_space<vmem>>
      %dma_wait3A_1401 = tpu.memref_slice %arg6[%add3A_1376] : memref<262144xf32, #tpu.memory_space<hbm>> -> memref<4096xf32, #tpu.memory_space<hbm>>
      %dma_wait3A_1402 = tpu.memref_slice %arg6[%add3A_1376] : memref<262144xf32, #tpu.memory_space<hbm>> -> memref<4096xf32, #tpu.memory_space<hbm>>
      %dma_wait3A_1403 = arith.constant 4096 : i32
      %dma_wait3A_1404 = tpu.memref_slice %arg18[%dma_wait3A_1403] : memref<8192xf32, #tpu.memory_space<vmem>> -> memref<4096xf32, #tpu.memory_space<vmem>>
      tpu.wait_dma2 semaphore(%run_scoped3A : memref<!tpu.dma_semaphore, #tpu.memory_space<semaphore_mem>>) src(%dma_wait3A_1404 : memref<4096xf32, #tpu.memory_space<vmem>>) dst(%dma_wait3A_1402 : memref<4096xf32, #tpu.memory_space<hbm>>)
      tpu.yield
    }) : () -> ()
    %mul3A_1377 = arith.constant 4096 : i32
    %mul3A_1378 = arith.muli %add3A, %mul3A_1377 : i32
    %add3A_1379 = arith.constant 0 : i32
    %add3A_1380 = arith.addi %add3A_1379, %mul3A_1378 : i32
    "tpu.region"() ({
      %run_scoped3A = tpu.sem_alloc : memref<!tpu.dma_semaphore, #tpu.memory_space<semaphore_mem>>
      %dma_start3A_1393 = arith.constant 0 : i32
      %dma_start3A_1394 = tpu.memref_slice %arg19[%dma_start3A_1393] : memref<16384xf32, #tpu.memory_space<vmem>> -> memref<4096xf32, #tpu.memory_space<vmem>>
      %dma_start3A_1395 = tpu.memref_slice %arg7[%add3A_1380] : memref<524288xf32, #tpu.memory_space<hbm>> -> memref<4096xf32, #tpu.memory_space<hbm>>
      %dma_start3A_1396 = tpu.memref_slice %arg7[%add3A_1380] : memref<524288xf32, #tpu.memory_space<hbm>> -> memref<4096xf32, #tpu.memory_space<hbm>>
      %dma_start3A_1397 = arith.constant 0 : i32
      %dma_start3A_1398 = tpu.memref_slice %arg19[%dma_start3A_1397] : memref<16384xf32, #tpu.memory_space<vmem>> -> memref<4096xf32, #tpu.memory_space<vmem>>
      tpu.enqueue_dma source(%dma_start3A_1398 : memref<4096xf32, #tpu.memory_space<vmem>>) target(%dma_start3A_1396 : memref<4096xf32, #tpu.memory_space<hbm>>) target_semaphore(%run_scoped3A : memref<!tpu.dma_semaphore, #tpu.memory_space<semaphore_mem>>)
      %dma_wait3A_1399 = arith.constant 0 : i32
      %dma_wait3A_1400 = tpu.memref_slice %arg19[%dma_wait3A_1399] : memref<16384xf32, #tpu.memory_space<vmem>> -> memref<4096xf32, #tpu.memory_space<vmem>>
      %dma_wait3A_1401 = tpu.memref_slice %arg7[%add3A_1380] : memref<524288xf32, #tpu.memory_space<hbm>> -> memref<4096xf32, #tpu.memory_space<hbm>>
      %dma_wait3A_1402 = tpu.memref_slice %arg7[%add3A_1380] : memref<524288xf32, #tpu.memory_space<hbm>> -> memref<4096xf32, #tpu.memory_space<hbm>>
      %dma_wait3A_1403 = arith.constant 0 : i32
      %dma_wait3A_1404 = tpu.memref_slice %arg19[%dma_wait3A_1403] : memref<16384xf32, #tpu.memory_space<vmem>> -> memref<4096xf32, #tpu.memory_space<vmem>>
      tpu.wait_dma2 semaphore(%run_scoped3A : memref<!tpu.dma_semaphore, #tpu.memory_space<semaphore_mem>>) src(%dma_wait3A_1404 : memref<4096xf32, #tpu.memory_space<vmem>>) dst(%dma_wait3A_1402 : memref<4096xf32, #tpu.memory_space<hbm>>)
      tpu.yield
    }) : () -> ()
    %mul3A_1381 = arith.constant 4096 : i32
    %mul3A_1382 = arith.muli %add3A, %mul3A_1381 : i32
    %add3A_1383 = arith.constant 131072 : i32
    %add3A_1384 = arith.addi %add3A_1383, %mul3A_1382 : i32
    "tpu.region"() ({
      %run_scoped3A = tpu.sem_alloc : memref<!tpu.dma_semaphore, #tpu.memory_space<semaphore_mem>>
      %dma_start3A_1393 = arith.constant 4096 : i32
      %dma_start3A_1394 = tpu.memref_slice %arg19[%dma_start3A_1393] : memref<16384xf32, #tpu.memory_space<vmem>> -> memref<4096xf32, #tpu.memory_space<vmem>>
      %dma_start3A_1395 = tpu.memref_slice %arg7[%add3A_1384] : memref<524288xf32, #tpu.memory_space<hbm>> -> memref<4096xf32, #tpu.memory_space<hbm>>
      %dma_start3A_1396 = tpu.memref_slice %arg7[%add3A_1384] : memref<524288xf32, #tpu.memory_space<hbm>> -> memref<4096xf32, #tpu.memory_space<hbm>>
      %dma_start3A_1397 = arith.constant 4096 : i32
      %dma_start3A_1398 = tpu.memref_slice %arg19[%dma_start3A_1397] : memref<16384xf32, #tpu.memory_space<vmem>> -> memref<4096xf32, #tpu.memory_space<vmem>>
      tpu.enqueue_dma source(%dma_start3A_1398 : memref<4096xf32, #tpu.memory_space<vmem>>) target(%dma_start3A_1396 : memref<4096xf32, #tpu.memory_space<hbm>>) target_semaphore(%run_scoped3A : memref<!tpu.dma_semaphore, #tpu.memory_space<semaphore_mem>>)
      %dma_wait3A_1399 = arith.constant 4096 : i32
      %dma_wait3A_1400 = tpu.memref_slice %arg19[%dma_wait3A_1399] : memref<16384xf32, #tpu.memory_space<vmem>> -> memref<4096xf32, #tpu.memory_space<vmem>>
      %dma_wait3A_1401 = tpu.memref_slice %arg7[%add3A_1384] : memref<524288xf32, #tpu.memory_space<hbm>> -> memref<4096xf32, #tpu.memory_space<hbm>>
      %dma_wait3A_1402 = tpu.memref_slice %arg7[%add3A_1384] : memref<524288xf32, #tpu.memory_space<hbm>> -> memref<4096xf32, #tpu.memory_space<hbm>>
      %dma_wait3A_1403 = arith.constant 4096 : i32
      %dma_wait3A_1404 = tpu.memref_slice %arg19[%dma_wait3A_1403] : memref<16384xf32, #tpu.memory_space<vmem>> -> memref<4096xf32, #tpu.memory_space<vmem>>
      tpu.wait_dma2 semaphore(%run_scoped3A : memref<!tpu.dma_semaphore, #tpu.memory_space<semaphore_mem>>) src(%dma_wait3A_1404 : memref<4096xf32, #tpu.memory_space<vmem>>) dst(%dma_wait3A_1402 : memref<4096xf32, #tpu.memory_space<hbm>>)
      tpu.yield
    }) : () -> ()
    %mul3A_1385 = arith.constant 4096 : i32
    %mul3A_1386 = arith.muli %add3A, %mul3A_1385 : i32
    %add3A_1387 = arith.constant 262144 : i32
    %add3A_1388 = arith.addi %add3A_1387, %mul3A_1386 : i32
    "tpu.region"() ({
      %run_scoped3A = tpu.sem_alloc : memref<!tpu.dma_semaphore, #tpu.memory_space<semaphore_mem>>
      %dma_start3A_1393 = arith.constant 8192 : i32
      %dma_start3A_1394 = tpu.memref_slice %arg19[%dma_start3A_1393] : memref<16384xf32, #tpu.memory_space<vmem>> -> memref<4096xf32, #tpu.memory_space<vmem>>
      %dma_start3A_1395 = tpu.memref_slice %arg7[%add3A_1388] : memref<524288xf32, #tpu.memory_space<hbm>> -> memref<4096xf32, #tpu.memory_space<hbm>>
      %dma_start3A_1396 = tpu.memref_slice %arg7[%add3A_1388] : memref<524288xf32, #tpu.memory_space<hbm>> -> memref<4096xf32, #tpu.memory_space<hbm>>
      %dma_start3A_1397 = arith.constant 8192 : i32
      %dma_start3A_1398 = tpu.memref_slice %arg19[%dma_start3A_1397] : memref<16384xf32, #tpu.memory_space<vmem>> -> memref<4096xf32, #tpu.memory_space<vmem>>
      tpu.enqueue_dma source(%dma_start3A_1398 : memref<4096xf32, #tpu.memory_space<vmem>>) target(%dma_start3A_1396 : memref<4096xf32, #tpu.memory_space<hbm>>) target_semaphore(%run_scoped3A : memref<!tpu.dma_semaphore, #tpu.memory_space<semaphore_mem>>)
      %dma_wait3A_1399 = arith.constant 8192 : i32
      %dma_wait3A_1400 = tpu.memref_slice %arg19[%dma_wait3A_1399] : memref<16384xf32, #tpu.memory_space<vmem>> -> memref<4096xf32, #tpu.memory_space<vmem>>
      %dma_wait3A_1401 = tpu.memref_slice %arg7[%add3A_1388] : memref<524288xf32, #tpu.memory_space<hbm>> -> memref<4096xf32, #tpu.memory_space<hbm>>
      %dma_wait3A_1402 = tpu.memref_slice %arg7[%add3A_1388] : memref<524288xf32, #tpu.memory_space<hbm>> -> memref<4096xf32, #tpu.memory_space<hbm>>
      %dma_wait3A_1403 = arith.constant 8192 : i32
      %dma_wait3A_1404 = tpu.memref_slice %arg19[%dma_wait3A_1403] : memref<16384xf32, #tpu.memory_space<vmem>> -> memref<4096xf32, #tpu.memory_space<vmem>>
      tpu.wait_dma2 semaphore(%run_scoped3A : memref<!tpu.dma_semaphore, #tpu.memory_space<semaphore_mem>>) src(%dma_wait3A_1404 : memref<4096xf32, #tpu.memory_space<vmem>>) dst(%dma_wait3A_1402 : memref<4096xf32, #tpu.memory_space<hbm>>)
      tpu.yield
    }) : () -> ()
    %mul3A_1389 = arith.constant 4096 : i32
    %mul3A_1390 = arith.muli %add3A, %mul3A_1389 : i32
    %add3A_1391 = arith.constant 393216 : i32
    %add3A_1392 = arith.addi %add3A_1391, %mul3A_1390 : i32
    "tpu.region"() ({
      %run_scoped3A = tpu.sem_alloc : memref<!tpu.dma_semaphore, #tpu.memory_space<semaphore_mem>>
      %dma_start3A_1393 = arith.constant 12288 : i32
      %dma_start3A_1394 = tpu.memref_slice %arg19[%dma_start3A_1393] : memref<16384xf32, #tpu.memory_space<vmem>> -> memref<4096xf32, #tpu.memory_space<vmem>>
      %dma_start3A_1395 = tpu.memref_slice %arg7[%add3A_1392] : memref<524288xf32, #tpu.memory_space<hbm>> -> memref<4096xf32, #tpu.memory_space<hbm>>
      %dma_start3A_1396 = tpu.memref_slice %arg7[%add3A_1392] : memref<524288xf32, #tpu.memory_space<hbm>> -> memref<4096xf32, #tpu.memory_space<hbm>>
      %dma_start3A_1397 = arith.constant 12288 : i32
      %dma_start3A_1398 = tpu.memref_slice %arg19[%dma_start3A_1397] : memref<16384xf32, #tpu.memory_space<vmem>> -> memref<4096xf32, #tpu.memory_space<vmem>>
      tpu.enqueue_dma source(%dma_start3A_1398 : memref<4096xf32, #tpu.memory_space<vmem>>) target(%dma_start3A_1396 : memref<4096xf32, #tpu.memory_space<hbm>>) target_semaphore(%run_scoped3A : memref<!tpu.dma_semaphore, #tpu.memory_space<semaphore_mem>>)
      %dma_wait3A_1399 = arith.constant 12288 : i32
      %dma_wait3A_1400 = tpu.memref_slice %arg19[%dma_wait3A_1399] : memref<16384xf32, #tpu.memory_space<vmem>> -> memref<4096xf32, #tpu.memory_space<vmem>>
      %dma_wait3A_1401 = tpu.memref_slice %arg7[%add3A_1392] : memref<524288xf32, #tpu.memory_space<hbm>> -> memref<4096xf32, #tpu.memory_space<hbm>>
      %dma_wait3A_1402 = tpu.memref_slice %arg7[%add3A_1392] : memref<524288xf32, #tpu.memory_space<hbm>> -> memref<4096xf32, #tpu.memory_space<hbm>>
      %dma_wait3A_1403 = arith.constant 12288 : i32
      %dma_wait3A_1404 = tpu.memref_slice %arg19[%dma_wait3A_1403] : memref<16384xf32, #tpu.memory_space<vmem>> -> memref<4096xf32, #tpu.memory_space<vmem>>
      tpu.wait_dma2 semaphore(%run_scoped3A : memref<!tpu.dma_semaphore, #tpu.memory_space<semaphore_mem>>) src(%dma_wait3A_1404 : memref<4096xf32, #tpu.memory_space<vmem>>) dst(%dma_wait3A_1402 : memref<4096xf32, #tpu.memory_space<hbm>>)
      tpu.yield
    }) : () -> ()
    return
  }
}

</mosaic_0001>

<sc_bundles>
// kernel: kernel.3.cloned.1.call-start
scs
__scs_entry_jumppad:
0x0: {  	(pc) =	sbr.rel $0x88, $3  }
0x1: {  	(tag) =	ssettag $0x0;
	lr =	simm.s32 $0x1  }
0x2: {  	[smem:$0x3F9D] =	sst lr;
	_ =	strace $0xD0000000  }
0x3: {  	_ = 	snop  }
0x4: {  	_ = 	snop  }
0x5: {  	_ = 	snop  }
0x6: {  	_ = 	snop  }
0x7: {  	_ = 	snop  }
__scs_overlays_trampoline_lowered:
0x8: {  	[smem:$0x3FAC] =	sst s0  }
0x9: {  	[smem:$0x3FAD] =	sst s1  }
0xa: {  	[smem:$0x3FAE] =	sst s2  }
0xb: {  	[smem:$0x3FAF] =	sst s3  }
0xc: {  	[smem:$0x3FB0] =	sst s4  }
0xd: {  	[smem:$0x3FB1] =	sst s5  }
0xe: {  	[smem:$0x3FB2] =	sst s6  }
0xf: {  	[smem:$0x3FB3] =	sst s7  }
0x10: {  	[smem:$0x3FB4] =	sst s8  }
0x11: {  	[smem:$0x3FB5] =	sst s9;
	s0 =	simm.s32 @!p0 $0x0  }
0x12: {  	s1 =	sld [smem:$0x3F9B];
	s0 =	simm.s32 @p0 $0x1  }
0x13: {  	[smem:$0x3FB6] =	sst s0;
	s0 =	simm.s32 @!p1 $0x0  }
0x14: {  	s2 =	sld [smem:$0x3F9A];
	s0 =	simm.s32 @p1 $0x1  }
0x15: {  	[smem:$0x3FB7] =	sst s0;
	s0 =	simm.s32 @!p2 $0x0  }
0x16: {  	s3 =	sld [smem:$0x3FDB];
	s0 =	simm.s32 @p2 $0x1  }
0x17: {  	s4 =	simm.s32 $0x1BF5;
	[smem:$0x3FB9] =	sst s0  }
0x18: {  	s0 =	sld [smem:$0x3F9C];
	_ =	swait.ge [sflag:s4], $0x0  }
0x19: {  	s7 =	sld [smem:$0x3F9D]  }
0x1a: {  	s8 =	sadd.s32 $0xFFFFE003, lr  }
0x1b: {  	s9 =	sadd.s32 $0xFFFFFEF7, lr;
	s5 =	simm.s32 $0xFFFFFFFF;
	p2 =	slt.u32 s8, $0xFFFFF086  }
0x1c: {  	p1 =	slt.u32 s9, $0xF7A;
	s5 =	simm.s32 @!p2 $0x0  }
0x1d: {  	s5 =	simm.s32 @p1 $0x1;
	p0 =	seq.s32 s7, s2  }
0x1e: {  	s7 =	smul.u32 @!p0 $0xF7A, s2;
	p2 =	seq.s32 @!p0 s5, $0x0  }
0x1f: {  	s9 =	smul.u32 $0xF7A, s1;
	s8 =	simm.s32 @!p0 $0x1BF5;
	p2 =	por !p2, p0  }
0x20: {  	[sflag:s8] =	ssyncset.s32 @!p0 $0xFFFFF086;
	s6 =	sadd.s32 @!p0 s3, s7;
	s7 =	simm.s32 @!p0 $0x108  }
0x21: {  	s3 =	sadd.s32 s3, s9;
	s6 =	sadd.s32 @!p0 $0x88, s6;
	s7 =	simm.s32 @p2 $0x1082  }
0x22: {  	[simem:s7], [sflag:s8] =	dma.local @!p0 [hbm:s6], $0xF7A  }
0x23: {  	s9 =	sor.u32 $0xD0000000, s2;
	s6 =	simm.s32 $0x108;
	_ =	swait.ge @!p0 [sflag:s8], $0x0  }
0x24: {  	s3 =	sadd.s32 $0x88, s3;
	s6 =	simm.s32 @!p1 $0x1082;
	[sflag:s4] =	ssyncset.s32 $0xFFFFF086  }
0x25: {  	[simem:s6], [sflag:s4] =	dma.local [hbm:s3], $0xF7A  }
0x26: {  	[smem:$0x3F9D] =	sst s1;
	(tag) =	ssettag s2;
	_ =	strace s9  }
0x27: {  	s1 =	sld [smem:$0x3FAD]  }
0x28: {  	s2 =	sld [smem:$0x3FAE]  }
0x29: {  	s4 =	sld [smem:$0x3FB0]  }
0x2a: {  	p0 =	seq.s32 s5, $0x0;
	s5 =	sld [smem:$0x3FB1]  }
0x2b: {  	s6 =	sld [smem:$0x3FB2]  }
0x2c: {  	s7 =	sld [smem:$0x3FB3]  }
0x2d: {  	s3 =	simm.s32 $0x108;
	s8 =	sld [smem:$0x3FB4]  }
0x2e: {  	s3 =	simm.s32 @!p0 $0x1082;
	s9 =	sld [smem:$0x3FB5]  }
0x2f: {  	lr =	sadd.s32 s0, s3;
	s0 =	sld [smem:$0x3FAC]  }
0x30: {  	s3 =	sld [smem:$0x3FAF]  }
0x31: {  	[smem:$0x3FB8] =	sst s10  }
0x32: {  	s10 =	sld [smem:$0x3FB6];
	_ =	sdelay $0x3  }
0x33: {  	p0 =	seq.s32 s10, $0x1;
	s10 =	sld [smem:$0x3FB8];
	_ =	sdelay $0x3  }
0x34: {  	[smem:$0x3FB8] =	sst s10  }
0x35: {  	s10 =	sld [smem:$0x3FB7];
	_ =	sdelay $0x3  }
0x36: {  	p1 =	seq.s32 s10, $0x1;
	s10 =	sld [smem:$0x3FB8];
	_ =	sdelay $0x3  }
0x37: {  	[smem:$0x3FB8] =	sst s10  }
0x38: {  	s10 =	sld [smem:$0x3FB9]  }
0x39: {  	_ = 	snop;
	(pc) =	sbr.ind lr, $3  }
0x3a: {  	_ = 	snop  }
0x3b: {  	_ = 	snop  }
0x3c: {  	p2 =	seq.s32 s10, $0x1;
	s10 =	sld [smem:$0x3FB8]  }
0x3d: {  	_ =	shalt  }
0x3e: {  	_ =	shalt  }
0x3f: {  	_ =	shalt  }
0x40: {  	_ =	shalt  }
0x41: {  	_ =	shalt  }
0x42: {  	_ =	shalt  }
0x43: {  	_ =	shalt  }
0x44: {  	_ =	shalt  }
0x45: {  	_ =	shalt  }
0x46: {  	_ =	shalt  }
0x47: {  	_ =	shalt  }
0x48: {  	_ =	shalt  }
0x49: {  	_ =	shalt  }
0x4a: {  	_ =	shalt  }
0x4b: {  	_ =	shalt  }
0x4c: {  	_ =	shalt  }
0x4d: {  	_ =	shalt  }
0x4e: {  	_ =	shalt  }
0x4f: {  	_ =	shalt  }
0x50: {  	_ =	shalt  }
0x51: {  	_ =	shalt  }
0x52: {  	_ =	shalt  }
0x53: {  	_ =	shalt  }
0x54: {  	_ =	shalt  }
0x55: {  	_ =	shalt  }
0x56: {  	_ =	shalt  }
0x57: {  	_ =	shalt  }
0x58: {  	_ =	shalt  }
0x59: {  	_ =	shalt  }
0x5a: {  	_ =	shalt  }
0x5b: {  	_ =	shalt  }
0x5c: {  	_ =	shalt  }
0x5d: {  	_ =	shalt  }
0x5e: {  	_ =	shalt  }
0x5f: {  	_ =	shalt  }
0x60: {  	_ =	shalt  }
0x61: {  	_ =	shalt  }
0x62: {  	_ =	shalt  }
0x63: {  	_ =	shalt  }
0x64: {  	_ =	shalt  }
0x65: {  	_ =	shalt  }
0x66: {  	_ =	shalt  }
0x67: {  	_ =	shalt  }
0x68: {  	_ =	shalt  }
0x69: {  	_ =	shalt  }
0x6a: {  	_ =	shalt  }
0x6b: {  	_ =	shalt  }
0x6c: {  	_ =	shalt  }
0x6d: {  	_ =	shalt  }
0x6e: {  	_ =	shalt  }
0x6f: {  	_ =	shalt  }
0x70: {  	_ =	shalt  }
0x71: {  	_ =	shalt  }
0x72: {  	_ =	shalt  }
0x73: {  	_ =	shalt  }
0x74: {  	_ =	shalt  }
0x75: {  	_ =	shalt  }
0x76: {  	_ =	shalt  }
0x77: {  	_ =	shalt  }
0x78: {  	_ =	shalt  }
0x79: {  	_ =	shalt  }
0x7a: {  	_ =	shalt  }
0x7b: {  	_ =	shalt  }
0x7c: {  	_ =	shalt  }
0x7d: {  	_ =	shalt  }
0x7e: {  	_ =	shalt  }
0x7f: {  	_ =	shalt  }
0x80: {  	_ =	shalt  }
0x81: {  	_ =	shalt  }
0x82: {  	_ =	shalt  }
0x83: {  	_ =	shalt  }
0x84: {  	_ =	shalt  }
0x85: {  	_ =	shalt  }
0x86: {  	_ =	shalt  }
0x87: {  	_ =	shalt  }
.Lfunc_end0:
.L_simem_size_0:
called_computation_lowered:
.L_overlay_start_0:
0x88: {  	s2 =	sld [smem:$0x3FD9]  }
0x89: {  	s3 =	sld [smem:$0x3FFE];
	_ =	sdelay $0x1  }
0x8a: {  	s1 =	srdreg.scid  }
0x8b: {  	s0 =	sand.u32 $0x1, s1  }
0x8c: {  	s14 =	sshll.u32 s0, $0xA;
	s2 =	sadd.s32 s3, s2  }
0x8d: {  	s2 =	sadd.s32 s2, s14  }
0x8e: {  	[smem:$0x3FC4] =	sst s2  }
0x8f: {  	_ = 	snop  }
0x90: {  	s2 =	sld [smem:$0x3FD0]  }
0x91: {  	s15 =	sld [smem:$0x3FC9]  }
0x92: {  	s4 =	sld [smem:$0x3FC8]  }
0x93: {  	s6 =	simm.s32 $0xA;
	s7 =	simm.s32 $0x10;
	s5 =	sld [smem:$0x3FC6]  }
0x94: {  	[smem:s7], [sflag:s6] =	dma.local [hbm:s2], $0x1  }
0x95: {  	_ =	swait.eq [sflag:s6], $0x1  }
0x96: {  	[sflag:s6] =	ssyncset.done $0x0  }
0x97: {  	s16 =	sld [smem:$0x10];
	[sflag:s6] =	ssyncadd.s32 $0xFFFFFFFF  }
0x98: {  	s17 =	sld [smem:$0x11];
	(tm) =	ssettm $0x1  }
0x99: {  	s18 =	sld [smem:$0x3FFB];
	_ =	sdelay $0x3  }
0x9a: {  	_ =	strace s18  }
0x9b: {  	s7 =	sld [smem:$0x3FFC];
	_ =	sdelay $0x3  }
0x9c: {  	_ =	strace s7  }
0x9d: {  	s7 =	sld [smem:$0x3FFD];
	_ =	sdelay $0x3  }
0x9e: {  	_ =	strace s7  }
0x9f: {  	_ =	strace $0x8FFFFFFF  }
0xa0: {  	s19 =	sld [smem:$0x3FDB];
	_ =	sdelay $0x1  }
0xa1: {  	s8 =	simm.s32 $_scs_section_size  }
0xa2: {  	s9 =	simm.s32 $_size__tile_overlayer_lowered;
	s10 =	simm.s32 $_tile_overlayer_lowered  }
0xa3: {  	s22 =	simm.s32 $0x1BFF;
	s21 =	sshll.u32 s10, $0x1;
	s7 =	sadd.s32 s8, s19  }
0xa4: {  	s11 =	simm.s32 $0x0;
	s20 =	sshll.u32 s9, $0x1;
	s9 =	sadd.s32 s21, s7  }
0xa5: {  	[timem:s11], [sflag:s22] =	dma.local [hbm:s9], s20  }
0xa6: {  	_ =	swait.ge [sflag:s22], s20  }
0xa7: {  	s8 =	ssub.s32 $0x0, s20;
	[sflag:s22] =	ssyncset.done $0x0  }
0xa8: {  	[sflag:s22] =	ssyncadd.s32 s8;
	_ =	sdelay $0x1  }
0xa9: {  	s23 =	simm.s32 $0x1B8B  }
0xaa: {  	_ =	swait.ge [sflag:s23], $0x1  }
0xab: {  	[sflag:s23] =	ssyncset.done $0x0  }
0xac: {  	s25 =	simm.s32 $0x1B8E;
	s24 =	sld [smem:$0x3FFE];
	[sflag:s23] =	ssyncadd.s32 $0xFFFFFFFF  }
0xad: {  	s26 =	simm.s32 $execute0_lowered;
	[smem:$0x3FD2] =	sst s25  }
0xae: {  	s9 =	sshll.u32 s26, $0x1;
	_ =	strace $0x80000046;
	[dreg:$0x1] =	wrdreg $0xFFFFFFFF  }
0xaf: {  	s28 =	simm.s32 $_size_execute0_lowered;
	s7 =	sadd.s32 s7, s9;
	[dreg:$0x0] =	wrdreg $0x0  }
0xb0: {  	s9 =	sshll.u32 s28, $0x1;
	[dreg:$0x2] =	wrdreg s7  }
0xb1: {  	[dreg:$0x3] =	wrdreg s9  }
0xb2: {  	[dreg:$0x4] =	wrdreg $0xC0  }
0xb3: {  	_ =	task [dreg:s11], $0x5FFFF  }
0xb4: {  	[dreg:$0x1] =	wrdreg $0xFFFFFFFF  }
0xb5: {  	[dreg:$0x0] =	wrdreg $0x60  }
0xb6: {  	[dreg:$0x2] =	wrdreg s15  }
0xb7: {  	[dreg:$0x3] =	wrdreg s4  }
0xb8: {  	[dreg:$0x4] =	wrdreg s5  }
0xb9: {  	[dreg:$0x5] =	wrdreg s24  }
0xba: {  	[dreg:$0x6] =	wrdreg s16  }
0xbb: {  	[dreg:$0x7] =	wrdreg s17  }
0xbc: {  	[dreg:$0x8] =	wrdreg $0x9  }
0xbd: {  	_ =	task.clear_ibuf [dreg:s11], $0x9FFFF;
	_ =	strace $0x90000046  }
0xbe: {  	s29 =	simm.s32 $0x9;
	_ =	strace $0x80000048  }
0xbf: {  	_ =	swait.ge [sflag:s29], $0x1  }
0xc0: {  	[sflag:s29] =	ssyncadd.s32 $0xFFFFFFFF  }
0xc1: {  	_ =	strace $0x90000048  }
0xc2: {  	_ =	sfence  }
0xc3: {  	s30 =	sld [smem:$0x0];
	_ =	sdelay $0x2  }
0xc4: {  	s31 =	sshll.u32 s1, $0xD;
	s1 =	sshrl.u32 s1, $0x2  }
0xc5: {  	s3 =	sand.u32 $0x4000, s31;
	s1 =	sadd.s32 s1, s30  }
0xc6: {  	s0 =	sor.u32 s3, s0;
	s1 =	sshll.u32 s1, $0x11  }
0xc7: {  	s0 =	sor.u32 s1, s0  }
0xc8: {  	s0 =	sadd.s32 $0x8F2B, s0  }
0xc9: {  	[sflag:s0] =	ssyncadd.remote.s32 $0x1  }
0xca: {  	_ =	sfence.sel $0xFFFF  }
0xcb: {  	[dreg:$0x0] =	wrdreg $0xFFFFFFFF;
	(pc) =	sbr.abs _section_cstart, $3  }
0xcc: {  	[dreg:$0x1] =	wrdreg $0xFFFFFFFF  }
0xcd: {  	_ =	task.clear_ibuf [dreg:s11], $0x2FFFF;
	_ =	strace $0x9FFFFFFF  }
0xce: {  	(tm) =	ssettm $0x7FFFFFFF  }
0xcf: {  	_ =	shalt  }
tec
execute0_lowered:
.L_overlay_start_1:
0x0: {  	(tag) =	ssettag $0x1  }
0x1: {  	s0 =	rddreg [dreg:$0x0]  }
0x2: {  	s2 =	rddreg [dreg:$0x1]  }
0x3: {  	s1 =	rddreg [dreg:$0x2]  }
0x4: {  	s4 =	rddreg [dreg:$0x3]  }
0x5: {  	s8 =	rddreg [dreg:$0x4]  }
0x6: {  	s10 =	rddreg [dreg:$0x5];
	s3 =	simm.s32 $0x0;
	s5 =	srdreg.scid  }
0x7: {  	s6 =	stileid.u32;
	s14 =	simm.s32 $0x3;
	s16 =	simm.s32 $0x1000  }
0x8: {  	s18 =	simm.s32 $0x8800;
	s20 =	simm.s32 $0x9800;
	s22 =	simm.s32 $0xA800  }
0x9: {  	s23 =	simm.s32 $0x5800;
	s28 =	simm.s32 $0x1800;
	s29 =	simm.s32 $0x7800  }
0xa: {  	s30 =	simm.s32 $0x1;
	s31 =	simm.s32 $0x2;
	[smem:$0x7FF] =	sst s3  }
0xb: {  	s5 =	sand.u32 $0x1, s5;
	s6 =	sshll.u32 s6, $0x1;
	s4 =	sadd.s32 $0x800, s4  }
0xc: {  	_ =	strace $0x80000047;
	s7 =	ssub.s32 $0x2, s5;
	s6 =	sor.u32 s5, s6  }
0xd: {  	s24 =	sshrl.u32 s7, $0x1;
	s9 =	sshll.u32 s6, $0x6;
	s25 =	sshll.u32 s6, $0x9  }
0xe: {  	s13 =	ssub.s32 s7, s24;
	s5 =	sadd.s32 s0, s9;
	s6 =	sadd.s32 s2, s9  }
0xf: {  	s7 =	sadd.s32 s8, s25;
	s26 =	sor.u32 $0x4000, s25;
	s9 =	sadd.s32 s10, s25  }
0x10: {  	s24 =	simm.s32 $0xB800;
	s25 =	simm.s32 $0x800;
	s0 =	simm.s32 $0x0  }
0x11: {  	s8 =	sadd.s32 s8, s26;
	s10 =	sadd.s32 s10, s26;
	s11 =	sadd.s32 $0x8000, s9  }
0x12: {  	s12 =	sadd.s32 $0xC000, s9;
	s13 =	smax.u32 s13, $0x1;
	s26 =	simm.s32 $0x6800  }
.LBB2_1:
0x13: {  	[tilespmem:s3], [sflag:$0x3] =	stream.linear.gather [hbm4b:s5+s3], $0x200, $0x38;
	[tilespmem:$0xC800] =	vst v63  }
0x14: {  	_ =	swait.ge [sflag:s14], $0x200  }
0x15: {  	[sflag:s14] =	ssyncset.done $0x0  }
0x16: {  	s2 =	simm.s32 $0x200;
	[sflag:s14] =	ssyncadd.s32 $0xFFFFFE00  }
0x17: {  	[tilespmem:s2], [sflag:$0x3] =	stream.linear.gather [hbm4b:s6+s3], $0x200, $0x38;
	[tilespmem:$0xC800] =	vst v63  }
0x18: {  	_ =	swait.ge [sflag:s14], $0x200  }
0x19: {  	[sflag:s14] =	ssyncset.done $0x0  }
0x1a: {  	[sflag:s14] =	ssyncadd.s32 $0xFFFFFE00  }
0x1b: {  	v0 =	vld [tilespmem:$0x200]  }
0x1c: {  	v1 =	vld [tilespmem:$0x210]  }
0x1d: {  	v2 =	vld [tilespmem:$0x220]  }
0x1e: {  	v3 =	vld [tilespmem:$0x230]  }
0x1f: {  	v4 =	vld [tilespmem:$0x240]  }
0x20: {  	v6 =	vld [tilespmem:$0x250];
	v5 =	vshrl.u32 v0, $0x7  }
0x21: {  	v8 =	vld [tilespmem:$0x260];
	v7 =	vshrl.u32 v1, $0x7;
	v5 =	vmul.u32 $0x380, v5  }
0x22: {  	v10 =	vld [tilespmem:$0x270];
	v9 =	vshrl.u32 v2, $0x7;
	v7 =	vmul.u32 $0x380, v7  }
0x23: {  	v11 =	vld [tilespmem:$0x280];
	v29 =	vshrl.u32 v3, $0x7;
	v28 =	vmul.u32 $0x380, v9;
	v0 =	vadd.s32 v0, v5  }
0x24: {  	v31 =	vld [tilespmem:$0x290];
	v30 =	vshrl.u32 v4, $0x7;
	[tilespmem:$0x600] =	vst v0;
	v0 =	vadd.s32 v1, v7;
	v1 =	vmul.u32 $0x380, v29  }
0x25: {  	v33 =	vld [tilespmem:$0x2A0];
	v32 =	vshrl.u32 v6, $0x7;
	[tilespmem:$0x610] =	vst v0;
	v0 =	vadd.s32 v2, v28;
	v2 =	vmul.u32 $0x380, v30  }
0x26: {  	v34 =	vld [tilespmem:$0x2B0];
	[tilespmem:$0x620] =	vst v0;
	v0 =	vadd.s32 v3, v1;
	v1 =	vmul.u32 $0x380, v32;
	v3 =	vshrl.u32 v8, $0x7  }
0x27: {  	v35 =	vld [tilespmem:$0x2D0];
	[tilespmem:$0x630] =	vst v0;
	v0 =	vadd.s32 v4, v2;
	v2 =	vmul.u32 $0x380, v3;
	v3 =	vshrl.u32 v10, $0x7  }
0x28: {  	v36 =	vld [tilespmem:$0x2E0];
	[tilespmem:$0x640] =	vst v0;
	v0 =	vadd.s32 v6, v1;
	v1 =	vmul.u32 $0x380, v3;
	v3 =	vshrl.u32 v11, $0x7  }
0x29: {  	v37 =	vld [tilespmem:$0x2F0];
	[tilespmem:$0x650] =	vst v0;
	v0 =	vadd.s32 v8, v2;
	v2 =	vmul.u32 $0x380, v3;
	v3 =	vshrl.u32 v31, $0x7  }
0x2a: {  	v38 =	vld [tilespmem:$0x300];
	[tilespmem:$0x660] =	vst v0;
	v0 =	vadd.s32 v10, v1;
	v1 =	vmul.u32 $0x380, v3;
	v3 =	vshrl.u32 v33, $0x7  }
0x2b: {  	v39 =	vld [tilespmem:$0x310];
	[tilespmem:$0x670] =	vst v0;
	v0 =	vadd.s32 v11, v2;
	v2 =	vmul.u32 $0x380, v3;
	v3 =	vshrl.u32 v34, $0x7  }
0x2c: {  	v40 =	vld [tilespmem:$0x320];
	[tilespmem:$0x680] =	vst v0;
	v0 =	vadd.s32 v31, v1;
	v1 =	vmul.u32 $0x380, v3;
	v3 =	vshrl.u32 v35, $0x7  }
0x2d: {  	v41 =	vld [tilespmem:$0x330];
	[tilespmem:$0x690] =	vst v0;
	v0 =	vadd.s32 v33, v2;
	v2 =	vmul.u32 $0x380, v3;
	v3 =	vshrl.u32 v36, $0x7  }
0x2e: {  	v42 =	vld [tilespmem:$0x350];
	[tilespmem:$0x6A0] =	vst v0;
	v0 =	vadd.s32 v34, v1;
	v1 =	vmul.u32 $0x380, v3;
	v3 =	vshrl.u32 v37, $0x7  }
0x2f: {  	v43 =	vld [tilespmem:$0x360];
	[tilespmem:$0x6B0] =	vst v0;
	v0 =	vadd.s32 v35, v2;
	v2 =	vmul.u32 $0x380, v3;
	v3 =	vshrl.u32 v38, $0x7  }
0x30: {  	v44 =	vld [tilespmem:$0x370];
	[tilespmem:$0x6D0] =	vst v0;
	v0 =	vadd.s32 v36, v1;
	v1 =	vmul.u32 $0x380, v3;
	v3 =	vshrl.u32 v39, $0x7  }
0x31: {  	v45 =	vld [tilespmem:$0x380];
	[tilespmem:$0x6E0] =	vst v0;
	v0 =	vadd.s32 v37, v2;
	v2 =	vmul.u32 $0x380, v3;
	v3 =	vshrl.u32 v40, $0x7  }
0x32: {  	v48 =	vld [tilespmem:$0x3B0];
	[tilespmem:$0x6F0] =	vst v0;
	v0 =	vadd.s32 v38, v1;
	v1 =	vmul.u32 $0x380, v3;
	v3 =	vshrl.u32 v41, $0x7  }
0x33: {  	v47 =	vld [tilespmem:$0x3A0];
	[tilespmem:$0x700] =	vst v0;
	v0 =	vadd.s32 v39, v2;
	v2 =	vmul.u32 $0x380, v3;
	v3 =	vshrl.u32 v42, $0x7  }
0x34: {  	v46 =	vld [tilespmem:$0x390];
	[tilespmem:$0x710] =	vst v0;
	v0 =	vadd.s32 v40, v1;
	v1 =	vmul.u32 $0x380, v3;
	v3 =	vshrl.u32 v43, $0x7  }
0x35: {  	v49 =	vshrl.u32 v44, $0x7;
	[tilespmem:$0x720] =	vst v0;
	v0 =	vld [tilespmem:$0x2C0];
	v2 =	vadd.s32 v41, v2;
	v3 =	vmul.u32 $0x380, v3  }
0x36: {  	v51 =	vshrl.u32 v45, $0x7;
	v50 =	vmul.u32 $0x380, v49;
	[tilespmem:$0x730] =	vst v2;
	v2 =	vld [tilespmem:$0x340];
	v1 =	vadd.s32 v42, v1  }
0x37: {  	v53 =	vld [tilespmem:$0x3C0];
	v56 =	vshrl.u32 v48, $0x7;
	[tilespmem:$0x750] =	vst v1;
	v1 =	vadd.s32 v43, v3;
	v3 =	vmul.u32 $0x380, v51  }
0x38: {  	v55 =	vld [tilespmem:$0x3D0];
	v54 =	vshrl.u32 v47, $0x7;
	v5 =	vmul.u32 $0x380, v56;
	[tilespmem:$0x760] =	vst v1;
	v1 =	vadd.s32 v44, v50  }
0x39: {  	v57 =	vld [tilespmem:$0x3E0];
	v52 =	vshrl.u32 v46, $0x7;
	[tilespmem:$0x770] =	vst v1;
	v1 =	vadd.s32 v45, v3;
	v3 =	vmul.u32 $0x380, v54  }
0x3a: {  	v58 =	vld [tilespmem:$0x3F0];
	v60 =	vadd.s32 v48, v5;
	v4 =	vmul.u32 $0x380, v52;
	[tilespmem:$0x780] =	vst v1;
	v1 =	vshrl.u32 v0, $0x7  }
0x3b: {  	[tilespmem:$0x7B0] =	vst v60;
	v1 =	vmul.u32 $0x380, v1;
	v3 =	vadd.s32 v47, v3;
	v59 =	vshrl.u32 v2, $0x7  }
0x3c: {  	s21 =	simm.s32 $0x0;
	v61 =	vshrl.u32 v53, $0x7;
	v4 =	vadd.s32 v46, v4;
	[tilespmem:$0x7A0] =	vst v3;
	v3 =	vmul.u32 $0x380, v59  }
0x3d: {  	s15 =	sand.u32 $0x180, s21;
	v62 =	vshrl.u32 v55, $0x7;
	[tilespmem:$0x790] =	vst v4;
	v0 =	vadd.s32 v0, v1;
	v1 =	vmul.u32 $0x380, v61  }
0x3e: {  	v63 =	vld [tilespmem:s15+$0x600];
	[tilespmem:$0x6C0] =	vst v0;
	v0 =	vadd.s32 v2, v3;
	v2 =	vmul.u32 $0x380, v62;
	v3 =	vshrl.u32 v57, $0x7  }
0x3f: {  	[tilespmem:$0x740] =	vst v0;
	v0 =	vadd.s32 v53, v1;
	v1 =	vmul.u32 $0x380, v3;
	v3 =	vshrl.u32 v58, $0x7  }
0x40: {  	[tilespmem:$0x7C0] =	vst v0;
	v0 =	vadd.s32 v55, v2;
	v2 =	vmul.u32 $0x380, v3  }
0x41: {  	[tilespmem:$0x7D0] =	vst v0;
	v0 =	vadd.s32 v57, v1  }
0x42: {  	s21 =	sand.u32 $0x380, s3;
	[tilespmem:$0x7E0] =	vst v0;
	v0 =	vadd.s32 v58, v2  }
0x43: {  	s2 =	simm.s32 $0x2840;
	[tilespmem:$0x7F0] =	vst v0;
	v0 =	vadd.s32 s21, v63  }
0x44: {  	[tilespmem:s2+$0xFFFFFFC0] =	vst v0  }
0x45: {  	v0 =	vld [tilespmem:s15+$0x610];
	_ =	sdelay $0x4  }
0x46: {  	v0 =	vadd.s32 s21, v0  }
0x47: {  	[tilespmem:s2+$0xFFFFFFD0] =	vst v0  }
0x48: {  	v0 =	vld [tilespmem:s15+$0x620];
	_ =	sdelay $0x4  }
0x49: {  	v0 =	vadd.s32 s21, v0  }
0x4a: {  	[tilespmem:s2+$0xFFFFFFE0] =	vst v0  }
0x4b: {  	v0 =	vld [tilespmem:s15+$0x630];
	_ =	sdelay $0x4  }
0x4c: {  	v0 =	vadd.s32 s21, v0  }
0x4d: {  	[tilespmem:s2+$0xFFFFFFF0] =	vst v0  }
0x4e: {  	v0 =	vld [tilespmem:s15+$0x640];
	_ =	sdelay $0x4  }
0x4f: {  	v0 =	vadd.s32 s21, v0  }
0x50: {  	[tilespmem:s2+$0x0] =	vst v0  }
0x51: {  	v0 =	vld [tilespmem:s15+$0x650];
	_ =	sdelay $0x4  }
0x52: {  	v0 =	vadd.s32 s21, v0  }
0x53: {  	[tilespmem:s2+$0x10] =	vst v0  }
0x54: {  	v0 =	vld [tilespmem:s15+$0x660];
	_ =	sdelay $0x4  }
0x55: {  	v0 =	vadd.s32 s21, v0  }
0x56: {  	[tilespmem:s2+$0x20] =	vst v0  }
0x57: {  	v0 =	vld [tilespmem:s15+$0x670];
	_ =	sdelay $0x4  }
0x58: {  	s19 =	simm.s32 $0x10;
	s17 =	simm.s32 $0x80;
	s15 =	simm.s32 $0x0;
	v0 =	vadd.s32 s21, v0  }
.LBB2_2:
0x59: {  	p0 =	sne.s32 s17, $0x7C0;
	s19 =	sand.u32 $0x180, s19;
	[tilespmem:s2+$0x30] =	vst v0  }
0x5a: {  	v0 =	vld [tilespmem:s19+$0x600];
	_ =	sdelay $0x2  }
0x5b: {  	s15 =	sadd.s32 $0x80, s15  }
0x5c: {  	s21 =	sand.u32 $0x380, s15  }
0x5d: {  	s2 =	sadd.s32 $0x80, s2;
	v0 =	vadd.s32 s21, v0  }
0x5e: {  	[tilespmem:s2+$0xFFFFFFC0] =	vst v0  }
0x5f: {  	v0 =	vld [tilespmem:s19+$0x610];
	_ =	sdelay $0x4  }
0x60: {  	v0 =	vadd.s32 s21, v0  }
0x61: {  	[tilespmem:s2+$0xFFFFFFD0] =	vst v0  }
0x62: {  	v0 =	vld [tilespmem:s19+$0x620];
	_ =	sdelay $0x4  }
0x63: {  	v0 =	vadd.s32 s21, v0  }
0x64: {  	[tilespmem:s2+$0xFFFFFFE0] =	vst v0  }
0x65: {  	v0 =	vld [tilespmem:s19+$0x630];
	_ =	sdelay $0x4  }
0x66: {  	v0 =	vadd.s32 s21, v0  }
0x67: {  	[tilespmem:s2+$0xFFFFFFF0] =	vst v0  }
0x68: {  	v0 =	vld [tilespmem:s19+$0x640];
	_ =	sdelay $0x4  }
0x69: {  	v0 =	vadd.s32 s21, v0  }
0x6a: {  	[tilespmem:s2+$0x0] =	vst v0  }
0x6b: {  	v0 =	vld [tilespmem:s19+$0x650];
	_ =	sdelay $0x4  }
0x6c: {  	v0 =	vadd.s32 s21, v0  }
0x6d: {  	[tilespmem:s2+$0x10] =	vst v0  }
0x6e: {  	v0 =	vld [tilespmem:s19+$0x660];
	_ =	sdelay $0x4  }
0x6f: {  	v0 =	vadd.s32 s21, v0  }
0x70: {  	[tilespmem:s2+$0x20] =	vst v0  }
0x71: {  	v0 =	vld [tilespmem:s19+$0x670]  }
.Ltmp0:
0x72: {  	(pc) =	sbr.rel @p0 .LBB2_2-.Ltmp0, $2  }
0x73: {  	_ =	sdelay $0x2  }
0x74: {  	s19 =	sshrl.u32 s17, $0x2;
	s17 =	sadd.s32 $0x40, s17;
	v0 =	vadd.s32 s21, v0  }
0x75: {  	s17 =	sand.u32 $0x180, s19;
	[tilespmem:s2+$0x30] =	vst v0  }
0x76: {  	v0 =	vld [tilespmem:s17+$0x600];
	_ =	sdelay $0x2  }
0x77: {  	s15 =	sadd.s32 $0x80, s15  }
0x78: {  	s15 =	sand.u32 $0x380, s15  }
0x79: {  	s21 =	sadd.s32 $0x80, s2;
	v0 =	vadd.s32 s15, v0  }
0x7a: {  	[tilespmem:s21+$0xFFFFFFC0] =	vst v0  }
0x7b: {  	v0 =	vld [tilespmem:s17+$0x610];
	_ =	sdelay $0x4  }
0x7c: {  	v0 =	vadd.s32 s15, v0  }
0x7d: {  	[tilespmem:s21+$0xFFFFFFD0] =	vst v0  }
0x7e: {  	v0 =	vld [tilespmem:s17+$0x620];
	_ =	sdelay $0x4  }
0x7f: {  	v0 =	vadd.s32 s15, v0  }
0x80: {  	[tilespmem:s21+$0xFFFFFFE0] =	vst v0  }
0x81: {  	v0 =	vld [tilespmem:s17+$0x630];
	_ =	sdelay $0x4  }
0x82: {  	v0 =	vadd.s32 s15, v0  }
0x83: {  	[tilespmem:s21+$0xFFFFFFF0] =	vst v0  }
0x84: {  	v0 =	vld [tilespmem:s17+$0x640];
	_ =	sdelay $0x4  }
0x85: {  	v0 =	vadd.s32 s15, v0  }
0x86: {  	[tilespmem:s21+$0x0] =	vst v0  }
0x87: {  	v0 =	vld [tilespmem:s17+$0x650];
	_ =	sdelay $0x4  }
0x88: {  	v0 =	vadd.s32 s15, v0  }
0x89: {  	[tilespmem:s21+$0x10] =	vst v0  }
0x8a: {  	v0 =	vld [tilespmem:s17+$0x660];
	_ =	sdelay $0x4  }
0x8b: {  	v0 =	vadd.s32 s15, v0  }
0x8c: {  	[tilespmem:s21+$0x20] =	vst v0  }
0x8d: {  	v0 =	vld [tilespmem:s17+$0x670];
	_ =	sdelay $0x4  }
0x8e: {  	s17 =	simm.s32 $0x0;
	v0 =	vadd.s32 s15, v0  }
0x8f: {  	s19 =	sand.u32 $0x180, s17;
	s15 =	simm.s32 $0x2800;
	[tilespmem:s21+$0x30] =	vst v0  }
0x90: {  	[tilespmem:s18], [sflag:$0x2] =	stream.indirect.gather [hbm4b:s4+s16], $0x1, s15, s16, $0xb8;
	[tilespmem:$0xC800] =	vst v63  }
0x91: {  	v0 =	vld [tilespmem:s19+$0x600];
	_ =	sdelay $0x1  }
0x92: {  	s15 =	simm.s32 $0x0  }
0x93: {  	s21 =	sand.u32 $0x380, s15  }
0x94: {  	s21 =	sor.u32 $0xC3800, s21  }
0x95: {  	s2 =	simm.s32 $0x3840;
	v0 =	vadd.s32 s21, v0  }
0x96: {  	[tilespmem:s2+$0xFFFFFFC0] =	vst v0  }
0x97: {  	v0 =	vld [tilespmem:s19+$0x610];
	_ =	sdelay $0x4  }
0x98: {  	v0 =	vadd.s32 s21, v0  }
0x99: {  	[tilespmem:s2+$0xFFFFFFD0] =	vst v0  }
0x9a: {  	v0 =	vld [tilespmem:s19+$0x620];
	_ =	sdelay $0x4  }
0x9b: {  	v0 =	vadd.s32 s21, v0  }
0x9c: {  	[tilespmem:s2+$0xFFFFFFE0] =	vst v0  }
0x9d: {  	v0 =	vld [tilespmem:s19+$0x630];
	_ =	sdelay $0x4  }
0x9e: {  	v0 =	vadd.s32 s21, v0  }
0x9f: {  	[tilespmem:s2+$0xFFFFFFF0] =	vst v0  }
0xa0: {  	v0 =	vld [tilespmem:s19+$0x640];
	_ =	sdelay $0x4  }
0xa1: {  	v0 =	vadd.s32 s21, v0  }
0xa2: {  	[tilespmem:s2+$0x0] =	vst v0  }
0xa3: {  	v0 =	vld [tilespmem:s19+$0x650];
	_ =	sdelay $0x4  }
0xa4: {  	v0 =	vadd.s32 s21, v0  }
0xa5: {  	[tilespmem:s2+$0x10] =	vst v0  }
0xa6: {  	v0 =	vld [tilespmem:s19+$0x660];
	_ =	sdelay $0x4  }
0xa7: {  	v0 =	vadd.s32 s21, v0  }
0xa8: {  	[tilespmem:s2+$0x20] =	vst v0  }
0xa9: {  	v0 =	vld [tilespmem:s19+$0x670];
	_ =	sdelay $0x4  }
0xaa: {  	s17 =	simm.s32 $0x80;
	s19 =	simm.s32 $0x10;
	v0 =	vadd.s32 s21, v0  }
.LBB2_4:
0xab: {  	p0 =	sne.s32 s17, $0x7C0;
	s19 =	sand.u32 $0x180, s19;
	[tilespmem:s2+$0x30] =	vst v0  }
0xac: {  	v0 =	vld [tilespmem:s19+$0x600];
	_ =	sdelay $0x1  }
0xad: {  	s15 =	sadd.s32 $0x80, s15  }
0xae: {  	s21 =	sand.u32 $0x380, s15  }
0xaf: {  	s21 =	sor.u32 $0xC3800, s21  }
0xb0: {  	s2 =	sadd.s32 $0x80, s2;
	v0 =	vadd.s32 s21, v0  }
0xb1: {  	[tilespmem:s2+$0xFFFFFFC0] =	vst v0  }
0xb2: {  	v0 =	vld [tilespmem:s19+$0x610];
	_ =	sdelay $0x4  }
0xb3: {  	v0 =	vadd.s32 s21, v0  }
0xb4: {  	[tilespmem:s2+$0xFFFFFFD0] =	vst v0  }
0xb5: {  	v0 =	vld [tilespmem:s19+$0x620];
	_ =	sdelay $0x4  }
0xb6: {  	v0 =	vadd.s32 s21, v0  }
0xb7: {  	[tilespmem:s2+$0xFFFFFFE0] =	vst v0  }
0xb8: {  	v0 =	vld [tilespmem:s19+$0x630];
	_ =	sdelay $0x4  }
0xb9: {  	v0 =	vadd.s32 s21, v0  }
0xba: {  	[tilespmem:s2+$0xFFFFFFF0] =	vst v0  }
0xbb: {  	v0 =	vld [tilespmem:s19+$0x640];
	_ =	sdelay $0x4  }
0xbc: {  	v0 =	vadd.s32 s21, v0  }
0xbd: {  	[tilespmem:s2+$0x0] =	vst v0  }
0xbe: {  	v0 =	vld [tilespmem:s19+$0x650];
	_ =	sdelay $0x4  }
0xbf: {  	v0 =	vadd.s32 s21, v0  }
0xc0: {  	[tilespmem:s2+$0x10] =	vst v0  }
0xc1: {  	v0 =	vld [tilespmem:s19+$0x660];
	_ =	sdelay $0x4  }
0xc2: {  	v0 =	vadd.s32 s21, v0  }
0xc3: {  	[tilespmem:s2+$0x20] =	vst v0  }
0xc4: {  	v0 =	vld [tilespmem:s19+$0x670]  }
.Ltmp1:
0xc5: {  	(pc) =	sbr.rel @p0 .LBB2_4-.Ltmp1, $2  }
0xc6: {  	_ =	sdelay $0x2  }
0xc7: {  	s19 =	sshrl.u32 s17, $0x2;
	s17 =	sadd.s32 $0x40, s17;
	v0 =	vadd.s32 s21, v0  }
0xc8: {  	s17 =	sand.u32 $0x180, s19;
	[tilespmem:s2+$0x30] =	vst v0  }
0xc9: {  	v0 =	vld [tilespmem:s17+$0x600];
	_ =	sdelay $0x1  }
0xca: {  	s15 =	sadd.s32 $0x80, s15  }
0xcb: {  	s15 =	sand.u32 $0x380, s15  }
0xcc: {  	s15 =	sor.u32 $0xC3800, s15  }
0xcd: {  	s21 =	sadd.s32 $0x80, s2;
	v0 =	vadd.s32 s15, v0  }
0xce: {  	[tilespmem:s21+$0xFFFFFFC0] =	vst v0  }
0xcf: {  	v0 =	vld [tilespmem:s17+$0x610];
	_ =	sdelay $0x4  }
0xd0: {  	v0 =	vadd.s32 s15, v0  }
0xd1: {  	[tilespmem:s21+$0xFFFFFFD0] =	vst v0  }
0xd2: {  	v0 =	vld [tilespmem:s17+$0x620];
	_ =	sdelay $0x4  }
0xd3: {  	v0 =	vadd.s32 s15, v0  }
0xd4: {  	[tilespmem:s21+$0xFFFFFFE0] =	vst v0  }
0xd5: {  	v0 =	vld [tilespmem:s17+$0x630];
	_ =	sdelay $0x4  }
0xd6: {  	v0 =	vadd.s32 s15, v0  }
0xd7: {  	[tilespmem:s21+$0xFFFFFFF0] =	vst v0  }
0xd8: {  	v0 =	vld [tilespmem:s17+$0x640];
	_ =	sdelay $0x4  }
0xd9: {  	v0 =	vadd.s32 s15, v0  }
0xda: {  	[tilespmem:s21+$0x0] =	vst v0  }
0xdb: {  	v0 =	vld [tilespmem:s17+$0x650];
	_ =	sdelay $0x4  }
0xdc: {  	v0 =	vadd.s32 s15, v0  }
0xdd: {  	[tilespmem:s21+$0x10] =	vst v0  }
0xde: {  	v0 =	vld [tilespmem:s17+$0x660];
	_ =	sdelay $0x4  }
0xdf: {  	v0 =	vadd.s32 s15, v0  }
0xe0: {  	[tilespmem:s21+$0x20] =	vst v0  }
0xe1: {  	v0 =	vld [tilespmem:s17+$0x670];
	_ =	sdelay $0x4  }
0xe2: {  	s17 =	simm.s32 $0x0;
	v0 =	vadd.s32 s15, v0  }
0xe3: {  	s19 =	sand.u32 $0x180, s17;
	s15 =	simm.s32 $0x3800;
	[tilespmem:s21+$0x30] =	vst v0  }
0xe4: {  	[tilespmem:s20], [sflag:$0x2] =	stream.indirect.gather [hbm4b:s4+s16], $0x1, s15, s16, $0xb8;
	[tilespmem:$0xC800] =	vst v63  }
0xe5: {  	v0 =	vld [tilespmem:s19+$0x600];
	_ =	sdelay $0x1  }
0xe6: {  	s15 =	simm.s32 $0x0  }
0xe7: {  	s21 =	sand.u32 $0x380, s15  }
0xe8: {  	s21 =	sor.u32 $0x187000, s21  }
0xe9: {  	s2 =	simm.s32 $0x4840;
	v0 =	vadd.s32 s21, v0  }
0xea: {  	[tilespmem:s2+$0xFFFFFFC0] =	vst v0  }
0xeb: {  	v0 =	vld [tilespmem:s19+$0x610];
	_ =	sdelay $0x4  }
0xec: {  	v0 =	vadd.s32 s21, v0  }
0xed: {  	[tilespmem:s2+$0xFFFFFFD0] =	vst v0  }
0xee: {  	v0 =	vld [tilespmem:s19+$0x620];
	_ =	sdelay $0x4  }
0xef: {  	v0 =	vadd.s32 s21, v0  }
0xf0: {  	[tilespmem:s2+$0xFFFFFFE0] =	vst v0  }
0xf1: {  	v0 =	vld [tilespmem:s19+$0x630];
	_ =	sdelay $0x4  }
0xf2: {  	v0 =	vadd.s32 s21, v0  }
0xf3: {  	[tilespmem:s2+$0xFFFFFFF0] =	vst v0  }
0xf4: {  	v0 =	vld [tilespmem:s19+$0x640];
	_ =	sdelay $0x4  }
0xf5: {  	v0 =	vadd.s32 s21, v0  }
0xf6: {  	[tilespmem:s2+$0x0] =	vst v0  }
0xf7: {  	v0 =	vld [tilespmem:s19+$0x650];
	_ =	sdelay $0x4  }
0xf8: {  	v0 =	vadd.s32 s21, v0  }
0xf9: {  	[tilespmem:s2+$0x10] =	vst v0  }
0xfa: {  	v0 =	vld [tilespmem:s19+$0x660];
	_ =	sdelay $0x4  }
0xfb: {  	v0 =	vadd.s32 s21, v0  }
0xfc: {  	[tilespmem:s2+$0x20] =	vst v0  }
0xfd: {  	v0 =	vld [tilespmem:s19+$0x670];
	_ =	sdelay $0x4  }
0xfe: {  	s17 =	simm.s32 $0x80;
	s19 =	simm.s32 $0x10;
	v0 =	vadd.s32 s21, v0  }
.LBB2_6:
0xff: {  	p0 =	sne.s32 s17, $0x7C0;
	s19 =	sand.u32 $0x180, s19;
	[tilespmem:s2+$0x30] =	vst v0  }
0x100: {  	v0 =	vld [tilespmem:s19+$0x600];
	_ =	sdelay $0x1  }
0x101: {  	s15 =	sadd.s32 $0x80, s15  }
0x102: {  	s21 =	sand.u32 $0x380, s15  }
0x103: {  	s21 =	sor.u32 $0x187000, s21  }
0x104: {  	s2 =	sadd.s32 $0x80, s2;
	v0 =	vadd.s32 s21, v0  }
0x105: {  	[tilespmem:s2+$0xFFFFFFC0] =	vst v0  }
0x106: {  	v0 =	vld [tilespmem:s19+$0x610];
	_ =	sdelay $0x4  }
0x107: {  	v0 =	vadd.s32 s21, v0  }
0x108: {  	[tilespmem:s2+$0xFFFFFFD0] =	vst v0  }
0x109: {  	v0 =	vld [tilespmem:s19+$0x620];
	_ =	sdelay $0x4  }
0x10a: {  	v0 =	vadd.s32 s21, v0  }
0x10b: {  	[tilespmem:s2+$0xFFFFFFE0] =	vst v0  }
0x10c: {  	v0 =	vld [tilespmem:s19+$0x630];
	_ =	sdelay $0x4  }
0x10d: {  	v0 =	vadd.s32 s21, v0  }
0x10e: {  	[tilespmem:s2+$0xFFFFFFF0] =	vst v0  }
0x10f: {  	v0 =	vld [tilespmem:s19+$0x640];
	_ =	sdelay $0x4  }
0x110: {  	v0 =	vadd.s32 s21, v0  }
0x111: {  	[tilespmem:s2+$0x0] =	vst v0  }
0x112: {  	v0 =	vld [tilespmem:s19+$0x650];
	_ =	sdelay $0x4  }
0x113: {  	v0 =	vadd.s32 s21, v0  }
0x114: {  	[tilespmem:s2+$0x10] =	vst v0  }
0x115: {  	v0 =	vld [tilespmem:s19+$0x660];
	_ =	sdelay $0x4  }
0x116: {  	v0 =	vadd.s32 s21, v0  }
0x117: {  	[tilespmem:s2+$0x20] =	vst v0  }
0x118: {  	v0 =	vld [tilespmem:s19+$0x670]  }
.Ltmp2:
0x119: {  	(pc) =	sbr.rel @p0 .LBB2_6-.Ltmp2, $2  }
0x11a: {  	_ =	sdelay $0x2  }
0x11b: {  	s19 =	sshrl.u32 s17, $0x2;
	s17 =	sadd.s32 $0x40, s17;
	v0 =	vadd.s32 s21, v0  }
0x11c: {  	s17 =	sand.u32 $0x180, s19;
	[tilespmem:s2+$0x30] =	vst v0  }
0x11d: {  	v0 =	vld [tilespmem:s17+$0x600];
	_ =	sdelay $0x1  }
0x11e: {  	s15 =	sadd.s32 $0x80, s15  }
0x11f: {  	s15 =	sand.u32 $0x380, s15  }
0x120: {  	s15 =	sor.u32 $0x187000, s15  }
0x121: {  	s21 =	sadd.s32 $0x80, s2;
	v0 =	vadd.s32 s15, v0  }
0x122: {  	[tilespmem:s21+$0xFFFFFFC0] =	vst v0  }
0x123: {  	v0 =	vld [tilespmem:s17+$0x610];
	_ =	sdelay $0x4  }
0x124: {  	v0 =	vadd.s32 s15, v0  }
0x125: {  	[tilespmem:s21+$0xFFFFFFD0] =	vst v0  }
0x126: {  	v0 =	vld [tilespmem:s17+$0x620];
	_ =	sdelay $0x4  }
0x127: {  	v0 =	vadd.s32 s15, v0  }
0x128: {  	[tilespmem:s21+$0xFFFFFFE0] =	vst v0  }
0x129: {  	v0 =	vld [tilespmem:s17+$0x630];
	_ =	sdelay $0x4  }
0x12a: {  	v0 =	vadd.s32 s15, v0  }
0x12b: {  	[tilespmem:s21+$0xFFFFFFF0] =	vst v0  }
0x12c: {  	v0 =	vld [tilespmem:s17+$0x640];
	_ =	sdelay $0x4  }
0x12d: {  	v0 =	vadd.s32 s15, v0  }
0x12e: {  	[tilespmem:s21+$0x0] =	vst v0  }
0x12f: {  	v0 =	vld [tilespmem:s17+$0x650];
	_ =	sdelay $0x4  }
0x130: {  	v0 =	vadd.s32 s15, v0  }
0x131: {  	[tilespmem:s21+$0x10] =	vst v0  }
0x132: {  	v0 =	vld [tilespmem:s17+$0x660];
	_ =	sdelay $0x4  }
0x133: {  	v0 =	vadd.s32 s15, v0  }
0x134: {  	[tilespmem:s21+$0x20] =	vst v0  }
0x135: {  	v0 =	vld [tilespmem:s17+$0x670];
	_ =	sdelay $0x4  }
0x136: {  	s17 =	simm.s32 $0x0;
	v0 =	vadd.s32 s15, v0  }
0x137: {  	s19 =	sand.u32 $0x180, s17;
	s15 =	simm.s32 $0x4800;
	[tilespmem:s21+$0x30] =	vst v0  }
0x138: {  	[tilespmem:s22], [sflag:$0x2] =	stream.indirect.gather [hbm4b:s4+s16], $0x1, s15, s16, $0xb8;
	[tilespmem:$0xC800] =	vst v63  }
0x139: {  	v0 =	vld [tilespmem:s19+$0x600];
	_ =	sdelay $0x1  }
0x13a: {  	s15 =	simm.s32 $0x0  }
0x13b: {  	s21 =	sand.u32 $0x380, s15  }
0x13c: {  	s21 =	sor.u32 $0x24A800, s21  }
0x13d: {  	s2 =	simm.s32 $0x5840;
	v0 =	vadd.s32 s21, v0  }
0x13e: {  	[tilespmem:s2+$0xFFFFFFC0] =	vst v0  }
0x13f: {  	v0 =	vld [tilespmem:s19+$0x610];
	_ =	sdelay $0x4  }
0x140: {  	v0 =	vadd.s32 s21, v0  }
0x141: {  	[tilespmem:s2+$0xFFFFFFD0] =	vst v0  }
0x142: {  	v0 =	vld [tilespmem:s19+$0x620];
	_ =	sdelay $0x4  }
0x143: {  	v0 =	vadd.s32 s21, v0  }
0x144: {  	[tilespmem:s2+$0xFFFFFFE0] =	vst v0  }
0x145: {  	v0 =	vld [tilespmem:s19+$0x630];
	_ =	sdelay $0x4  }
0x146: {  	v0 =	vadd.s32 s21, v0  }
0x147: {  	[tilespmem:s2+$0xFFFFFFF0] =	vst v0  }
0x148: {  	v0 =	vld [tilespmem:s19+$0x640];
	_ =	sdelay $0x4  }
0x149: {  	v0 =	vadd.s32 s21, v0  }
0x14a: {  	[tilespmem:s2+$0x0] =	vst v0  }
0x14b: {  	v0 =	vld [tilespmem:s19+$0x650];
	_ =	sdelay $0x4  }
0x14c: {  	v0 =	vadd.s32 s21, v0  }
0x14d: {  	[tilespmem:s2+$0x10] =	vst v0  }
0x14e: {  	v0 =	vld [tilespmem:s19+$0x660];
	_ =	sdelay $0x4  }
0x14f: {  	v0 =	vadd.s32 s21, v0  }
0x150: {  	[tilespmem:s2+$0x20] =	vst v0  }
0x151: {  	v0 =	vld [tilespmem:s19+$0x670];
	_ =	sdelay $0x4  }
0x152: {  	s17 =	simm.s32 $0x80;
	s19 =	simm.s32 $0x10;
	v0 =	vadd.s32 s21, v0  }
.LBB2_8:
0x153: {  	p0 =	sne.s32 s17, $0x7C0;
	s19 =	sand.u32 $0x180, s19;
	[tilespmem:s2+$0x30] =	vst v0  }
0x154: {  	v0 =	vld [tilespmem:s19+$0x600];
	_ =	sdelay $0x1  }
0x155: {  	s15 =	sadd.s32 $0x80, s15  }
0x156: {  	s21 =	sand.u32 $0x380, s15  }
0x157: {  	s21 =	sor.u32 $0x24A800, s21  }
0x158: {  	s2 =	sadd.s32 $0x80, s2;
	v0 =	vadd.s32 s21, v0  }
0x159: {  	[tilespmem:s2+$0xFFFFFFC0] =	vst v0  }
0x15a: {  	v0 =	vld [tilespmem:s19+$0x610];
	_ =	sdelay $0x4  }
0x15b: {  	v0 =	vadd.s32 s21, v0  }
0x15c: {  	[tilespmem:s2+$0xFFFFFFD0] =	vst v0  }
0x15d: {  	v0 =	vld [tilespmem:s19+$0x620];
	_ =	sdelay $0x4  }
0x15e: {  	v0 =	vadd.s32 s21, v0  }
0x15f: {  	[tilespmem:s2+$0xFFFFFFE0] =	vst v0  }
0x160: {  	v0 =	vld [tilespmem:s19+$0x630];
	_ =	sdelay $0x4  }
0x161: {  	v0 =	vadd.s32 s21, v0  }
0x162: {  	[tilespmem:s2+$0xFFFFFFF0] =	vst v0  }
0x163: {  	v0 =	vld [tilespmem:s19+$0x640];
	_ =	sdelay $0x4  }
0x164: {  	v0 =	vadd.s32 s21, v0  }
0x165: {  	[tilespmem:s2+$0x0] =	vst v0  }
0x166: {  	v0 =	vld [tilespmem:s19+$0x650];
	_ =	sdelay $0x4  }
0x167: {  	v0 =	vadd.s32 s21, v0  }
0x168: {  	[tilespmem:s2+$0x10] =	vst v0  }
0x169: {  	v0 =	vld [tilespmem:s19+$0x660];
	_ =	sdelay $0x4  }
0x16a: {  	v0 =	vadd.s32 s21, v0  }
0x16b: {  	[tilespmem:s2+$0x20] =	vst v0  }
0x16c: {  	v0 =	vld [tilespmem:s19+$0x670]  }
.Ltmp3:
0x16d: {  	(pc) =	sbr.rel @p0 .LBB2_8-.Ltmp3, $2  }
0x16e: {  	_ =	sdelay $0x2  }
0x16f: {  	s19 =	sshrl.u32 s17, $0x2;
	s17 =	sadd.s32 $0x40, s17;
	v0 =	vadd.s32 s21, v0  }
0x170: {  	s17 =	sand.u32 $0x180, s19;
	[tilespmem:s2+$0x30] =	vst v0  }
0x171: {  	v0 =	vld [tilespmem:s17+$0x600];
	_ =	sdelay $0x1  }
0x172: {  	s15 =	sadd.s32 $0x80, s15  }
0x173: {  	s15 =	sand.u32 $0x380, s15  }
0x174: {  	s15 =	sor.u32 $0x24A800, s15  }
0x175: {  	s21 =	sadd.s32 $0x80, s2;
	v0 =	vadd.s32 s15, v0  }
0x176: {  	[tilespmem:s21+$0xFFFFFFC0] =	vst v0  }
0x177: {  	v0 =	vld [tilespmem:s17+$0x610];
	_ =	sdelay $0x4  }
0x178: {  	v0 =	vadd.s32 s15, v0  }
0x179: {  	[tilespmem:s21+$0xFFFFFFD0] =	vst v0  }
0x17a: {  	v0 =	vld [tilespmem:s17+$0x620];
	_ =	sdelay $0x4  }
0x17b: {  	v0 =	vadd.s32 s15, v0  }
0x17c: {  	[tilespmem:s21+$0xFFFFFFE0] =	vst v0  }
0x17d: {  	v0 =	vld [tilespmem:s17+$0x630];
	_ =	sdelay $0x4  }
0x17e: {  	v0 =	vadd.s32 s15, v0  }
0x17f: {  	[tilespmem:s21+$0xFFFFFFF0] =	vst v0  }
0x180: {  	v0 =	vld [tilespmem:s17+$0x640];
	_ =	sdelay $0x4  }
0x181: {  	v0 =	vadd.s32 s15, v0  }
0x182: {  	[tilespmem:s21+$0x0] =	vst v0  }
0x183: {  	v0 =	vld [tilespmem:s17+$0x650];
	_ =	sdelay $0x4  }
0x184: {  	v0 =	vadd.s32 s15, v0  }
0x185: {  	[tilespmem:s21+$0x10] =	vst v0  }
0x186: {  	v0 =	vld [tilespmem:s17+$0x660];
	_ =	sdelay $0x4  }
0x187: {  	v0 =	vadd.s32 s15, v0  }
0x188: {  	[tilespmem:s21+$0x20] =	vst v0  }
0x189: {  	v0 =	vld [tilespmem:s17+$0x670];
	_ =	sdelay $0x4  }
0x18a: {  	v0 =	vadd.s32 s15, v0  }
0x18b: {  	[tilespmem:s21+$0x30] =	vst v0  }
0x18c: {  	[tilespmem:s24], [sflag:$0x2] =	stream.indirect.gather [hbm4b:s4+s16], $0x1, s23, s16, $0xb8;
	[tilespmem:$0xC800] =	vst v63  }
0x18d: {  	v0 =	vld [tilespmem:$0x0]  }
0x18e: {  	v1 =	vld [tilespmem:$0x200]  }
0x18f: {  	v2 =	vld [tilespmem:$0x10]  }
0x190: {  	v3 =	vld [tilespmem:$0x210]  }
0x191: {  	v4 =	vld [tilespmem:$0x20]  }
0x192: {  	v5 =	vld [tilespmem:$0x220]  }
0x193: {  	v6 =	vld [tilespmem:$0x30]  }
0x194: {  	v7 =	vld [tilespmem:$0x230]  }
0x195: {  	v8 =	vld [tilespmem:$0x40]  }
0x196: {  	v9 =	vld [tilespmem:$0x240]  }
0x197: {  	v10 =	vld [tilespmem:$0x50]  }
0x198: {  	v11 =	vld [tilespmem:$0x250]  }
0x199: {  	v12 =	vld [tilespmem:$0x60]  }
0x19a: {  	v13 =	vld [tilespmem:$0x260]  }
0x19b: {  	v14 =	vld [tilespmem:$0x70]  }
0x19c: {  	v15 =	vld [tilespmem:$0x270]  }
0x19d: {  	v16 =	vld [tilespmem:$0x80]  }
0x19e: {  	v17 =	vld [tilespmem:$0x280]  }
0x19f: {  	v20 =	vld [tilespmem:$0xA0]  }
0x1a0: {  	v33 =	vld [tilespmem:$0x2A0]  }
0x1a1: {  	v22 =	vld [tilespmem:$0xC0]  }
0x1a2: {  	v42 =	vld [tilespmem:$0xD0]  }
0x1a3: {  	v44 =	vld [tilespmem:$0x2D0]  }
0x1a4: {  	v45 =	vld [tilespmem:$0xE0];
	v0 =	vmul.u32 $0x186A0, v0;
	v2 =	vmul.u32 $0x186A0, v2;
	v4 =	vmul.u32 $0x186A0, v4  }
0x1a5: {  	v54 =	vld [tilespmem:$0x100];
	v31 =	vmul.u32 $0x186A0, v6;
	v32 =	vmul.u32 $0x186A0, v8;
	v10 =	vmul.u32 $0x186A0, v10  }
0x1a6: {  	v26 =	vld [tilespmem:$0x110];
	v40 =	vmul.u32 $0x186A0, v12;
	v41 =	vmul.u32 $0x186A0, v14;
	v16 =	vmul.u32 $0x186A0, v16  }
0x1a7: {  	v63 =	vld [tilespmem:$0x130];
	v50 =	vmul.u32 $0x186A0, v20;
	v59 =	vmul.u32 $0x186A0, v22;
	v14 =	vmul.u32 $0x186A0, v42  }
0x1a8: {  	v0 =	vadd.s32 v1, v0;
	v1 =	vadd.s32 v3, v2;
	v4 =	vadd.s32 v5, v4  }
0x1a9: {  	v5 =	vadd.s32 v7, v31;
	v6 =	vadd.s32 v9, v32;
	v10 =	vadd.s32 v11, v10  }
0x1aa: {  	v24 =	vld [tilespmem:$0x2E0];
	v11 =	vadd.s32 v13, v40;
	v12 =	vadd.s32 v15, v41;
	v16 =	vadd.s32 v17, v16  }
0x1ab: {  	v49 =	vld [tilespmem:$0xF0];
	v8 =	vadd.s32 v33, v50;
	v9 =	vadd.s32 v44, v14;
	v13 =	vmul.u32 $0x186A0, v45  }
0x1ac: {  	v55 =	vld [tilespmem:$0x300];
	v15 =	vmul.u32 $0x186A0, v54;
	v41 =	vmul.u32 $0x186A0, v26;
	v14 =	vmul.u32 $0x186A0, v63  }
0x1ad: {  	v58 =	vld [tilespmem:$0x310];
	v3 =	vshrl.u32 v0, $0x7;
	v18 =	vshrl.u32 v1, $0x7;
	v36 =	vshrl.u32 v5, $0x7  }
0x1ae: {  	v60 =	vld [tilespmem:$0x120];
	v21 =	vshrl.u32 v6, $0x7;
	v43 =	vshrl.u32 v10, $0x7;
	v46 =	vshrl.u32 v11, $0x7  }
0x1af: {  	v28 =	vld [tilespmem:$0x330];
	v23 =	vshrl.u32 v12, $0x7;
	v53 =	vshrl.u32 v16, $0x7;
	v25 =	vshrl.u32 v8, $0x7  }
0x1b0: {  	v29 =	vld [tilespmem:$0x1B0];
	v27 =	vshrl.u32 v9, $0x7;
	v3 =	vmul.u32 $0x380, v3;
	v18 =	vmul.u32 $0x380, v18  }
0x1b1: {  	v37 =	vmul.u32 $0x380, v36;
	v38 =	vmul.u32 $0x380, v21;
	v47 =	vmul.u32 $0x380, v46  }
0x1b2: {  	v34 =	vld [tilespmem:$0xB0];
	v48 =	vmul.u32 $0x380, v23;
	v57 =	vmul.u32 $0x380, v25;
	v33 =	vmul.u32 $0x380, v27  }
0x1b3: {  	v35 =	vld [tilespmem:$0x2B0];
	v13 =	vadd.s32 v24, v13;
	v23 =	vmul.u32 $0x186A0, v49;
	v15 =	vadd.s32 v55, v15  }
0x1b4: {  	v62 =	vld [tilespmem:$0x320];
	v45 =	vadd.s32 v58, v41;
	v46 =	vmul.u32 $0x186A0, v60;
	v14 =	vadd.s32 v28, v14  }
0x1b5: {  	v2 =	vld [tilespmem:$0x90];
	v41 =	vmul.u32 $0x186A0, v29;
	v36 =	vshrl.u32 v13, $0x7;
	v40 =	vshrl.u32 v15, $0x7  }
0x1b6: {  	v39 =	vld [tilespmem:$0x2C0];
	v0 =	vadd.s32 v0, v3;
	v1 =	vadd.s32 v1, v18;
	v3 =	vshrl.u32 v4, $0x7  }
0x1b7: {  	v42 =	vld [tilespmem:$0x160];
	v52 =	vadd.s32 v12, v48;
	v12 =	vmul.u32 $0x380, v53;
	v18 =	vmul.u32 $0x186A0, v34  }
0x1b8: {  	v19 =	vld [tilespmem:$0x290];
	v8 =	vadd.s32 v8, v57;
	v9 =	vadd.s32 v9, v33;
	v48 =	vshrl.u32 v45, $0x7  }
0x1b9: {  	v51 =	vld [tilespmem:$0x2F0];
	v50 =	vadd.s32 v62, v46;
	v53 =	vshrl.u32 v14, $0x7;
	v3 =	vmul.u32 $0x380, v3;
	[tilespmem:$0x410] =	vst v1  }
0x1ba: {  	v44 =	vld [tilespmem:$0x360];
	v2 =	vmul.u32 $0x186A0, v2;
	v1 =	vmul.u32 $0x380, v36;
	[tilespmem:$0x470] =	vst v52;
	v52 =	vshrl.u32 v50, $0x7  }
0x1bb: {  	v31 =	vld [tilespmem:$0x3B0];
	v57 =	vmul.u32 $0x380, v53;
	v12 =	vadd.s32 v16, v12;
	v7 =	vadd.s32 v35, v18  }
0x1bc: {  	v63 =	vld [tilespmem:$0x1A0];
	v18 =	vadd.s32 v39, v59;
	v59 =	vmul.u32 $0x186A0, v42;
	v3 =	vadd.s32 v4, v3  }
0x1bd: {  	v49 =	vld [tilespmem:$0x370];
	v4 =	vadd.s32 v5, v37;
	v5 =	vadd.s32 v6, v38;
	v6 =	vmul.u32 $0x380, v43  }
0x1be: {  	v58 =	vld [tilespmem:$0x190];
	[tilespmem:$0x400] =	vst v0;
	v2 =	vadd.s32 v19, v2;
	v61 =	vshrl.u32 v7, $0x7;
	v21 =	vshrl.u32 v18, $0x7  }
0x1bf: {  	v34 =	vld [tilespmem:$0x140];
	[tilespmem:$0x4A0] =	vst v8;
	v38 =	vadd.s32 v51, v23;
	v1 =	vadd.s32 v13, v1;
	v43 =	vmul.u32 $0x380, v40  }
0x1c0: {  	v33 =	vld [tilespmem:$0x1C0];
	[tilespmem:$0x480] =	vst v12;
	v12 =	vadd.s32 v31, v41;
	v19 =	vshrl.u32 v2, $0x7;
	v16 =	vmul.u32 $0x380, v61  }
0x1c1: {  	v35 =	vld [tilespmem:$0x340];
	v32 =	vmul.u32 $0x380, v21;
	[tilespmem:$0x420] =	vst v3;
	v3 =	vshrl.u32 v38, $0x7;
	v61 =	vadd.s32 v14, v57  }
0x1c2: {  	[tilespmem:$0x4D0] =	vst v9;
	v37 =	vld [tilespmem:$0x150];
	v13 =	vadd.s32 v44, v59;
	v6 =	vadd.s32 v10, v6;
	v10 =	vadd.s32 v11, v47  }
0x1c3: {  	v51 =	vld [tilespmem:$0x180];
	[tilespmem:$0x430] =	vst v4;
	v56 =	vmul.u32 $0x380, v19;
	v3 =	vmul.u32 $0x380, v3;
	v4 =	vadd.s32 v15, v43  }
0x1c4: {  	v39 =	vld [tilespmem:$0x350];
	[tilespmem:$0x440] =	vst v5;
	v54 =	vmul.u32 $0x186A0, v34;
	v28 =	vshrl.u32 v13, $0x7;
	v7 =	vadd.s32 v7, v16  }
0x1c5: {  	v47 =	vld [tilespmem:$0x170];
	v0 =	vadd.s32 v18, v32;
	[tilespmem:$0x450] =	vst v6;
	v6 =	vmul.u32 $0x380, v48;
	v30 =	vmul.u32 $0x380, v28  }
0x1c6: {  	v25 =	vld [tilespmem:$0x3A0];
	[tilespmem:$0x4E0] =	vst v1;
	v2 =	vadd.s32 v2, v56;
	v3 =	vadd.s32 v38, v3;
	v56 =	vmul.u32 $0x380, v52  }
0x1c7: {  	v55 =	vld [tilespmem:$0x380];
	[tilespmem:$0x530] =	vst v61;
	v38 =	vmul.u32 $0x186A0, v63;
	v52 =	vmul.u32 $0x186A0, v33;
	v5 =	vadd.s32 v45, v6  }
0x1c8: {  	v60 =	vld [tilespmem:$0x390];
	[tilespmem:$0x490] =	vst v2;
	v2 =	vadd.s32 v35, v54;
	v18 =	vmul.u32 $0x186A0, v37;
	v32 =	vmul.u32 $0x186A0, v51  }
0x1c9: {  	[tilespmem:$0x460] =	vst v10;
	v34 =	vadd.s32 v13, v30;
	v37 =	vmul.u32 $0x186A0, v58;
	v6 =	vadd.s32 v50, v56  }
0x1ca: {  	[tilespmem:$0x500] =	vst v4;
	v62 =	vshrl.u32 v2, $0x7;
	v23 =	vadd.s32 v39, v18;
	v24 =	vmul.u32 $0x186A0, v47  }
0x1cb: {  	v42 =	vld [tilespmem:$0x3D0];
	[tilespmem:$0x4B0] =	vst v7;
	v44 =	vadd.s32 v25, v38;
	v26 =	vmul.u32 $0x380, v62;
	v27 =	vshrl.u32 v23, $0x7  }
0x1cc: {  	[tilespmem:$0x4F0] =	vst v3;
	v35 =	vld [tilespmem:$0x3C0];
	v36 =	vadd.s32 v55, v32;
	v1 =	vmul.u32 $0x380, v27;
	v14 =	vadd.s32 v49, v24  }
0x1cd: {  	[tilespmem:$0x510] =	vst v5;
	v39 =	vld [tilespmem:$0x1D0];
	v43 =	vadd.s32 v60, v37;
	v46 =	vshrl.u32 v44, $0x7;
	v3 =	vshrl.u32 v14, $0x7  }
0x1ce: {  	v45 =	vld [tilespmem:$0x1E0];
	[tilespmem:$0x520] =	vst v6;
	v40 =	vshrl.u32 v36, $0x7;
	v1 =	vadd.s32 v23, v1;
	v3 =	vmul.u32 $0x380, v3  }
0x1cf: {  	v47 =	vld [tilespmem:$0x1F0];
	v48 =	vmul.u32 $0x380, v46;
	v6 =	vmul.u32 $0x380, v40;
	[tilespmem:$0x550] =	vst v1;
	v1 =	vshrl.u32 v43, $0x7  }
0x1d0: {  	[tilespmem:$0x560] =	vst v34;
	v50 =	vld [tilespmem:$0x3E0];
	v49 =	vshrl.u32 v12, $0x7;
	v3 =	vadd.s32 v14, v3;
	v1 =	vmul.u32 $0x380, v1  }
0x1d1: {  	v53 =	vld [tilespmem:$0x3F0];
	v2 =	vadd.s32 v2, v26;
	v51 =	vmul.u32 $0x380, v49;
	[tilespmem:$0x570] =	vst v3;
	v3 =	vadd.s32 v36, v6  }
0x1d2: {  	v55 =	vadd.s32 v35, v52;
	v54 =	vmul.u32 $0x186A0, v39;
	[tilespmem:$0x580] =	vst v3;
	v1 =	vadd.s32 v43, v1  }
0x1d3: {  	v56 =	vmul.u32 $0x186A0, v45;
	v57 =	vshrl.u32 v55, $0x7;
	v3 =	vadd.s32 v44, v48;
	[tilespmem:$0x590] =	vst v1  }
0x1d4: {  	s17 =	simm.s32 $0x0;
	v58 =	vmul.u32 $0x186A0, v47;
	v1 =	vadd.s32 v12, v51;
	[tilespmem:$0x5A0] =	vst v3;
	v3 =	vadd.s32 v42, v54  }
0x1d5: {  	s19 =	sand.u32 $0x180, s17;
	v59 =	vadd.s32 v50, v56;
	[tilespmem:$0x5B0] =	vst v1;
	v1 =	vmul.u32 $0x380, v57;
	v60 =	vshrl.u32 v3, $0x7  }
0x1d6: {  	[tilespmem:$0x4C0] =	vst v0;
	v61 =	vshrl.u32 v59, $0x7;
	v7 =	vadd.s32 v53, v58;
	v0 =	vmul.u32 $0x380, v60;
	v62 =	vld [tilespmem:s19+$0x400]  }
0x1d7: {  	[tilespmem:$0x540] =	vst v2;
	v2 =	vmul.u32 $0x380, v61;
	v63 =	vshrl.u32 v7, $0x7;
	v1 =	vadd.s32 v55, v1  }
0x1d8: {  	[tilespmem:$0x5C0] =	vst v1;
	v0 =	vadd.s32 v3, v0;
	v1 =	vmul.u32 $0x380, v63  }
0x1d9: {  	s2 =	simm.s32 $0x0;
	[tilespmem:$0x5D0] =	vst v0;
	v0 =	vadd.s32 v59, v2  }
0x1da: {  	s21 =	sand.u32 $0x380, s2;
	[tilespmem:$0x5E0] =	vst v0;
	v0 =	vadd.s32 v7, v1  }
0x1db: {  	s15 =	simm.s32 $0x840;
	[tilespmem:$0x5F0] =	vst v0;
	v0 =	vadd.s32 s21, v62  }
0x1dc: {  	[tilespmem:s15+$0xFFFFFFC0] =	vst v0  }
0x1dd: {  	v0 =	vld [tilespmem:s19+$0x410];
	_ =	sdelay $0x4  }
0x1de: {  	v0 =	vadd.s32 s21, v0  }
0x1df: {  	[tilespmem:s15+$0xFFFFFFD0] =	vst v0  }
0x1e0: {  	v0 =	vld [tilespmem:s19+$0x420];
	_ =	sdelay $0x4  }
0x1e1: {  	v0 =	vadd.s32 s21, v0  }
0x1e2: {  	[tilespmem:s15+$0xFFFFFFE0] =	vst v0  }
0x1e3: {  	v0 =	vld [tilespmem:s19+$0x430];
	_ =	sdelay $0x4  }
0x1e4: {  	v0 =	vadd.s32 s21, v0  }
0x1e5: {  	[tilespmem:s15+$0xFFFFFFF0] =	vst v0  }
0x1e6: {  	v0 =	vld [tilespmem:s19+$0x440];
	_ =	sdelay $0x4  }
0x1e7: {  	v0 =	vadd.s32 s21, v0  }
0x1e8: {  	[tilespmem:s15+$0x0] =	vst v0  }
0x1e9: {  	v0 =	vld [tilespmem:s19+$0x450];
	_ =	sdelay $0x4  }
0x1ea: {  	v0 =	vadd.s32 s21, v0  }
0x1eb: {  	[tilespmem:s15+$0x10] =	vst v0  }
0x1ec: {  	v0 =	vld [tilespmem:s19+$0x460];
	_ =	sdelay $0x4  }
0x1ed: {  	v0 =	vadd.s32 s21, v0  }
0x1ee: {  	[tilespmem:s15+$0x20] =	vst v0  }
0x1ef: {  	v0 =	vld [tilespmem:s19+$0x470];
	_ =	sdelay $0x4  }
0x1f0: {  	s17 =	simm.s32 $0x80;
	s19 =	simm.s32 $0x10;
	v0 =	vadd.s32 s21, v0  }
.LBB2_10:
0x1f1: {  	p0 =	sne.s32 s17, $0x7C0;
	s19 =	sand.u32 $0x180, s19;
	[tilespmem:s15+$0x30] =	vst v0  }
0x1f2: {  	v0 =	vld [tilespmem:s19+$0x400];
	_ =	sdelay $0x2  }
0x1f3: {  	s2 =	sadd.s32 $0x80, s2  }
0x1f4: {  	s21 =	sand.u32 $0x380, s2  }
0x1f5: {  	s15 =	sadd.s32 $0x80, s15;
	v0 =	vadd.s32 s21, v0  }
0x1f6: {  	[tilespmem:s15+$0xFFFFFFC0] =	vst v0  }
0x1f7: {  	v0 =	vld [tilespmem:s19+$0x410];
	_ =	sdelay $0x4  }
0x1f8: {  	v0 =	vadd.s32 s21, v0  }
0x1f9: {  	[tilespmem:s15+$0xFFFFFFD0] =	vst v0  }
0x1fa: {  	v0 =	vld [tilespmem:s19+$0x420];
	_ =	sdelay $0x4  }
0x1fb: {  	v0 =	vadd.s32 s21, v0  }
0x1fc: {  	[tilespmem:s15+$0xFFFFFFE0] =	vst v0  }
0x1fd: {  	v0 =	vld [tilespmem:s19+$0x430];
	_ =	sdelay $0x4  }
0x1fe: {  	v0 =	vadd.s32 s21, v0  }
0x1ff: {  	[tilespmem:s15+$0xFFFFFFF0] =	vst v0  }
0x200: {  	v0 =	vld [tilespmem:s19+$0x440];
	_ =	sdelay $0x4  }
0x201: {  	v0 =	vadd.s32 s21, v0  }
0x202: {  	[tilespmem:s15+$0x0] =	vst v0  }
0x203: {  	v0 =	vld [tilespmem:s19+$0x450];
	_ =	sdelay $0x4  }
0x204: {  	v0 =	vadd.s32 s21, v0  }
0x205: {  	[tilespmem:s15+$0x10] =	vst v0  }
0x206: {  	v0 =	vld [tilespmem:s19+$0x460];
	_ =	sdelay $0x4  }
0x207: {  	v0 =	vadd.s32 s21, v0  }
0x208: {  	[tilespmem:s15+$0x20] =	vst v0  }
0x209: {  	v0 =	vld [tilespmem:s19+$0x470]  }
.Ltmp4:
0x20a: {  	(pc) =	sbr.rel @p0 .LBB2_10-.Ltmp4, $2  }
0x20b: {  	_ =	sdelay $0x2  }
0x20c: {  	s19 =	sshrl.u32 s17, $0x2;
	s17 =	sadd.s32 $0x40, s17;
	v0 =	vadd.s32 s21, v0  }
0x20d: {  	s17 =	sand.u32 $0x180, s19;
	[tilespmem:s15+$0x30] =	vst v0  }
0x20e: {  	v0 =	vld [tilespmem:s17+$0x400];
	_ =	sdelay $0x2  }
0x20f: {  	s2 =	sadd.s32 $0x80, s2  }
0x210: {  	s2 =	sand.u32 $0x380, s2  }
0x211: {  	s21 =	sadd.s32 $0x80, s15;
	v0 =	vadd.s32 s2, v0  }
0x212: {  	[tilespmem:s21+$0xFFFFFFC0] =	vst v0  }
0x213: {  	v0 =	vld [tilespmem:s17+$0x410];
	_ =	sdelay $0x4  }
0x214: {  	v0 =	vadd.s32 s2, v0  }
0x215: {  	[tilespmem:s21+$0xFFFFFFD0] =	vst v0  }
0x216: {  	v0 =	vld [tilespmem:s17+$0x420];
	_ =	sdelay $0x4  }
0x217: {  	v0 =	vadd.s32 s2, v0  }
0x218: {  	[tilespmem:s21+$0xFFFFFFE0] =	vst v0  }
0x219: {  	v0 =	vld [tilespmem:s17+$0x430];
	_ =	sdelay $0x4  }
0x21a: {  	v0 =	vadd.s32 s2, v0  }
0x21b: {  	[tilespmem:s21+$0xFFFFFFF0] =	vst v0  }
0x21c: {  	v0 =	vld [tilespmem:s17+$0x440];
	_ =	sdelay $0x4  }
0x21d: {  	v0 =	vadd.s32 s2, v0  }
0x21e: {  	[tilespmem:s21+$0x0] =	vst v0  }
0x21f: {  	v0 =	vld [tilespmem:s17+$0x450];
	_ =	sdelay $0x4  }
0x220: {  	v0 =	vadd.s32 s2, v0  }
0x221: {  	[tilespmem:s21+$0x10] =	vst v0  }
0x222: {  	v0 =	vld [tilespmem:s17+$0x460];
	_ =	sdelay $0x4  }
0x223: {  	v0 =	vadd.s32 s2, v0  }
0x224: {  	[tilespmem:s21+$0x20] =	vst v0  }
0x225: {  	v0 =	vld [tilespmem:s17+$0x470];
	_ =	sdelay $0x4  }
0x226: {  	s17 =	simm.s32 $0x0;
	v0 =	vadd.s32 s2, v0  }
0x227: {  	s19 =	sand.u32 $0x180, s17;
	[tilespmem:s21+$0x30] =	vst v0  }
0x228: {  	[tilespmem:s26], [sflag:$0x1] =	stream.indirect.gather [hbm4b:s1+s16], $0x1, s25, s16, $0xb8;
	[tilespmem:$0xC800] =	vst v63  }
0x229: {  	v0 =	vld [tilespmem:s19+$0x400];
	_ =	sdelay $0x1  }
0x22a: {  	s15 =	simm.s32 $0x0  }
0x22b: {  	s21 =	sand.u32 $0x380, s15  }
0x22c: {  	s21 =	sor.u32 $0x61A800, s21  }
0x22d: {  	s2 =	simm.s32 $0x1840;
	v0 =	vadd.s32 s21, v0  }
0x22e: {  	[tilespmem:s2+$0xFFFFFFC0] =	vst v0  }
0x22f: {  	v0 =	vld [tilespmem:s19+$0x410];
	_ =	sdelay $0x4  }
0x230: {  	v0 =	vadd.s32 s21, v0  }
0x231: {  	[tilespmem:s2+$0xFFFFFFD0] =	vst v0  }
0x232: {  	v0 =	vld [tilespmem:s19+$0x420];
	_ =	sdelay $0x4  }
0x233: {  	v0 =	vadd.s32 s21, v0  }
0x234: {  	[tilespmem:s2+$0xFFFFFFE0] =	vst v0  }
0x235: {  	v0 =	vld [tilespmem:s19+$0x430];
	_ =	sdelay $0x4  }
0x236: {  	v0 =	vadd.s32 s21, v0  }
0x237: {  	[tilespmem:s2+$0xFFFFFFF0] =	vst v0  }
0x238: {  	v0 =	vld [tilespmem:s19+$0x440];
	_ =	sdelay $0x4  }
0x239: {  	v0 =	vadd.s32 s21, v0  }
0x23a: {  	[tilespmem:s2+$0x0] =	vst v0  }
0x23b: {  	v0 =	vld [tilespmem:s19+$0x450];
	_ =	sdelay $0x4  }
0x23c: {  	v0 =	vadd.s32 s21, v0  }
0x23d: {  	[tilespmem:s2+$0x10] =	vst v0  }
0x23e: {  	v0 =	vld [tilespmem:s19+$0x460];
	_ =	sdelay $0x4  }
0x23f: {  	v0 =	vadd.s32 s21, v0  }
0x240: {  	[tilespmem:s2+$0x20] =	vst v0  }
0x241: {  	v0 =	vld [tilespmem:s19+$0x470];
	_ =	sdelay $0x4  }
0x242: {  	s17 =	simm.s32 $0x80;
	s19 =	simm.s32 $0x10;
	v0 =	vadd.s32 s21, v0  }
.LBB2_12:
0x243: {  	p0 =	sne.s32 s17, $0x7C0;
	s19 =	sand.u32 $0x180, s19;
	[tilespmem:s2+$0x30] =	vst v0  }
0x244: {  	v0 =	vld [tilespmem:s19+$0x400];
	_ =	sdelay $0x1  }
0x245: {  	s15 =	sadd.s32 $0x80, s15  }
0x246: {  	s21 =	sand.u32 $0x380, s15  }
0x247: {  	s21 =	sor.u32 $0x61A800, s21  }
0x248: {  	s2 =	sadd.s32 $0x80, s2;
	v0 =	vadd.s32 s21, v0  }
0x249: {  	[tilespmem:s2+$0xFFFFFFC0] =	vst v0  }
0x24a: {  	v0 =	vld [tilespmem:s19+$0x410];
	_ =	sdelay $0x4  }
0x24b: {  	v0 =	vadd.s32 s21, v0  }
0x24c: {  	[tilespmem:s2+$0xFFFFFFD0] =	vst v0  }
0x24d: {  	v0 =	vld [tilespmem:s19+$0x420];
	_ =	sdelay $0x4  }
0x24e: {  	v0 =	vadd.s32 s21, v0  }
0x24f: {  	[tilespmem:s2+$0xFFFFFFE0] =	vst v0  }
0x250: {  	v0 =	vld [tilespmem:s19+$0x430];
	_ =	sdelay $0x4  }
0x251: {  	v0 =	vadd.s32 s21, v0  }
0x252: {  	[tilespmem:s2+$0xFFFFFFF0] =	vst v0  }
0x253: {  	v0 =	vld [tilespmem:s19+$0x440];
	_ =	sdelay $0x4  }
0x254: {  	v0 =	vadd.s32 s21, v0  }
0x255: {  	[tilespmem:s2+$0x0] =	vst v0  }
0x256: {  	v0 =	vld [tilespmem:s19+$0x450];
	_ =	sdelay $0x4  }
0x257: {  	v0 =	vadd.s32 s21, v0  }
0x258: {  	[tilespmem:s2+$0x10] =	vst v0  }
0x259: {  	v0 =	vld [tilespmem:s19+$0x460];
	_ =	sdelay $0x4  }
0x25a: {  	v0 =	vadd.s32 s21, v0  }
0x25b: {  	[tilespmem:s2+$0x20] =	vst v0  }
0x25c: {  	v0 =	vld [tilespmem:s19+$0x470]  }
.Ltmp5:
0x25d: {  	(pc) =	sbr.rel @p0 .LBB2_12-.Ltmp5, $2  }
0x25e: {  	_ =	sdelay $0x2  }
0x25f: {  	s19 =	sshrl.u32 s17, $0x2;
	s17 =	sadd.s32 $0x40, s17;
	v0 =	vadd.s32 s21, v0  }
0x260: {  	s17 =	sand.u32 $0x180, s19;
	[tilespmem:s2+$0x30] =	vst v0  }
0x261: {  	v0 =	vld [tilespmem:s17+$0x400];
	_ =	sdelay $0x1  }
0x262: {  	s15 =	sadd.s32 $0x80, s15  }
0x263: {  	s15 =	sand.u32 $0x380, s15  }
0x264: {  	s15 =	sor.u32 $0x61A800, s15  }
0x265: {  	s21 =	sadd.s32 $0x80, s2;
	v0 =	vadd.s32 s15, v0  }
0x266: {  	[tilespmem:s21+$0xFFFFFFC0] =	vst v0  }
0x267: {  	v0 =	vld [tilespmem:s17+$0x410];
	_ =	sdelay $0x4  }
0x268: {  	v0 =	vadd.s32 s15, v0  }
0x269: {  	[tilespmem:s21+$0xFFFFFFD0] =	vst v0  }
0x26a: {  	v0 =	vld [tilespmem:s17+$0x420];
	_ =	sdelay $0x4  }
0x26b: {  	v0 =	vadd.s32 s15, v0  }
0x26c: {  	[tilespmem:s21+$0xFFFFFFE0] =	vst v0  }
0x26d: {  	v0 =	vld [tilespmem:s17+$0x430];
	_ =	sdelay $0x4  }
0x26e: {  	v0 =	vadd.s32 s15, v0  }
0x26f: {  	[tilespmem:s21+$0xFFFFFFF0] =	vst v0  }
0x270: {  	v0 =	vld [tilespmem:s17+$0x440];
	_ =	sdelay $0x4  }
0x271: {  	v0 =	vadd.s32 s15, v0  }
0x272: {  	[tilespmem:s21+$0x0] =	vst v0  }
0x273: {  	v0 =	vld [tilespmem:s17+$0x450];
	_ =	sdelay $0x4  }
0x274: {  	v0 =	vadd.s32 s15, v0  }
0x275: {  	[tilespmem:s21+$0x10] =	vst v0  }
0x276: {  	v0 =	vld [tilespmem:s17+$0x460];
	_ =	sdelay $0x4  }
0x277: {  	v0 =	vadd.s32 s15, v0  }
0x278: {  	[tilespmem:s21+$0x20] =	vst v0  }
0x279: {  	v0 =	vld [tilespmem:s17+$0x470];
	_ =	sdelay $0x4  }
0x27a: {  	v0 =	vadd.s32 s15, v0  }
0x27b: {  	[tilespmem:s21+$0x30] =	vst v0  }
0x27c: {  	[tilespmem:s29], [sflag:$0x1] =	stream.indirect.gather [hbm4b:s1+s16], $0x1, s28, s16, $0xb8;
	[tilespmem:$0xC800] =	vst v63  }
0x27d: {  	_ =	swait.ge [sflag:s30], $0x2000  }
0x27e: {  	[sflag:s30] =	ssyncset.done $0x0  }
0x27f: {  	[sflag:s30] =	ssyncadd.s32 $0xFFFFE000  }
0x280: {  	_ =	swait.ge [sflag:s31], $0x4000  }
0x281: {  	[sflag:s31] =	ssyncset.done $0x0  }
0x282: {  	[sflag:s31] =	ssyncadd.s32 $0xFFFFC000  }
0x283: {  	[hbm4b:s7+s3] =	stream.linear.scatter [tilespmem:s26], [sflag:$0x3], $0x1000, $0x38;
	[tilespmem:$0xC800] =	vst v63  }
0x284: {  	_ =	swait.ge [sflag:s14], $0x1000  }
0x285: {  	[sflag:s14] =	ssyncset.done $0x0  }
0x286: {  	[sflag:s14] =	ssyncadd.s32 $0xFFFFF000  }
0x287: {  	[hbm4b:s8+s3] =	stream.linear.scatter [tilespmem:s29], [sflag:$0x3], $0x1000, $0x38;
	[tilespmem:$0xC800] =	vst v63  }
0x288: {  	_ =	swait.ge [sflag:s14], $0x1000  }
0x289: {  	[sflag:s14] =	ssyncset.done $0x0  }
0x28a: {  	[sflag:s14] =	ssyncadd.s32 $0xFFFFF000  }
0x28b: {  	[hbm4b:s9+s3] =	stream.linear.scatter [tilespmem:s18], [sflag:$0x3], $0x1000, $0x38;
	[tilespmem:$0xC800] =	vst v63  }
0x28c: {  	_ =	swait.ge [sflag:s14], $0x1000  }
0x28d: {  	[sflag:s14] =	ssyncset.done $0x0  }
0x28e: {  	[sflag:s14] =	ssyncadd.s32 $0xFFFFF000  }
0x28f: {  	[hbm4b:s10+s3] =	stream.linear.scatter [tilespmem:s20], [sflag:$0x3], $0x1000, $0x38;
	[tilespmem:$0xC800] =	vst v63  }
0x290: {  	_ =	swait.ge [sflag:s14], $0x1000  }
0x291: {  	[sflag:s14] =	ssyncset.done $0x0  }
0x292: {  	[sflag:s14] =	ssyncadd.s32 $0xFFFFF000  }
0x293: {  	[hbm4b:s11+s3] =	stream.linear.scatter [tilespmem:s22], [sflag:$0x3], $0x1000, $0x38;
	[tilespmem:$0xC800] =	vst v63  }
0x294: {  	s0 =	sadd.s32 $0x1, s0;
	_ =	swait.ge [sflag:s14], $0x1000  }
0x295: {  	p0 =	sne.s32 s0, s13;
	[sflag:s14] =	ssyncset.done $0x0  }
.Ltmp6:
0x296: {  	[sflag:s14] =	ssyncadd.s32 $0xFFFFF000;
	(pc) =	sbr.rel @p0 .LBB2_1-.Ltmp6, $4  }
0x297: {  	[hbm4b:s12+s3] =	stream.linear.scatter [tilespmem:s24], [sflag:$0x3], $0x1000, $0x38;
	[tilespmem:$0xC800] =	vst v63  }
0x298: {  	_ =	swait.ge [sflag:s14], $0x1000  }
0x299: {  	[sflag:s14] =	ssyncset.done $0x0  }
0x29a: {  	[sflag:s14] =	ssyncadd.s32 $0xFFFFF000  }
0x29b: {  	_ =	sfence.sel $0x180000  }
0x29c: {  	[bflag:$0x0] =	sbarrier.arrive $0xFFFF  }
0x29d: {  	_ =	strace $0x90000047  }
0x29e: {  	s0 =	stileid.u32;
	[bflag:$0x2] =	sbarrier.arrive $0xFFFF  }
0x29f: {  	p0 =	sne.s32 s0, $0x0;
	s0 =	rddreg [dreg:$0x6]  }
0x2a0: {  	s0 =	sadd.s32 @!p0 $0x100000, s0  }
0x2a1: {  	[sflag:s0] =	ssyncadd.tile.s32 @!p0 $0x1;
	_ =	shalt  }
.Lfunc_end2:
_tile_overlayer_lowered:
.L_overlay_start_2:
0x2a2: {  	(tag) =	ssettag $0x2  }
0x2a3: {  	s0 =	rddreg [dreg:$0x0];
	s2 =	stileid.u32  }
0x2a4: {  	s1 =	rddreg [dreg:$0x1];
	p0 =	sne.s32 s2, $0x0  }
0x2a5: {  	s3 =	rddreg [dreg:$0x2];
	[bflag:$0x3] =	sbarrier.arrive $0xFFFF;
	s2 =	simm.s32 @!p0 $0x1C03  }
0x2a6: {  	[timem:s3], [sflag:s2] =	dma.local @!p0 [hbm:s0], s1  }
0x2a7: {  	s0 =	simm.s32 @!p0 $0x3  }
0x2a8: {  	_ =	swait.ge @!p0 [sflag:s0], s1  }
0x2a9: {  	s1 =	ssub.s32 @!p0 $0x0, s1;
	[sflag:s0] =	ssyncset.done @!p0 $0x0  }
0x2aa: {  	[sflag:s0] =	ssyncadd.s32 @!p0 s1  }
0x2ab: {  	[bflag:$0x3] =	sbarrier.arrive $0xFFFF  }
0x2ac: {  	_ =	shalt  }

</sc_bundles>
